<compile_context>
chip_gen: v7x
topology: tpu7x:2x2x1
jax: 0.10.2.dev20260603
libtpu: 0.0.44.dev20260713+nightly
codegen_flags: <defaults>
</compile_context>

<pallas_src>
import functools

import jax
import jax.numpy as jnp
from jax import lax
from jax.experimental import pallas as pl
from jax.experimental.pallas import tpu as pltpu
from jax.experimental.pallas import tpu_sc as plsc

B = 4096
NG = 18
YEAR_LO, YEAR_HI = 1919, 2000
YSPAN = YEAR_HI - YEAR_LO + 1
D_ITEM = 64


VOCAB = 100000
KIN = 16384
NPAIR = ((VOCAB + KIN - 1) // KIN) * (KIN // 2)


def _tc_transpose(item_table_t):

    def body(in_ref, out_ref):
        g = pl.program_id(0)
        lane = g * KIN + lax.broadcasted_iota(jnp.int32, (D_ITEM, KIN), 1)
        x = jnp.where(lane < VOCAB, in_ref[...], 0.0)
        eye = (lax.broadcasted_iota(jnp.int32, (D_ITEM, D_ITEM), 0)
               == lax.broadcasted_iota(jnp.int32, (D_ITEM, D_ITEM), 1)
               ).astype(jnp.float32)
        t = lax.dot_general(x, eye, (((0,), (0,)), ((), ())),
                            preferred_element_type=jnp.float32)
        for k in range(KIN // 256):
            out_ref[k * 128:(k + 1) * 128, 0:D_ITEM] = t[2 * k * 128:(2 * k + 1) * 128, :]
            out_ref[k * 128:(k + 1) * 128, D_ITEM:] = t[(2 * k + 1) * 128:(2 * k + 2) * 128, :]

    return pl.pallas_call(
        body,
        grid=(NPAIR * 2 // KIN,),
        in_specs=[pl.BlockSpec((D_ITEM, KIN), lambda g: (0, g))],
        out_specs=pl.BlockSpec((KIN // 2, 2 * D_ITEM), lambda g: (g, 0)),
        out_shape=jax.ShapeDtypeStruct((NPAIR, 2 * D_ITEM), jnp.float32),
    )(item_table_t)


def _sc_gather(item_ids, itab2):
    info = plsc.get_sparse_core_info()
    nw = info.num_cores * info.num_subcores
    bpw = B // nw

    mesh = plsc.VectorSubcoreMesh(core_axis_name="c", subcore_axis_name="s")

    @functools.partial(
        pl.kernel,
        mesh=mesh,
        compiler_params=pltpu.CompilerParams(use_tc_tiling_on_sc=True),
        out_type=jax.ShapeDtypeStruct((B, 2 * D_ITEM), jnp.float32),
        scratch_types=[
            pltpu.VMEM((bpw,), jnp.int32),
            pltpu.VMEM((bpw, 2 * D_ITEM), jnp.float32),
            pltpu.SemaphoreType.DMA,
        ],
    )
    def gather_kernel(ids_hbm, itab_hbm, out_hbm, idx_v, staged_v, sem):
        wid = lax.axis_index("s") * info.num_cores + lax.axis_index("c")
        base = wid * bpw
        pltpu.sync_copy(ids_hbm.at[pl.ds(base, bpw)], idx_v)
        for i in range(bpw // 16):
            v = idx_v[pl.ds(i * 16, 16)]
            j = (jax.lax.shift_right_logical(v, 8) * 128
                 + jnp.bitwise_and(v, 127))
            idx_v[pl.ds(i * 16, 16)] = j
        pltpu.async_copy(itab_hbm.at[idx_v], staged_v, sem).wait()
        pltpu.sync_copy(staged_v, out_hbm.at[pl.ds(base, bpw)])

    return gather_kernel(item_ids, itab2)


def _ln(x, g, b):
    m = jnp.mean(x, axis=-1, keepdims=True)
    q = jnp.mean(x * x, axis=-1, keepdims=True)
    v = q - m * m
    return (x - m) * lax.rsqrt(v + 1e-5) * g + b


def _dot(a, b):
    return jnp.dot(a.astype(jnp.bfloat16), b.astype(jnp.bfloat16),
                   preferred_element_type=jnp.float32)


def _dot_t(a, bt):
    return lax.dot_general(a.astype(jnp.bfloat16), bt.astype(jnp.bfloat16),
                           (((1,), (1,)), ((), ())),
                           preferred_element_type=jnp.float32)


def _tc_body(slab_ref, ids_ref, yrs_ref, gv_ref, title_ref,
             ytab_ref,
             wg_ref, bg_ref, wt1_ref, bt1_ref, wt2_ref, bt2_ref,
             wb0_ref, bb0_ref, g0_ref, be0_ref,
             wb1_ref, bb1_ref, g1_ref, be1_ref,
             wb2_ref, bb2_ref, g2_ref, be2_ref,
             wattn_ref, battn_ref,
             r1_ref, rb1_ref, r2_ref, rb2_ref, r3_ref, rb3_ref,
             wagg_ref, bagg_ref, wo_ref, bo_ref, go_ref, beo_ref,
             out_ref):
    m = jnp.bitwise_and(jax.lax.shift_right_logical(ids_ref[...], 7),
                        1).astype(jnp.float32)
    item_emb = slab_ref[:, 0:D_ITEM] * (1.0 - m) + slab_ref[:, D_ITEM:2 * D_ITEM] * m

    yi = jnp.clip(yrs_ref[...] - YEAR_LO, 0, YSPAN - 1)
    onehot = (lax.broadcasted_iota(jnp.int32, (yi.shape[0], YSPAN + 1), 1)
              == yi).astype(jnp.float32)
    year_emb = _dot_t(onehot, ytab_ref[...])

    gvt = gv_ref[...].astype(jnp.float32)
    genre_emb = jax.nn.relu(
        lax.dot_general(gvt, wg_ref[...], (((0,), (0,)), ((), ())),
                        preferred_element_type=jnp.float32) + bg_ref[...])
    eye18 = (lax.broadcasted_iota(jnp.int32, (NG, NG), 0)
             == lax.broadcasted_iota(jnp.int32, (NG, NG), 1)).astype(jnp.float32)
    gvf = lax.dot_general(gvt, eye18, (((0,), (0,)), ((), ())),
                          preferred_element_type=jnp.float32)
    t = jax.nn.relu(_dot_t(title_ref[...], wt1_ref[...]) + bt1_ref[...])
    text_emb = _dot(t, wt2_ref[...]) + bt2_ref[...]

    x = (_dot(item_emb, wb0_ref[0:64, :])
         + _dot(genre_emb, wb0_ref[64:96, :])
         + _dot(year_emb, wb0_ref[96:112, :])
         + _dot(text_emb, wb0_ref[112:208, :])
         + bb0_ref[...])
    x = _ln(jax.nn.relu(x), g0_ref[...], be0_ref[...])
    x = _ln(jax.nn.relu(_dot(x, wb1_ref[...]) + bb1_ref[...]), g1_ref[...], be1_ref[...])
    x = _ln(jax.nn.relu(_dot(x, wb2_ref[...]) + bb2_ref[...]), g2_ref[...], be2_ref[...])

    logits = _dot_t(x, wattn_ref[...]) + battn_ref[...]
    z = logits - jnp.max(logits, axis=-1, keepdims=True)
    e = jnp.exp(z)
    gw = e / jnp.sum(e, axis=-1, keepdims=True)
    w = gw * gvf * (gvf > 0.0).astype(jnp.float32)

    r1cat = jnp.concatenate([r1_ref[g] for g in range(NG)], axis=0)
    rb1cat = jnp.concatenate([rb1_ref[g:g + 1, :] for g in range(NG)], axis=1)
    h1 = jax.nn.relu(_dot_t(x, r1cat) + rb1cat)

    h2s = []
    for g in range(NG):
        h1g = h1[:, g * 64:(g + 1) * 64]
        h2s.append(jax.nn.relu(_dot_t(h1g, r2_ref[g]) + rb2_ref[g:g + 1, :]))
    h2 = jnp.concatenate(h2s, axis=1)
    lane = lax.broadcasted_iota(jnp.int32, (NG, NG * 32), 1)
    row = lax.broadcasted_iota(jnp.int32, (NG, NG * 32), 0)
    expand = (lane // 32 == row).astype(jnp.float32)
    wexp = _dot(w, expand)
    r3cat = jnp.concatenate([r3_ref[g] for g in range(NG)], axis=0)
    refin = _dot(h2 * wexp, r3cat) + _dot(w, rb3_ref[...])

    refined = jax.nn.relu(_dot(x, wagg_ref[0:128, :]) + _dot(refin, wagg_ref[128:160, :])
                          + bagg_ref[...])
    out = _ln(jax.nn.relu(_dot(refined, wo_ref[...]) + bo_ref[...]),
              go_ref[...], beo_ref[...])
    out_ref[...] = out


def _tc_specs(bt):
    def data(d):
        return pl.BlockSpec((bt, d), lambda i: (i, 0))

    def w1(n):
        return pl.BlockSpec((n,), lambda i: (0,))

    def w2(s):
        return pl.BlockSpec(s, lambda i: (0, 0))

    def w3(s):
        return pl.BlockSpec(s, lambda i: (0, 0, 0))

    in_specs = [
        pl.BlockSpec((bt, 2 * D_ITEM), lambda i: (i, 0)),
        data(1), data(1),
        pl.BlockSpec((NG, bt), lambda i: (0, i)),
        data(384),
        w2((16, YSPAN + 1)),
        w2((NG, 32)), w1(32),
        w2((192, 384)), w1(192),
        w2((192, 96)), w1(96),
        w2((208, 384)), w1(384), w1(384), w1(384),
        w2((384, 256)), w1(256), w1(256), w1(256),
        w2((256, 128)), w1(128), w1(128), w1(128),
        w2((NG, 128)), w1(NG),
        w3((NG, 64, 128)), w2((NG, 64)),
        w3((NG, 32, 64)), w2((NG, 32)),
        w3((NG, 32, 32)), w2((NG, 32)),
        w2((160, 128)), w1(128),
        w2((128, 128)), w1(128), w1(128), w1(128),
    ]
    out_spec = pl.BlockSpec((bt, 128), lambda i: (i, 0))
    return in_specs, out_spec


def _tc_args(slabs, item_ids, release_years, genre_vectors, title_embeddings, p):
    return (
        slabs, item_ids.reshape(B, 1), release_years.reshape(B, 1),
        genre_vectors.T, title_embeddings,
        p['year_table'].T,
        p['Wg'], p['bg'], p['Wt1'].T, p['bt1'], p['Wt2'], p['bt2'],
        p['Wb0'], p['bb0'], p['g0'], p['be0'],
        p['Wb1'], p['bb1'], p['g1'], p['be1'],
        p['Wb2'], p['bb2'], p['g2'], p['be2'],
        p['Wattn'].T, p['battn'],
        jnp.swapaxes(p['R1'], 1, 2), p['Rb1'],
        jnp.swapaxes(p['R2'], 1, 2), p['Rb2'], p['R3'], p['Rb3'],
        p['Wagg'], p['bagg'],
        p['Wo'], p['bo'], p['go'], p['beo'],
    )


def _tc_forward(slabs, item_ids, release_years, genre_vectors,
                title_embeddings, p, bt=2048):
    in_specs, out_spec = _tc_specs(bt)
    return pl.pallas_call(
        _tc_body,
        grid=(B // bt,),
        in_specs=in_specs,
        out_specs=out_spec,
        out_shape=jax.ShapeDtypeStruct((B, 128), jnp.float32),
    )(*_tc_args(slabs, item_ids, release_years, genre_vectors,
                title_embeddings, p))


def kernel(item_ids, genre_vectors, release_years, title_embeddings, params):
    itab2 = _tc_transpose(params['item_table'].T)
    slabs = _sc_gather(item_ids, itab2)
    return _tc_forward(slabs, item_ids, release_years, genre_vectors,
                       title_embeddings, params)

# --- scband reference (transcript-rebuilt; emitter-appended) ---
"""Pipeline reference for scband-item-tower-36223754175138 (READ-ONLY COPY).

The authoritative reference and input builder live on the scoring server;
editing this copy changes nothing except your own understanding.
"""

import jax, jax.numpy as jnp
import numpy as np

B = 4096
VOCAB = 100000
NG = 18
YEAR_LO, YEAR_HI = 1919, 2000


def _ln(x, g, b):
    m = jnp.mean(x, axis=-1, keepdims=True)
    v = jnp.var(x, axis=-1, keepdims=True)
    return (x - m) / jnp.sqrt(v + 1e-5) * g + b


def setup_inputs(seed: int = 0) -> dict:
    key = jax.random.key(seed)
    ks = [jax.random.fold_in(key, i) for i in range(64)]
    item_ids = jax.random.randint(ks[0], (B,), 0, VOCAB)
    genre_vectors = jax.random.randint(ks[1], (B, NG), 0, 2)
    release_years = jax.random.randint(ks[2], (B,), 0, 2001)
    title_embeddings = jax.random.normal(ks[3], (B, 384), dtype=jnp.float32)

    def xn(k, shape, fan_in):
        return jax.random.normal(k, shape, dtype=jnp.float32) * (1.0 / np.sqrt(fan_in))

    year_span = YEAR_HI - YEAR_LO + 1
    params = {
        'item_table': 0.1 * jax.random.normal(ks[4], (VOCAB, 64), dtype=jnp.float32),
        'Wg': xn(ks[5], (18, 32), 18), 'bg': jnp.zeros((32,), jnp.float32),
        'year_table': 0.1 * jax.random.normal(ks[6], (year_span + 1, 16), dtype=jnp.float32),
        'Wt1': xn(ks[7], (384, 192), 384), 'bt1': jnp.zeros((192,), jnp.float32),
        'Wt2': xn(ks[8], (192, 96), 192), 'bt2': jnp.zeros((96,), jnp.float32),
        'Wb0': xn(ks[9], (208, 384), 208), 'bb0': jnp.zeros((384,), jnp.float32),
        'g0': jnp.ones((384,), jnp.float32), 'be0': jnp.zeros((384,), jnp.float32),
        'Wb1': xn(ks[10], (384, 256), 384), 'bb1': jnp.zeros((256,), jnp.float32),
        'g1': jnp.ones((256,), jnp.float32), 'be1': jnp.zeros((256,), jnp.float32),
        'Wb2': xn(ks[11], (256, 128), 256), 'bb2': jnp.zeros((128,), jnp.float32),
        'g2': jnp.ones((128,), jnp.float32), 'be2': jnp.zeros((128,), jnp.float32),
        'R1': xn(ks[12], (NG, 128, 64), 128), 'Rb1': jnp.zeros((NG, 64), jnp.float32),
        'R2': xn(ks[13], (NG, 64, 32), 64), 'Rb2': jnp.zeros((NG, 32), jnp.float32),
        'R3': xn(ks[14], (NG, 32, 32), 32), 'Rb3': jnp.zeros((NG, 32), jnp.float32),
        'Wattn': xn(ks[15], (128, 18), 128), 'battn': jnp.zeros((18,), jnp.float32),
        'Wagg': xn(ks[16], (160, 128), 160), 'bagg': jnp.zeros((128,), jnp.float32),
        'Wo': xn(ks[17], (128, 128), 128), 'bo': jnp.zeros((128,), jnp.float32),
        'go': jnp.ones((128,), jnp.float32), 'beo': jnp.zeros((128,), jnp.float32),
    }
    return {'item_ids': item_ids, 'genre_vectors': genre_vectors,
            'release_years': release_years, 'title_embeddings': title_embeddings,
            'params': params}


def _forward(item_ids, genre_vectors, release_years, title_embeddings, p):
    gv = genre_vectors.astype(jnp.float32)
    # feature encoder (dropout = identity in eval)
    item_emb = jnp.take(p['item_table'], item_ids, axis=0)
    genre_emb = jax.nn.relu(gv @ p['Wg'] + p['bg'])
    yi = jnp.clip(release_years - YEAR_LO, 0, YEAR_HI - YEAR_LO)
    year_emb = jnp.take(p['year_table'], yi, axis=0)
    t = jax.nn.relu(title_embeddings @ p['Wt1'] + p['bt1'])
    text_emb = t @ p['Wt2'] + p['bt2']
    x = jnp.concatenate([item_emb, genre_emb, year_emb, text_emb], axis=-1)  # [B,208]
    # base encoder: Linear -> ReLU -> LayerNorm x3
    x = _ln(jax.nn.relu(x @ p['Wb0'] + p['bb0']), p['g0'], p['be0'])
    x = _ln(jax.nn.relu(x @ p['Wb1'] + p['bb1']), p['g1'], p['be1'])
    x = _ln(jax.nn.relu(x @ p['Wb2'] + p['bb2']), p['g2'], p['be2'])  # [B,128]
    # genre-aware refinement: 18 expert MLPs, multi-hot dispatch
    gw = jax.nn.softmax(x @ p['Wattn'] + p['battn'], axis=-1)  # [B,18]
    h1 = jax.nn.relu(jnp.einsum('bd,gdh->gbh', x, p['R1']) + p['Rb1'][:, None, :])
    h2 = jax.nn.relu(jnp.einsum('gbh,gho->gbo', h1, p['R2']) + p['Rb2'][:, None, :])
    h3 = jnp.einsum('gbo,gop->gbp', h2, p['R3']) + p['Rb3'][:, None, :]  # [18,B,32]
    mask = (gv > 0).astype(jnp.float32)  # [B,18]
    # weighted = refined * attention_weight * genre_membership, only where mask
    w = (gw * gv * mask).T  # [18,B]
    refinements = jnp.sum(h3 * w[:, :, None], axis=0)  # [B,32]
    combined = jnp.concatenate([x, refinements], axis=-1)  # [B,160]
    refined = jax.nn.relu(combined @ p['Wagg'] + p['bagg'])  # [B,128]
    # output projection
    out = _ln(jax.nn.relu(refined @ p['Wo'] + p['bo']), p['go'], p['beo'])
    return out


def reference(item_ids, genre_vectors, release_years, title_embeddings, params):
    return _forward(item_ids, genre_vectors, release_years, title_embeddings, params)

if __name__ == "__main__":
    import jax
    _d = setup_inputs()
    print(jax.jit(kernel)(*tuple(_d.values())))

</pallas_src>

<mosaic_0001>
#map = affine_map<(d0, d1) -> (0)>
#map1 = affine_map<(d0, d1) -> (0, 0)>
module attributes {stable_mosaic.version = 14 : i64} {
  func.func @gather_kernel(%arg0: i32, %arg1: i32, %arg2: memref<4096xi32, #tpu.memory_space<hbm>>, %arg3: memref<57344x128xf32, #tpu.memory_space<hbm>>, %arg4: memref<4096x128xf32, #tpu.memory_space<hbm>>, %arg5: memref<128xi32, #tpu.memory_space<vmem>>, %arg6: memref<128x128xf32, #tpu.memory_space<vmem>>, %arg7: memref<!tpu.dma_semaphore, #tpu.memory_space<semaphore_mem>>) attributes {dimension_semantics = [#tpu.dimension_semantics<core_parallel>, #tpu.dimension_semantics<subcore_parallel>], iteration_bounds = array<i64: 2, 16>, scalar_prefetch = 0 : i64, scratch_operands = 3 : i64, tpu.core_type = #tpu.core_type<sc_vector_subcore>, window_params = [{transform_indices = #map}, {transform_indices = #map1}, {transform_indices = #map1}]} {
    %mul3A = arith.constant 2 : i32
    %mul3A_0 = arith.muli %arg1, %mul3A : i32
    %add3A = arith.addi %mul3A_0, %arg0 : i32
    %mul3A_1 = arith.constant 128 : i32
    %mul3A_2 = arith.muli %add3A, %mul3A_1 : i32
    "tpu.region"() ({
      %run_scoped3A = tpu.sem_alloc : memref<!tpu.dma_semaphore, #tpu.memory_space<semaphore_mem>>
      %dma_start3A_139 = tpu.memref_slice %arg2[%mul3A_2] : memref<4096xi32, #tpu.memory_space<hbm>> -> memref<128xi32, #tpu.memory_space<hbm>>
      %dma_start3A_140 = tpu.memref_slice %arg2[%mul3A_2] : memref<4096xi32, #tpu.memory_space<hbm>> -> memref<128xi32, #tpu.memory_space<hbm>>
      tpu.enqueue_dma source(%dma_start3A_140 : memref<128xi32, #tpu.memory_space<hbm>>) target(%arg5 : memref<128xi32, #tpu.memory_space<vmem>>) target_semaphore(%run_scoped3A : memref<!tpu.dma_semaphore, #tpu.memory_space<semaphore_mem>>)
      %dma_wait3A_141 = tpu.memref_slice %arg2[%mul3A_2] : memref<4096xi32, #tpu.memory_space<hbm>> -> memref<128xi32, #tpu.memory_space<hbm>>
      %dma_wait3A_142 = tpu.memref_slice %arg2[%mul3A_2] : memref<4096xi32, #tpu.memory_space<hbm>> -> memref<128xi32, #tpu.memory_space<hbm>>
      tpu.wait_dma2 semaphore(%run_scoped3A : memref<!tpu.dma_semaphore, #tpu.memory_space<semaphore_mem>>) src(%dma_wait3A_142 : memref<128xi32, #tpu.memory_space<hbm>>) dst(%arg5 : memref<128xi32, #tpu.memory_space<vmem>>)
      tpu.yield
    }) : () -> ()
    %get3A = arith.constant 0 : index
    %get3A_3 = tpu.vector_load %arg5[%get3A] {strides = array<i32>} : memref<128xi32, #tpu.memory_space<vmem>>, vector<16xi32>,
    %get3A_4 = vector.shape_cast %get3A_3 : vector<16xi32> to vector<16xi32>
    %shift_right_logical3A = arith.constant 8 : i32
    %shift_right_logical3A_5 = vector.broadcast %shift_right_logical3A : i32 to vector<16xi32>
    %shift_right_logical3A_6 = arith.shrui %get3A_4, %shift_right_logical3A_5 : vector<16xi32>
    %mul3A_7 = arith.constant 128 : i32
    %mul3A_8 = vector.broadcast %mul3A_7 : i32 to vector<16xi32>
    %mul3A_9 = arith.muli %shift_right_logical3A_6, %mul3A_8 : vector<16xi32>
    %and3A = arith.constant 127 : i32
    %and3A_10 = vector.broadcast %and3A : i32 to vector<16xi32>
    %and3A_11 = arith.andi %get3A_4, %and3A_10 : vector<16xi32>
    %add3A_12 = arith.addi %mul3A_9, %and3A_11 : vector<16xi32>
    %swap3A = arith.constant 0 : index
    %swap3A_13 = tpu.vector_load %arg5[%swap3A] {strides = array<i32>} : memref<128xi32, #tpu.memory_space<vmem>>, vector<16xi32>,
    %swap3A_14 = vector.shape_cast %swap3A_13 : vector<16xi32> to vector<16xi32>
    %swap3A_15 = vector.shape_cast %add3A_12 : vector<16xi32> to vector<16xi32>
    tpu.vector_store %arg5[%swap3A], %swap3A_15 {strides = array<i32>} : memref<128xi32, #tpu.memory_space<vmem>>, vector<16xi32>,
    %get3A_16 = arith.constant 16 : index
    %get3A_17 = tpu.vector_load %arg5[%get3A_16] {strides = array<i32>} : memref<128xi32, #tpu.memory_space<vmem>>, vector<16xi32>,
    %get3A_18 = vector.shape_cast %get3A_17 : vector<16xi32> to vector<16xi32>
    %shift_right_logical3A_19 = arith.constant 8 : i32
    %shift_right_logical3A_20 = vector.broadcast %shift_right_logical3A_19 : i32 to vector<16xi32>
    %shift_right_logical3A_21 = arith.shrui %get3A_18, %shift_right_logical3A_20 : vector<16xi32>
    %mul3A_22 = arith.constant 128 : i32
    %mul3A_23 = vector.broadcast %mul3A_22 : i32 to vector<16xi32>
    %mul3A_24 = arith.muli %shift_right_logical3A_21, %mul3A_23 : vector<16xi32>
    %and3A_25 = arith.constant 127 : i32
    %and3A_26 = vector.broadcast %and3A_25 : i32 to vector<16xi32>
    %and3A_27 = arith.andi %get3A_18, %and3A_26 : vector<16xi32>
    %add3A_28 = arith.addi %mul3A_24, %and3A_27 : vector<16xi32>
    %swap3A_29 = arith.constant 16 : index
    %swap3A_30 = tpu.vector_load %arg5[%swap3A_29] {strides = array<i32>} : memref<128xi32, #tpu.memory_space<vmem>>, vector<16xi32>,
    %swap3A_31 = vector.shape_cast %swap3A_30 : vector<16xi32> to vector<16xi32>
    %swap3A_32 = vector.shape_cast %add3A_28 : vector<16xi32> to vector<16xi32>
    tpu.vector_store %arg5[%swap3A_29], %swap3A_32 {strides = array<i32>} : memref<128xi32, #tpu.memory_space<vmem>>, vector<16xi32>,
    %get3A_33 = arith.constant 32 : index
    %get3A_34 = tpu.vector_load %arg5[%get3A_33] {strides = array<i32>} : memref<128xi32, #tpu.memory_space<vmem>>, vector<16xi32>,
    %get3A_35 = vector.shape_cast %get3A_34 : vector<16xi32> to vector<16xi32>
    %shift_right_logical3A_36 = arith.constant 8 : i32
    %shift_right_logical3A_37 = vector.broadcast %shift_right_logical3A_36 : i32 to vector<16xi32>
    %shift_right_logical3A_38 = arith.shrui %get3A_35, %shift_right_logical3A_37 : vector<16xi32>
    %mul3A_39 = arith.constant 128 : i32
    %mul3A_40 = vector.broadcast %mul3A_39 : i32 to vector<16xi32>
    %mul3A_41 = arith.muli %shift_right_logical3A_38, %mul3A_40 : vector<16xi32>
    %and3A_42 = arith.constant 127 : i32
    %and3A_43 = vector.broadcast %and3A_42 : i32 to vector<16xi32>
    %and3A_44 = arith.andi %get3A_35, %and3A_43 : vector<16xi32>
    %add3A_45 = arith.addi %mul3A_41, %and3A_44 : vector<16xi32>
    %swap3A_46 = arith.constant 32 : index
    %swap3A_47 = tpu.vector_load %arg5[%swap3A_46] {strides = array<i32>} : memref<128xi32, #tpu.memory_space<vmem>>, vector<16xi32>,
    %swap3A_48 = vector.shape_cast %swap3A_47 : vector<16xi32> to vector<16xi32>
    %swap3A_49 = vector.shape_cast %add3A_45 : vector<16xi32> to vector<16xi32>
    tpu.vector_store %arg5[%swap3A_46], %swap3A_49 {strides = array<i32>} : memref<128xi32, #tpu.memory_space<vmem>>, vector<16xi32>,
    %get3A_50 = arith.constant 48 : index
    %get3A_51 = tpu.vector_load %arg5[%get3A_50] {strides = array<i32>} : memref<128xi32, #tpu.memory_space<vmem>>, vector<16xi32>,
    %get3A_52 = vector.shape_cast %get3A_51 : vector<16xi32> to vector<16xi32>
    %shift_right_logical3A_53 = arith.constant 8 : i32
    %shift_right_logical3A_54 = vector.broadcast %shift_right_logical3A_53 : i32 to vector<16xi32>
    %shift_right_logical3A_55 = arith.shrui %get3A_52, %shift_right_logical3A_54 : vector<16xi32>
    %mul3A_56 = arith.constant 128 : i32
    %mul3A_57 = vector.broadcast %mul3A_56 : i32 to vector<16xi32>
    %mul3A_58 = arith.muli %shift_right_logical3A_55, %mul3A_57 : vector<16xi32>
    %and3A_59 = arith.constant 127 : i32
    %and3A_60 = vector.broadcast %and3A_59 : i32 to vector<16xi32>
    %and3A_61 = arith.andi %get3A_52, %and3A_60 : vector<16xi32>
    %add3A_62 = arith.addi %mul3A_58, %and3A_61 : vector<16xi32>
    %swap3A_63 = arith.constant 48 : index
    %swap3A_64 = tpu.vector_load %arg5[%swap3A_63] {strides = array<i32>} : memref<128xi32, #tpu.memory_space<vmem>>, vector<16xi32>,
    %swap3A_65 = vector.shape_cast %swap3A_64 : vector<16xi32> to vector<16xi32>
    %swap3A_66 = vector.shape_cast %add3A_62 : vector<16xi32> to vector<16xi32>
    tpu.vector_store %arg5[%swap3A_63], %swap3A_66 {strides = array<i32>} : memref<128xi32, #tpu.memory_space<vmem>>, vector<16xi32>,
    %get3A_67 = arith.constant 64 : index
    %get3A_68 = tpu.vector_load %arg5[%get3A_67] {strides = array<i32>} : memref<128xi32, #tpu.memory_space<vmem>>, vector<16xi32>,
    %get3A_69 = vector.shape_cast %get3A_68 : vector<16xi32> to vector<16xi32>
    %shift_right_logical3A_70 = arith.constant 8 : i32
    %shift_right_logical3A_71 = vector.broadcast %shift_right_logical3A_70 : i32 to vector<16xi32>
    %shift_right_logical3A_72 = arith.shrui %get3A_69, %shift_right_logical3A_71 : vector<16xi32>
    %mul3A_73 = arith.constant 128 : i32
    %mul3A_74 = vector.broadcast %mul3A_73 : i32 to vector<16xi32>
    %mul3A_75 = arith.muli %shift_right_logical3A_72, %mul3A_74 : vector<16xi32>
    %and3A_76 = arith.constant 127 : i32
    %and3A_77 = vector.broadcast %and3A_76 : i32 to vector<16xi32>
    %and3A_78 = arith.andi %get3A_69, %and3A_77 : vector<16xi32>
    %add3A_79 = arith.addi %mul3A_75, %and3A_78 : vector<16xi32>
    %swap3A_80 = arith.constant 64 : index
    %swap3A_81 = tpu.vector_load %arg5[%swap3A_80] {strides = array<i32>} : memref<128xi32, #tpu.memory_space<vmem>>, vector<16xi32>,
    %swap3A_82 = vector.shape_cast %swap3A_81 : vector<16xi32> to vector<16xi32>
    %swap3A_83 = vector.shape_cast %add3A_79 : vector<16xi32> to vector<16xi32>
    tpu.vector_store %arg5[%swap3A_80], %swap3A_83 {strides = array<i32>} : memref<128xi32, #tpu.memory_space<vmem>>, vector<16xi32>,
    %get3A_84 = arith.constant 80 : index
    %get3A_85 = tpu.vector_load %arg5[%get3A_84] {strides = array<i32>} : memref<128xi32, #tpu.memory_space<vmem>>, vector<16xi32>,
    %get3A_86 = vector.shape_cast %get3A_85 : vector<16xi32> to vector<16xi32>
    %shift_right_logical3A_87 = arith.constant 8 : i32
    %shift_right_logical3A_88 = vector.broadcast %shift_right_logical3A_87 : i32 to vector<16xi32>
    %shift_right_logical3A_89 = arith.shrui %get3A_86, %shift_right_logical3A_88 : vector<16xi32>
    %mul3A_90 = arith.constant 128 : i32
    %mul3A_91 = vector.broadcast %mul3A_90 : i32 to vector<16xi32>
    %mul3A_92 = arith.muli %shift_right_logical3A_89, %mul3A_91 : vector<16xi32>
    %and3A_93 = arith.constant 127 : i32
    %and3A_94 = vector.broadcast %and3A_93 : i32 to vector<16xi32>
    %and3A_95 = arith.andi %get3A_86, %and3A_94 : vector<16xi32>
    %add3A_96 = arith.addi %mul3A_92, %and3A_95 : vector<16xi32>
    %swap3A_97 = arith.constant 80 : index
    %swap3A_98 = tpu.vector_load %arg5[%swap3A_97] {strides = array<i32>} : memref<128xi32, #tpu.memory_space<vmem>>, vector<16xi32>,
    %swap3A_99 = vector.shape_cast %swap3A_98 : vector<16xi32> to vector<16xi32>
    %swap3A_100 = vector.shape_cast %add3A_96 : vector<16xi32> to vector<16xi32>
    tpu.vector_store %arg5[%swap3A_97], %swap3A_100 {strides = array<i32>} : memref<128xi32, #tpu.memory_space<vmem>>, vector<16xi32>,
    %get3A_101 = arith.constant 96 : index
    %get3A_102 = tpu.vector_load %arg5[%get3A_101] {strides = array<i32>} : memref<128xi32, #tpu.memory_space<vmem>>, vector<16xi32>,
    %get3A_103 = vector.shape_cast %get3A_102 : vector<16xi32> to vector<16xi32>
    %shift_right_logical3A_104 = arith.constant 8 : i32
    %shift_right_logical3A_105 = vector.broadcast %shift_right_logical3A_104 : i32 to vector<16xi32>
    %shift_right_logical3A_106 = arith.shrui %get3A_103, %shift_right_logical3A_105 : vector<16xi32>
    %mul3A_107 = arith.constant 128 : i32
    %mul3A_108 = vector.broadcast %mul3A_107 : i32 to vector<16xi32>
    %mul3A_109 = arith.muli %shift_right_logical3A_106, %mul3A_108 : vector<16xi32>
    %and3A_110 = arith.constant 127 : i32
    %and3A_111 = vector.broadcast %and3A_110 : i32 to vector<16xi32>
    %and3A_112 = arith.andi %get3A_103, %and3A_111 : vector<16xi32>
    %add3A_113 = arith.addi %mul3A_109, %and3A_112 : vector<16xi32>
    %swap3A_114 = arith.constant 96 : index
    %swap3A_115 = tpu.vector_load %arg5[%swap3A_114] {strides = array<i32>} : memref<128xi32, #tpu.memory_space<vmem>>, vector<16xi32>,
    %swap3A_116 = vector.shape_cast %swap3A_115 : vector<16xi32> to vector<16xi32>
    %swap3A_117 = vector.shape_cast %add3A_113 : vector<16xi32> to vector<16xi32>
    tpu.vector_store %arg5[%swap3A_114], %swap3A_117 {strides = array<i32>} : memref<128xi32, #tpu.memory_space<vmem>>, vector<16xi32>,
    %get3A_118 = arith.constant 112 : index
    %get3A_119 = tpu.vector_load %arg5[%get3A_118] {strides = array<i32>} : memref<128xi32, #tpu.memory_space<vmem>>, vector<16xi32>,
    %get3A_120 = vector.shape_cast %get3A_119 : vector<16xi32> to vector<16xi32>
    %shift_right_logical3A_121 = arith.constant 8 : i32
    %shift_right_logical3A_122 = vector.broadcast %shift_right_logical3A_121 : i32 to vector<16xi32>
    %shift_right_logical3A_123 = arith.shrui %get3A_120, %shift_right_logical3A_122 : vector<16xi32>
    %mul3A_124 = arith.constant 128 : i32
    %mul3A_125 = vector.broadcast %mul3A_124 : i32 to vector<16xi32>
    %mul3A_126 = arith.muli %shift_right_logical3A_123, %mul3A_125 : vector<16xi32>
    %and3A_127 = arith.constant 127 : i32
    %and3A_128 = vector.broadcast %and3A_127 : i32 to vector<16xi32>
    %and3A_129 = arith.andi %get3A_120, %and3A_128 : vector<16xi32>
    %add3A_130 = arith.addi %mul3A_126, %and3A_129 : vector<16xi32>
    %swap3A_131 = arith.constant 112 : index
    %swap3A_132 = tpu.vector_load %arg5[%swap3A_131] {strides = array<i32>} : memref<128xi32, #tpu.memory_space<vmem>>, vector<16xi32>,
    %swap3A_133 = vector.shape_cast %swap3A_132 : vector<16xi32> to vector<16xi32>
    %swap3A_134 = vector.shape_cast %add3A_130 : vector<16xi32> to vector<16xi32>
    tpu.vector_store %arg5[%swap3A_131], %swap3A_134 {strides = array<i32>} : memref<128xi32, #tpu.memory_space<vmem>>, vector<16xi32>,
    %dma_start3A = arith.constant 0 : i32
    %dma_start3A_135 = arith.constant 0 : i32
    %dma_start3A_136 = tpu.memref_slice %arg3[%dma_start3A, %dma_start3A_135] : memref<57344x128xf32, #tpu.memory_space<hbm>> -> memref<57344x128xf32, #tpu.memory_space<hbm>>
    tpu.enqueue_indirect_dma source(%dma_start3A_136 : memref<57344x128xf32, #tpu.memory_space<hbm>>) target(%arg6 : memref<128x128xf32, #tpu.memory_space<vmem>>) offsets(%arg5 : memref<128xi32, #tpu.memory_space<vmem>>) semaphore(%arg7 : memref<!tpu.dma_semaphore, #tpu.memory_space<semaphore_mem>>)
    %dma_wait3A = arith.constant 0 : i32
    %dma_wait3A_137 = arith.constant 0 : i32
    %dma_wait3A_138 = tpu.memref_slice %arg3[%dma_wait3A, %dma_wait3A_137] : memref<57344x128xf32, #tpu.memory_space<hbm>> -> memref<57344x128xf32, #tpu.memory_space<hbm>>
    tpu.wait_indirect_dma semaphore(%arg7 : memref<!tpu.dma_semaphore, #tpu.memory_space<semaphore_mem>>) src(%dma_wait3A_138 : memref<57344x128xf32, #tpu.memory_space<hbm>>) dst(%arg6 : memref<128x128xf32, #tpu.memory_space<vmem>>)
    "tpu.region"() ({
      %run_scoped3A = tpu.sem_alloc : memref<!tpu.dma_semaphore, #tpu.memory_space<semaphore_mem>>
      %dma_start3A_139 = arith.constant 0 : i32
      %dma_start3A_140 = tpu.memref_slice %arg4[%mul3A_2, %dma_start3A_139] : memref<4096x128xf32, #tpu.memory_space<hbm>> -> memref<128x128xf32, #tpu.memory_space<hbm>>
      %dma_start3A_141 = arith.constant 0 : i32
      %dma_start3A_142 = tpu.memref_slice %arg4[%mul3A_2, %dma_start3A_141] : memref<4096x128xf32, #tpu.memory_space<hbm>> -> memref<128x128xf32, #tpu.memory_space<hbm>>
      tpu.enqueue_dma source(%arg6 : memref<128x128xf32, #tpu.memory_space<vmem>>) target(%dma_start3A_142 : memref<128x128xf32, #tpu.memory_space<hbm>>) target_semaphore(%run_scoped3A : memref<!tpu.dma_semaphore, #tpu.memory_space<semaphore_mem>>)
      %dma_wait3A_143 = arith.constant 0 : i32
      %dma_wait3A_144 = tpu.memref_slice %arg4[%mul3A_2, %dma_wait3A_143] : memref<4096x128xf32, #tpu.memory_space<hbm>> -> memref<128x128xf32, #tpu.memory_space<hbm>>
      %dma_wait3A_145 = arith.constant 0 : i32
      %dma_wait3A_146 = tpu.memref_slice %arg4[%mul3A_2, %dma_wait3A_145] : memref<4096x128xf32, #tpu.memory_space<hbm>> -> memref<128x128xf32, #tpu.memory_space<hbm>>
      tpu.wait_dma2 semaphore(%run_scoped3A : memref<!tpu.dma_semaphore, #tpu.memory_space<semaphore_mem>>) src(%arg6 : memref<128x128xf32, #tpu.memory_space<vmem>>) dst(%dma_wait3A_146 : memref<128x128xf32, #tpu.memory_space<hbm>>)
      tpu.yield
    }) : () -> ()
    return
  }
}

module attributes {stable_mosaic.version = 14 : i64} {
  func.func @body(%arg0: i32, %arg1: memref<64x16384xf32, #tpu.memory_space<vmem>>, %arg2: memref<8192x128xf32, #tpu.memory_space<vmem>>) attributes {dimension_semantics = [#tpu.dimension_semantics<arbitrary>], iteration_bounds = array<i64: 7>, scalar_prefetch = 0 : i64, scratch_operands = 0 : i64, tpu.core_type = #tpu.core_type<tc>, window_params = [{transform_indices = @transform_0, window_bounds = array<i64: 64, 16384>}, {transform_indices = @transform_1, window_bounds = array<i64: 8192, 128>}]} {
    %mul3A = arith.constant 16384 : i32
    %mul3A_0 = arith.muli %arg0, %mul3A : i32
    %iota3A = tpu.iota {dimensions = array<i32: 1>} : vector<64x16384xi32>
    %add3A = vector.broadcast %mul3A_0 : i32 to vector<64x16384xi32>
    %add3A_1 = arith.addi %add3A, %iota3A : vector<64x16384xi32>
    %lt3A = arith.constant 100000 : i32
    %lt3A_2 = vector.broadcast %lt3A : i32 to vector<64x16384xi32>
    %lt3A_3 = arith.cmpi slt, %add3A_1, %lt3A_2 : vector<64x16384xi32>
    %get3A = arith.constant 0 : index
    %get3A_4 = arith.constant 0 : index
    %get3A_5 = vector.load %arg1[%get3A, %get3A_4] : memref<64x16384xf32, #tpu.memory_space<vmem>>, vector<64x16384xf32>
    %jit3A = arith.constant 0.000000e+00 : f32
    %broadcast_in_dim3A = vector.broadcast %jit3A : f32 to vector<64x16384xf32>
    %select_n3A = arith.select %lt3A_3, %get3A_5, %broadcast_in_dim3A : vector<64x16384xi1>, vector<64x16384xf32>
    %iota3A_6 = tpu.iota {dimensions = array<i32: 0>} : vector<64x64xi32>
    %iota3A_7 = tpu.iota {dimensions = array<i32: 1>} : vector<64x64xi32>
    %eq3A = arith.cmpi eq, %iota3A_6, %iota3A_7 : vector<64x64xi32>
    %convert_element_type3A = arith.extui %eq3A : vector<64x64xi1> to vector<64x64xi32>
    %convert_element_type3A_8 = arith.sitofp %convert_element_type3A : vector<64x64xi32> to vector<64x64xf32>
    %dot_general3A = arith.constant dense<0.000000e+00> : vector<16384x64xf32>
    %dot_general3A_9 = tpu.matmul %select_n3A, %convert_element_type3A_8, %dot_general3A {dimension_numbers = #tpu.dot_dimension_numbers<[0], [0], [1], [1], [0, 1, 1, 1], [], []>, transpose_lhs_hint = false} : vector<64x16384xf32>, vector<64x64xf32>, vector<16384x64xf32> -> vector<16384x64xf32>
    %slice3A = vector.extract_strided_slice %dot_general3A_9 {offsets = [0, 0], sizes = [128, 64], strides = [1, 1]} : vector<16384x64xf32> to vector<128x64xf32>
    %swap3A = arith.constant 0 : index
    %swap3A_10 = arith.constant 0 : index
    %swap3A_11 = vector.load %arg2[%swap3A, %swap3A_10] : memref<8192x128xf32, #tpu.memory_space<vmem>>, vector<128x64xf32>
    tpu.vector_store %arg2[%swap3A, %swap3A_10], %slice3A {strides = array<i32>} : memref<8192x128xf32, #tpu.memory_space<vmem>>, vector<128x64xf32>,
    %slice3A_12 = vector.extract_strided_slice %dot_general3A_9 {offsets = [128, 0], sizes = [128, 64], strides = [1, 1]} : vector<16384x64xf32> to vector<128x64xf32>
    %swap3A_13 = arith.constant 0 : index
    %swap3A_14 = arith.constant 64 : index
    %swap3A_15 = vector.load %arg2[%swap3A_13, %swap3A_14] : memref<8192x128xf32, #tpu.memory_space<vmem>>, vector<128x64xf32>
    tpu.vector_store %arg2[%swap3A_13, %swap3A_14], %slice3A_12 {strides = array<i32>} : memref<8192x128xf32, #tpu.memory_space<vmem>>, vector<128x64xf32>,
    %slice3A_16 = vector.extract_strided_slice %dot_general3A_9 {offsets = [256, 0], sizes = [128, 64], strides = [1, 1]} : vector<16384x64xf32> to vector<128x64xf32>
    %swap3A_17 = arith.constant 128 : index
    %swap3A_18 = arith.constant 0 : index
    %swap3A_19 = vector.load %arg2[%swap3A_17, %swap3A_18] : memref<8192x128xf32, #tpu.memory_space<vmem>>, vector<128x64xf32>
    tpu.vector_store %arg2[%swap3A_17, %swap3A_18], %slice3A_16 {strides = array<i32>} : memref<8192x128xf32, #tpu.memory_space<vmem>>, vector<128x64xf32>,
    %slice3A_20 = vector.extract_strided_slice %dot_general3A_9 {offsets = [384, 0], sizes = [128, 64], strides = [1, 1]} : vector<16384x64xf32> to vector<128x64xf32>
    %swap3A_21 = arith.constant 128 : index
    %swap3A_22 = arith.constant 64 : index
    %swap3A_23 = vector.load %arg2[%swap3A_21, %swap3A_22] : memref<8192x128xf32, #tpu.memory_space<vmem>>, vector<128x64xf32>
    tpu.vector_store %arg2[%swap3A_21, %swap3A_22], %slice3A_20 {strides = array<i32>} : memref<8192x128xf32, #tpu.memory_space<vmem>>, vector<128x64xf32>,
    %slice3A_24 = vector.extract_strided_slice %dot_general3A_9 {offsets = [512, 0], sizes = [128, 64], strides = [1, 1]} : vector<16384x64xf32> to vector<128x64xf32>
    %swap3A_25 = arith.constant 256 : index
    %swap3A_26 = arith.constant 0 : index
    %swap3A_27 = vector.load %arg2[%swap3A_25, %swap3A_26] : memref<8192x128xf32, #tpu.memory_space<vmem>>, vector<128x64xf32>
    tpu.vector_store %arg2[%swap3A_25, %swap3A_26], %slice3A_24 {strides = array<i32>} : memref<8192x128xf32, #tpu.memory_space<vmem>>, vector<128x64xf32>,
    %slice3A_28 = vector.extract_strided_slice %dot_general3A_9 {offsets = [640, 0], sizes = [128, 64], strides = [1, 1]} : vector<16384x64xf32> to vector<128x64xf32>
    %swap3A_29 = arith.constant 256 : index
    %swap3A_30 = arith.constant 64 : index
    %swap3A_31 = vector.load %arg2[%swap3A_29, %swap3A_30] : memref<8192x128xf32, #tpu.memory_space<vmem>>, vector<128x64xf32>
    tpu.vector_store %arg2[%swap3A_29, %swap3A_30], %slice3A_28 {strides = array<i32>} : memref<8192x128xf32, #tpu.memory_space<vmem>>, vector<128x64xf32>,
    %slice3A_32 = vector.extract_strided_slice %dot_general3A_9 {offsets = [768, 0], sizes = [128, 64], strides = [1, 1]} : vector<16384x64xf32> to vector<128x64xf32>
    %swap3A_33 = arith.constant 384 : index
    %swap3A_34 = arith.constant 0 : index
    %swap3A_35 = vector.load %arg2[%swap3A_33, %swap3A_34] : memref<8192x128xf32, #tpu.memory_space<vmem>>, vector<128x64xf32>
    tpu.vector_store %arg2[%swap3A_33, %swap3A_34], %slice3A_32 {strides = array<i32>} : memref<8192x128xf32, #tpu.memory_space<vmem>>, vector<128x64xf32>,
    %slice3A_36 = vector.extract_strided_slice %dot_general3A_9 {offsets = [896, 0], sizes = [128, 64], strides = [1, 1]} : vector<16384x64xf32> to vector<128x64xf32>
    %swap3A_37 = arith.constant 384 : index
    %swap3A_38 = arith.constant 64 : index
    %swap3A_39 = vector.load %arg2[%swap3A_37, %swap3A_38] : memref<8192x128xf32, #tpu.memory_space<vmem>>, vector<128x64xf32>
    tpu.vector_store %arg2[%swap3A_37, %swap3A_38], %slice3A_36 {strides = array<i32>} : memref<8192x128xf32, #tpu.memory_space<vmem>>, vector<128x64xf32>,
    %slice3A_40 = vector.extract_strided_slice %dot_general3A_9 {offsets = [1024, 0], sizes = [128, 64], strides = [1, 1]} : vector<16384x64xf32> to vector<128x64xf32>
    %swap3A_41 = arith.constant 512 : index
    %swap3A_42 = arith.constant 0 : index
    %swap3A_43 = vector.load %arg2[%swap3A_41, %swap3A_42] : memref<8192x128xf32, #tpu.memory_space<vmem>>, vector<128x64xf32>
    tpu.vector_store %arg2[%swap3A_41, %swap3A_42], %slice3A_40 {strides = array<i32>} : memref<8192x128xf32, #tpu.memory_space<vmem>>, vector<128x64xf32>,
    %slice3A_44 = vector.extract_strided_slice %dot_general3A_9 {offsets = [1152, 0], sizes = [128, 64], strides = [1, 1]} : vector<16384x64xf32> to vector<128x64xf32>
    %swap3A_45 = arith.constant 512 : index
    %swap3A_46 = arith.constant 64 : index
    %swap3A_47 = vector.load %arg2[%swap3A_45, %swap3A_46] : memref<8192x128xf32, #tpu.memory_space<vmem>>, vector<128x64xf32>
    tpu.vector_store %arg2[%swap3A_45, %swap3A_46], %slice3A_44 {strides = array<i32>} : memref<8192x128xf32, #tpu.memory_space<vmem>>, vector<128x64xf32>,
    %slice3A_48 = vector.extract_strided_slice %dot_general3A_9 {offsets = [1280, 0], sizes = [128, 64], strides = [1, 1]} : vector<16384x64xf32> to vector<128x64xf32>
    %swap3A_49 = arith.constant 640 : index
    %swap3A_50 = arith.constant 0 : index
    %swap3A_51 = vector.load %arg2[%swap3A_49, %swap3A_50] : memref<8192x128xf32, #tpu.memory_space<vmem>>, vector<128x64xf32>
    tpu.vector_store %arg2[%swap3A_49, %swap3A_50], %slice3A_48 {strides = array<i32>} : memref<8192x128xf32, #tpu.memory_space<vmem>>, vector<128x64xf32>,
    %slice3A_52 = vector.extract_strided_slice %dot_general3A_9 {offsets = [1408, 0], sizes = [128, 64], strides = [1, 1]} : vector<16384x64xf32> to vector<128x64xf32>
    %swap3A_53 = arith.constant 640 : index
    %swap3A_54 = arith.constant 64 : index
    %swap3A_55 = vector.load %arg2[%swap3A_53, %swap3A_54] : memref<8192x128xf32, #tpu.memory_space<vmem>>, vector<128x64xf32>
    tpu.vector_store %arg2[%swap3A_53, %swap3A_54], %slice3A_52 {strides = array<i32>} : memref<8192x128xf32, #tpu.memory_space<vmem>>, vector<128x64xf32>,
    %slice3A_56 = vector.extract_strided_slice %dot_general3A_9 {offsets = [1536, 0], sizes = [128, 64], strides = [1, 1]} : vector<16384x64xf32> to vector<128x64xf32>
    %swap3A_57 = arith.constant 768 : index
    %swap3A_58 = arith.constant 0 : index
    %swap3A_59 = vector.load %arg2[%swap3A_57, %swap3A_58] : memref<8192x128xf32, #tpu.memory_space<vmem>>, vector<128x64xf32>
    tpu.vector_store %arg2[%swap3A_57, %swap3A_58], %slice3A_56 {strides = array<i32>} : memref<8192x128xf32, #tpu.memory_space<vmem>>, vector<128x64xf32>,
    %slice3A_60 = vector.extract_strided_slice %dot_general3A_9 {offsets = [1664, 0], sizes = [128, 64], strides = [1, 1]} : vector<16384x64xf32> to vector<128x64xf32>
    %swap3A_61 = arith.constant 768 : index
    %swap3A_62 = arith.constant 64 : index
    %swap3A_63 = vector.load %arg2[%swap3A_61, %swap3A_62] : memref<8192x128xf32, #tpu.memory_space<vmem>>, vector<128x64xf32>
    tpu.vector_store %arg2[%swap3A_61, %swap3A_62], %slice3A_60 {strides = array<i32>} : memref<8192x128xf32, #tpu.memory_space<vmem>>, vector<128x64xf32>,
    %slice3A_64 = vector.extract_strided_slice %dot_general3A_9 {offsets = [1792, 0], sizes = [128, 64], strides = [1, 1]} : vector<16384x64xf32> to vector<128x64xf32>
    %swap3A_65 = arith.constant 896 : index
    %swap3A_66 = arith.constant 0 : index
    %swap3A_67 = vector.load %arg2[%swap3A_65, %swap3A_66] : memref<8192x128xf32, #tpu.memory_space<vmem>>, vector<128x64xf32>
    tpu.vector_store %arg2[%swap3A_65, %swap3A_66], %slice3A_64 {strides = array<i32>} : memref<8192x128xf32, #tpu.memory_space<vmem>>, vector<128x64xf32>,
    %slice3A_68 = vector.extract_strided_slice %dot_general3A_9 {offsets = [1920, 0], sizes = [128, 64], strides = [1, 1]} : vector<16384x64xf32> to vector<128x64xf32>
    %swap3A_69 = arith.constant 896 : index
    %swap3A_70 = arith.constant 64 : index
    %swap3A_71 = vector.load %arg2[%swap3A_69, %swap3A_70] : memref<8192x128xf32, #tpu.memory_space<vmem>>, vector<128x64xf32>
    tpu.vector_store %arg2[%swap3A_69, %swap3A_70], %slice3A_68 {strides = array<i32>} : memref<8192x128xf32, #tpu.memory_space<vmem>>, vector<128x64xf32>,
    %slice3A_72 = vector.extract_strided_slice %dot_general3A_9 {offsets = [2048, 0], sizes = [128, 64], strides = [1, 1]} : vector<16384x64xf32> to vector<128x64xf32>
    %swap3A_73 = arith.constant 1024 : index
    %swap3A_74 = arith.constant 0 : index
    %swap3A_75 = vector.load %arg2[%swap3A_73, %swap3A_74] : memref<8192x128xf32, #tpu.memory_space<vmem>>, vector<128x64xf32>
    tpu.vector_store %arg2[%swap3A_73, %swap3A_74], %slice3A_72 {strides = array<i32>} : memref<8192x128xf32, #tpu.memory_space<vmem>>, vector<128x64xf32>,
    %slice3A_76 = vector.extract_strided_slice %dot_general3A_9 {offsets = [2176, 0], sizes = [128, 64], strides = [1, 1]} : vector<16384x64xf32> to vector<128x64xf32>
    %swap3A_77 = arith.constant 1024 : index
    %swap3A_78 = arith.constant 64 : index
    %swap3A_79 = vector.load %arg2[%swap3A_77, %swap3A_78] : memref<8192x128xf32, #tpu.memory_space<vmem>>, vector<128x64xf32>
    tpu.vector_store %arg2[%swap3A_77, %swap3A_78], %slice3A_76 {strides = array<i32>} : memref<8192x128xf32, #tpu.memory_space<vmem>>, vector<128x64xf32>,
    %slice3A_80 = vector.extract_strided_slice %dot_general3A_9 {offsets = [2304, 0], sizes = [128, 64], strides = [1, 1]} : vector<16384x64xf32> to vector<128x64xf32>
    %swap3A_81 = arith.constant 1152 : index
    %swap3A_82 = arith.constant 0 : index
    %swap3A_83 = vector.load %arg2[%swap3A_81, %swap3A_82] : memref<8192x128xf32, #tpu.memory_space<vmem>>, vector<128x64xf32>
    tpu.vector_store %arg2[%swap3A_81, %swap3A_82], %slice3A_80 {strides = array<i32>} : memref<8192x128xf32, #tpu.memory_space<vmem>>, vector<128x64xf32>,
    %slice3A_84 = vector.extract_strided_slice %dot_general3A_9 {offsets = [2432, 0], sizes = [128, 64], strides = [1, 1]} : vector<16384x64xf32> to vector<128x64xf32>
    %swap3A_85 = arith.constant 1152 : index
    %swap3A_86 = arith.constant 64 : index
    %swap3A_87 = vector.load %arg2[%swap3A_85, %swap3A_86] : memref<8192x128xf32, #tpu.memory_space<vmem>>, vector<128x64xf32>
    tpu.vector_store %arg2[%swap3A_85, %swap3A_86], %slice3A_84 {strides = array<i32>} : memref<8192x128xf32, #tpu.memory_space<vmem>>, vector<128x64xf32>,
    %slice3A_88 = vector.extract_strided_slice %dot_general3A_9 {offsets = [2560, 0], sizes = [128, 64], strides = [1, 1]} : vector<16384x64xf32> to vector<128x64xf32>
    %swap3A_89 = arith.constant 1280 : index
    %swap3A_90 = arith.constant 0 : index
    %swap3A_91 = vector.load %arg2[%swap3A_89, %swap3A_90] : memref<8192x128xf32, #tpu.memory_space<vmem>>, vector<128x64xf32>
    tpu.vector_store %arg2[%swap3A_89, %swap3A_90], %slice3A_88 {strides = array<i32>} : memref<8192x128xf32, #tpu.memory_space<vmem>>, vector<128x64xf32>,
    %slice3A_92 = vector.extract_strided_slice %dot_general3A_9 {offsets = [2688, 0], sizes = [128, 64], strides = [1, 1]} : vector<16384x64xf32> to vector<128x64xf32>
    %swap3A_93 = arith.constant 1280 : index
    %swap3A_94 = arith.constant 64 : index
    %swap3A_95 = vector.load %arg2[%swap3A_93, %swap3A_94] : memref<8192x128xf32, #tpu.memory_space<vmem>>, vector<128x64xf32>
    tpu.vector_store %arg2[%swap3A_93, %swap3A_94], %slice3A_92 {strides = array<i32>} : memref<8192x128xf32, #tpu.memory_space<vmem>>, vector<128x64xf32>,
    %slice3A_96 = vector.extract_strided_slice %dot_general3A_9 {offsets = [2816, 0], sizes = [128, 64], strides = [1, 1]} : vector<16384x64xf32> to vector<128x64xf32>
    %swap3A_97 = arith.constant 1408 : index
    %swap3A_98 = arith.constant 0 : index
    %swap3A_99 = vector.load %arg2[%swap3A_97, %swap3A_98] : memref<8192x128xf32, #tpu.memory_space<vmem>>, vector<128x64xf32>
    tpu.vector_store %arg2[%swap3A_97, %swap3A_98], %slice3A_96 {strides = array<i32>} : memref<8192x128xf32, #tpu.memory_space<vmem>>, vector<128x64xf32>,
    %slice3A_100 = vector.extract_strided_slice %dot_general3A_9 {offsets = [2944, 0], sizes = [128, 64], strides = [1, 1]} : vector<16384x64xf32> to vector<128x64xf32>
    %swap3A_101 = arith.constant 1408 : index
    %swap3A_102 = arith.constant 64 : index
    %swap3A_103 = vector.load %arg2[%swap3A_101, %swap3A_102] : memref<8192x128xf32, #tpu.memory_space<vmem>>, vector<128x64xf32>
    tpu.vector_store %arg2[%swap3A_101, %swap3A_102], %slice3A_100 {strides = array<i32>} : memref<8192x128xf32, #tpu.memory_space<vmem>>, vector<128x64xf32>,
    %slice3A_104 = vector.extract_strided_slice %dot_general3A_9 {offsets = [3072, 0], sizes = [128, 64], strides = [1, 1]} : vector<16384x64xf32> to vector<128x64xf32>
    %swap3A_105 = arith.constant 1536 : index
    %swap3A_106 = arith.constant 0 : index
    %swap3A_107 = vector.load %arg2[%swap3A_105, %swap3A_106] : memref<8192x128xf32, #tpu.memory_space<vmem>>, vector<128x64xf32>
    tpu.vector_store %arg2[%swap3A_105, %swap3A_106], %slice3A_104 {strides = array<i32>} : memref<8192x128xf32, #tpu.memory_space<vmem>>, vector<128x64xf32>,
    %slice3A_108 = vector.extract_strided_slice %dot_general3A_9 {offsets = [3200, 0], sizes = [128, 64], strides = [1, 1]} : vector<16384x64xf32> to vector<128x64xf32>
    %swap3A_109 = arith.constant 1536 : index
    %swap3A_110 = arith.constant 64 : index
    %swap3A_111 = vector.load %arg2[%swap3A_109, %swap3A_110] : memref<8192x128xf32, #tpu.memory_space<vmem>>, vector<128x64xf32>
    tpu.vector_store %arg2[%swap3A_109, %swap3A_110], %slice3A_108 {strides = array<i32>} : memref<8192x128xf32, #tpu.memory_space<vmem>>, vector<128x64xf32>,
    %slice3A_112 = vector.extract_strided_slice %dot_general3A_9 {offsets = [3328, 0], sizes = [128, 64], strides = [1, 1]} : vector<16384x64xf32> to vector<128x64xf32>
    %swap3A_113 = arith.constant 1664 : index
    %swap3A_114 = arith.constant 0 : index
    %swap3A_115 = vector.load %arg2[%swap3A_113, %swap3A_114] : memref<8192x128xf32, #tpu.memory_space<vmem>>, vector<128x64xf32>
    tpu.vector_store %arg2[%swap3A_113, %swap3A_114], %slice3A_112 {strides = array<i32>} : memref<8192x128xf32, #tpu.memory_space<vmem>>, vector<128x64xf32>,
    %slice3A_116 = vector.extract_strided_slice %dot_general3A_9 {offsets = [3456, 0], sizes = [128, 64], strides = [1, 1]} : vector<16384x64xf32> to vector<128x64xf32>
    %swap3A_117 = arith.constant 1664 : index
    %swap3A_118 = arith.constant 64 : index
    %swap3A_119 = vector.load %arg2[%swap3A_117, %swap3A_118] : memref<8192x128xf32, #tpu.memory_space<vmem>>, vector<128x64xf32>
    tpu.vector_store %arg2[%swap3A_117, %swap3A_118], %slice3A_116 {strides = array<i32>} : memref<8192x128xf32, #tpu.memory_space<vmem>>, vector<128x64xf32>,
    %slice3A_120 = vector.extract_strided_slice %dot_general3A_9 {offsets = [3584, 0], sizes = [128, 64], strides = [1, 1]} : vector<16384x64xf32> to vector<128x64xf32>
    %swap3A_121 = arith.constant 1792 : index
    %swap3A_122 = arith.constant 0 : index
    %swap3A_123 = vector.load %arg2[%swap3A_121, %swap3A_122] : memref<8192x128xf32, #tpu.memory_space<vmem>>, vector<128x64xf32>
    tpu.vector_store %arg2[%swap3A_121, %swap3A_122], %slice3A_120 {strides = array<i32>} : memref<8192x128xf32, #tpu.memory_space<vmem>>, vector<128x64xf32>,
    %slice3A_124 = vector.extract_strided_slice %dot_general3A_9 {offsets = [3712, 0], sizes = [128, 64], strides = [1, 1]} : vector<16384x64xf32> to vector<128x64xf32>
    %swap3A_125 = arith.constant 1792 : index
    %swap3A_126 = arith.constant 64 : index
    %swap3A_127 = vector.load %arg2[%swap3A_125, %swap3A_126] : memref<8192x128xf32, #tpu.memory_space<vmem>>, vector<128x64xf32>
    tpu.vector_store %arg2[%swap3A_125, %swap3A_126], %slice3A_124 {strides = array<i32>} : memref<8192x128xf32, #tpu.memory_space<vmem>>, vector<128x64xf32>,
    %slice3A_128 = vector.extract_strided_slice %dot_general3A_9 {offsets = [3840, 0], sizes = [128, 64], strides = [1, 1]} : vector<16384x64xf32> to vector<128x64xf32>
    %swap3A_129 = arith.constant 1920 : index
    %swap3A_130 = arith.constant 0 : index
    %swap3A_131 = vector.load %arg2[%swap3A_129, %swap3A_130] : memref<8192x128xf32, #tpu.memory_space<vmem>>, vector<128x64xf32>
    tpu.vector_store %arg2[%swap3A_129, %swap3A_130], %slice3A_128 {strides = array<i32>} : memref<8192x128xf32, #tpu.memory_space<vmem>>, vector<128x64xf32>,
    %slice3A_132 = vector.extract_strided_slice %dot_general3A_9 {offsets = [3968, 0], sizes = [128, 64], strides = [1, 1]} : vector<16384x64xf32> to vector<128x64xf32>
    %swap3A_133 = arith.constant 1920 : index
    %swap3A_134 = arith.constant 64 : index
    %swap3A_135 = vector.load %arg2[%swap3A_133, %swap3A_134] : memref<8192x128xf32, #tpu.memory_space<vmem>>, vector<128x64xf32>
    tpu.vector_store %arg2[%swap3A_133, %swap3A_134], %slice3A_132 {strides = array<i32>} : memref<8192x128xf32, #tpu.memory_space<vmem>>, vector<128x64xf32>,
    %slice3A_136 = vector.extract_strided_slice %dot_general3A_9 {offsets = [4096, 0], sizes = [128, 64], strides = [1, 1]} : vector<16384x64xf32> to vector<128x64xf32>
    %swap3A_137 = arith.constant 2048 : index
    %swap3A_138 = arith.constant 0 : index
    %swap3A_139 = vector.load %arg2[%swap3A_137, %swap3A_138] : memref<8192x128xf32, #tpu.memory_space<vmem>>, vector<128x64xf32>
    tpu.vector_store %arg2[%swap3A_137, %swap3A_138], %slice3A_136 {strides = array<i32>} : memref<8192x128xf32, #tpu.memory_space<vmem>>, vector<128x64xf32>,
    %slice3A_140 = vector.extract_strided_slice %dot_general3A_9 {offsets = [4224, 0], sizes = [128, 64], strides = [1, 1]} : vector<16384x64xf32> to vector<128x64xf32>
    %swap3A_141 = arith.constant 2048 : index
    %swap3A_142 = arith.constant 64 : index
    %swap3A_143 = vector.load %arg2[%swap3A_141, %swap3A_142] : memref<8192x128xf32, #tpu.memory_space<vmem>>, vector<128x64xf32>
    tpu.vector_store %arg2[%swap3A_141, %swap3A_142], %slice3A_140 {strides = array<i32>} : memref<8192x128xf32, #tpu.memory_space<vmem>>, vector<128x64xf32>,
    %slice3A_144 = vector.extract_strided_slice %dot_general3A_9 {offsets = [4352, 0], sizes = [128, 64], strides = [1, 1]} : vector<16384x64xf32> to vector<128x64xf32>
    %swap3A_145 = arith.constant 2176 : index
    %swap3A_146 = arith.constant 0 : index
    %swap3A_147 = vector.load %arg2[%swap3A_145, %swap3A_146] : memref<8192x128xf32, #tpu.memory_space<vmem>>, vector<128x64xf32>
    tpu.vector_store %arg2[%swap3A_145, %swap3A_146], %slice3A_144 {strides = array<i32>} : memref<8192x128xf32, #tpu.memory_space<vmem>>, vector<128x64xf32>,
    %slice3A_148 = vector.extract_strided_slice %dot_general3A_9 {offsets = [4480, 0], sizes = [128, 64], strides = [1, 1]} : vector<16384x64xf32> to vector<128x64xf32>
    %swap3A_149 = arith.constant 2176 : index
    %swap3A_150 = arith.constant 64 : index
    %swap3A_151 = vector.load %arg2[%swap3A_149, %swap3A_150] : memref<8192x128xf32, #tpu.memory_space<vmem>>, vector<128x64xf32>
    tpu.vector_store %arg2[%swap3A_149, %swap3A_150], %slice3A_148 {strides = array<i32>} : memref<8192x128xf32, #tpu.memory_space<vmem>>, vector<128x64xf32>,
    %slice3A_152 = vector.extract_strided_slice %dot_general3A_9 {offsets = [4608, 0], sizes = [128, 64], strides = [1, 1]} : vector<16384x64xf32> to vector<128x64xf32>
    %swap3A_153 = arith.constant 2304 : index
    %swap3A_154 = arith.constant 0 : index
    %swap3A_155 = vector.load %arg2[%swap3A_153, %swap3A_154] : memref<8192x128xf32, #tpu.memory_space<vmem>>, vector<128x64xf32>
    tpu.vector_store %arg2[%swap3A_153, %swap3A_154], %slice3A_152 {strides = array<i32>} : memref<8192x128xf32, #tpu.memory_space<vmem>>, vector<128x64xf32>,
    %slice3A_156 = vector.extract_strided_slice %dot_general3A_9 {offsets = [4736, 0], sizes = [128, 64], strides = [1, 1]} : vector<16384x64xf32> to vector<128x64xf32>
    %swap3A_157 = arith.constant 2304 : index
    %swap3A_158 = arith.constant 64 : index
    %swap3A_159 = vector.load %arg2[%swap3A_157, %swap3A_158] : memref<8192x128xf32, #tpu.memory_space<vmem>>, vector<128x64xf32>
    tpu.vector_store %arg2[%swap3A_157, %swap3A_158], %slice3A_156 {strides = array<i32>} : memref<8192x128xf32, #tpu.memory_space<vmem>>, vector<128x64xf32>,
    %slice3A_160 = vector.extract_strided_slice %dot_general3A_9 {offsets = [4864, 0], sizes = [128, 64], strides = [1, 1]} : vector<16384x64xf32> to vector<128x64xf32>
    %swap3A_161 = arith.constant 2432 : index
    %swap3A_162 = arith.constant 0 : index
    %swap3A_163 = vector.load %arg2[%swap3A_161, %swap3A_162] : memref<8192x128xf32, #tpu.memory_space<vmem>>, vector<128x64xf32>
    tpu.vector_store %arg2[%swap3A_161, %swap3A_162], %slice3A_160 {strides = array<i32>} : memref<8192x128xf32, #tpu.memory_space<vmem>>, vector<128x64xf32>,
    %slice3A_164 = vector.extract_strided_slice %dot_general3A_9 {offsets = [4992, 0], sizes = [128, 64], strides = [1, 1]} : vector<16384x64xf32> to vector<128x64xf32>
    %swap3A_165 = arith.constant 2432 : index
    %swap3A_166 = arith.constant 64 : index
    %swap3A_167 = vector.load %arg2[%swap3A_165, %swap3A_166] : memref<8192x128xf32, #tpu.memory_space<vmem>>, vector<128x64xf32>
    tpu.vector_store %arg2[%swap3A_165, %swap3A_166], %slice3A_164 {strides = array<i32>} : memref<8192x128xf32, #tpu.memory_space<vmem>>, vector<128x64xf32>,
    %slice3A_168 = vector.extract_strided_slice %dot_general3A_9 {offsets = [5120, 0], sizes = [128, 64], strides = [1, 1]} : vector<16384x64xf32> to vector<128x64xf32>
    %swap3A_169 = arith.constant 2560 : index
    %swap3A_170 = arith.constant 0 : index
    %swap3A_171 = vector.load %arg2[%swap3A_169, %swap3A_170] : memref<8192x128xf32, #tpu.memory_space<vmem>>, vector<128x64xf32>
    tpu.vector_store %arg2[%swap3A_169, %swap3A_170], %slice3A_168 {strides = array<i32>} : memref<8192x128xf32, #tpu.memory_space<vmem>>, vector<128x64xf32>,
    %slice3A_172 = vector.extract_strided_slice %dot_general3A_9 {offsets = [5248, 0], sizes = [128, 64], strides = [1, 1]} : vector<16384x64xf32> to vector<128x64xf32>
    %swap3A_173 = arith.constant 2560 : index
    %swap3A_174 = arith.constant 64 : index
    %swap3A_175 = vector.load %arg2[%swap3A_173, %swap3A_174] : memref<8192x128xf32, #tpu.memory_space<vmem>>, vector<128x64xf32>
    tpu.vector_store %arg2[%swap3A_173, %swap3A_174], %slice3A_172 {strides = array<i32>} : memref<8192x128xf32, #tpu.memory_space<vmem>>, vector<128x64xf32>,
    %slice3A_176 = vector.extract_strided_slice %dot_general3A_9 {offsets = [5376, 0], sizes = [128, 64], strides = [1, 1]} : vector<16384x64xf32> to vector<128x64xf32>
    %swap3A_177 = arith.constant 2688 : index
    %swap3A_178 = arith.constant 0 : index
    %swap3A_179 = vector.load %arg2[%swap3A_177, %swap3A_178] : memref<8192x128xf32, #tpu.memory_space<vmem>>, vector<128x64xf32>
    tpu.vector_store %arg2[%swap3A_177, %swap3A_178], %slice3A_176 {strides = array<i32>} : memref<8192x128xf32, #tpu.memory_space<vmem>>, vector<128x64xf32>,
    %slice3A_180 = vector.extract_strided_slice %dot_general3A_9 {offsets = [5504, 0], sizes = [128, 64], strides = [1, 1]} : vector<16384x64xf32> to vector<128x64xf32>
    %swap3A_181 = arith.constant 2688 : index
    %swap3A_182 = arith.constant 64 : index
    %swap3A_183 = vector.load %arg2[%swap3A_181, %swap3A_182] : memref<8192x128xf32, #tpu.memory_space<vmem>>, vector<128x64xf32>
    tpu.vector_store %arg2[%swap3A_181, %swap3A_182], %slice3A_180 {strides = array<i32>} : memref<8192x128xf32, #tpu.memory_space<vmem>>, vector<128x64xf32>,
    %slice3A_184 = vector.extract_strided_slice %dot_general3A_9 {offsets = [5632, 0], sizes = [128, 64], strides = [1, 1]} : vector<16384x64xf32> to vector<128x64xf32>
    %swap3A_185 = arith.constant 2816 : index
    %swap3A_186 = arith.constant 0 : index
    %swap3A_187 = vector.load %arg2[%swap3A_185, %swap3A_186] : memref<8192x128xf32, #tpu.memory_space<vmem>>, vector<128x64xf32>
    tpu.vector_store %arg2[%swap3A_185, %swap3A_186], %slice3A_184 {strides = array<i32>} : memref<8192x128xf32, #tpu.memory_space<vmem>>, vector<128x64xf32>,
    %slice3A_188 = vector.extract_strided_slice %dot_general3A_9 {offsets = [5760, 0], sizes = [128, 64], strides = [1, 1]} : vector<16384x64xf32> to vector<128x64xf32>
    %swap3A_189 = arith.constant 2816 : index
    %swap3A_190 = arith.constant 64 : index
    %swap3A_191 = vector.load %arg2[%swap3A_189, %swap3A_190] : memref<8192x128xf32, #tpu.memory_space<vmem>>, vector<128x64xf32>
    tpu.vector_store %arg2[%swap3A_189, %swap3A_190], %slice3A_188 {strides = array<i32>} : memref<8192x128xf32, #tpu.memory_space<vmem>>, vector<128x64xf32>,
    %slice3A_192 = vector.extract_strided_slice %dot_general3A_9 {offsets = [5888, 0], sizes = [128, 64], strides = [1, 1]} : vector<16384x64xf32> to vector<128x64xf32>
    %swap3A_193 = arith.constant 2944 : index
    %swap3A_194 = arith.constant 0 : index
    %swap3A_195 = vector.load %arg2[%swap3A_193, %swap3A_194] : memref<8192x128xf32, #tpu.memory_space<vmem>>, vector<128x64xf32>
    tpu.vector_store %arg2[%swap3A_193, %swap3A_194], %slice3A_192 {strides = array<i32>} : memref<8192x128xf32, #tpu.memory_space<vmem>>, vector<128x64xf32>,
    %slice3A_196 = vector.extract_strided_slice %dot_general3A_9 {offsets = [6016, 0], sizes = [128, 64], strides = [1, 1]} : vector<16384x64xf32> to vector<128x64xf32>
    %swap3A_197 = arith.constant 2944 : index
    %swap3A_198 = arith.constant 64 : index
    %swap3A_199 = vector.load %arg2[%swap3A_197, %swap3A_198] : memref<8192x128xf32, #tpu.memory_space<vmem>>, vector<128x64xf32>
    tpu.vector_store %arg2[%swap3A_197, %swap3A_198], %slice3A_196 {strides = array<i32>} : memref<8192x128xf32, #tpu.memory_space<vmem>>, vector<128x64xf32>,
    %slice3A_200 = vector.extract_strided_slice %dot_general3A_9 {offsets = [6144, 0], sizes = [128, 64], strides = [1, 1]} : vector<16384x64xf32> to vector<128x64xf32>
    %swap3A_201 = arith.constant 3072 : index
    %swap3A_202 = arith.constant 0 : index
    %swap3A_203 = vector.load %arg2[%swap3A_201, %swap3A_202] : memref<8192x128xf32, #tpu.memory_space<vmem>>, vector<128x64xf32>
    tpu.vector_store %arg2[%swap3A_201, %swap3A_202], %slice3A_200 {strides = array<i32>} : memref<8192x128xf32, #tpu.memory_space<vmem>>, vector<128x64xf32>,
    %slice3A_204 = vector.extract_strided_slice %dot_general3A_9 {offsets = [6272, 0], sizes = [128, 64], strides = [1, 1]} : vector<16384x64xf32> to vector<128x64xf32>
    %swap3A_205 = arith.constant 3072 : index
    %swap3A_206 = arith.constant 64 : index
    %swap3A_207 = vector.load %arg2[%swap3A_205, %swap3A_206] : memref<8192x128xf32, #tpu.memory_space<vmem>>, vector<128x64xf32>
    tpu.vector_store %arg2[%swap3A_205, %swap3A_206], %slice3A_204 {strides = array<i32>} : memref<8192x128xf32, #tpu.memory_space<vmem>>, vector<128x64xf32>,
    %slice3A_208 = vector.extract_strided_slice %dot_general3A_9 {offsets = [6400, 0], sizes = [128, 64], strides = [1, 1]} : vector<16384x64xf32> to vector<128x64xf32>
    %swap3A_209 = arith.constant 3200 : index
    %swap3A_210 = arith.constant 0 : index
    %swap3A_211 = vector.load %arg2[%swap3A_209, %swap3A_210] : memref<8192x128xf32, #tpu.memory_space<vmem>>, vector<128x64xf32>
    tpu.vector_store %arg2[%swap3A_209, %swap3A_210], %slice3A_208 {strides = array<i32>} : memref<8192x128xf32, #tpu.memory_space<vmem>>, vector<128x64xf32>,
    %slice3A_212 = vector.extract_strided_slice %dot_general3A_9 {offsets = [6528, 0], sizes = [128, 64], strides = [1, 1]} : vector<16384x64xf32> to vector<128x64xf32>
    %swap3A_213 = arith.constant 3200 : index
    %swap3A_214 = arith.constant 64 : index
    %swap3A_215 = vector.load %arg2[%swap3A_213, %swap3A_214] : memref<8192x128xf32, #tpu.memory_space<vmem>>, vector<128x64xf32>
    tpu.vector_store %arg2[%swap3A_213, %swap3A_214], %slice3A_212 {strides = array<i32>} : memref<8192x128xf32, #tpu.memory_space<vmem>>, vector<128x64xf32>,
    %slice3A_216 = vector.extract_strided_slice %dot_general3A_9 {offsets = [6656, 0], sizes = [128, 64], strides = [1, 1]} : vector<16384x64xf32> to vector<128x64xf32>
    %swap3A_217 = arith.constant 3328 : index
    %swap3A_218 = arith.constant 0 : index
    %swap3A_219 = vector.load %arg2[%swap3A_217, %swap3A_218] : memref<8192x128xf32, #tpu.memory_space<vmem>>, vector<128x64xf32>
    tpu.vector_store %arg2[%swap3A_217, %swap3A_218], %slice3A_216 {strides = array<i32>} : memref<8192x128xf32, #tpu.memory_space<vmem>>, vector<128x64xf32>,
    %slice3A_220 = vector.extract_strided_slice %dot_general3A_9 {offsets = [6784, 0], sizes = [128, 64], strides = [1, 1]} : vector<16384x64xf32> to vector<128x64xf32>
    %swap3A_221 = arith.constant 3328 : index
    %swap3A_222 = arith.constant 64 : index
    %swap3A_223 = vector.load %arg2[%swap3A_221, %swap3A_222] : memref<8192x128xf32, #tpu.memory_space<vmem>>, vector<128x64xf32>
    tpu.vector_store %arg2[%swap3A_221, %swap3A_222], %slice3A_220 {strides = array<i32>} : memref<8192x128xf32, #tpu.memory_space<vmem>>, vector<128x64xf32>,
    %slice3A_224 = vector.extract_strided_slice %dot_general3A_9 {offsets = [6912, 0], sizes = [128, 64], strides = [1, 1]} : vector<16384x64xf32> to vector<128x64xf32>
    %swap3A_225 = arith.constant 3456 : index
    %swap3A_226 = arith.constant 0 : index
    %swap3A_227 = vector.load %arg2[%swap3A_225, %swap3A_226] : memref<8192x128xf32, #tpu.memory_space<vmem>>, vector<128x64xf32>
    tpu.vector_store %arg2[%swap3A_225, %swap3A_226], %slice3A_224 {strides = array<i32>} : memref<8192x128xf32, #tpu.memory_space<vmem>>, vector<128x64xf32>,
    %slice3A_228 = vector.extract_strided_slice %dot_general3A_9 {offsets = [7040, 0], sizes = [128, 64], strides = [1, 1]} : vector<16384x64xf32> to vector<128x64xf32>
    %swap3A_229 = arith.constant 3456 : index
    %swap3A_230 = arith.constant 64 : index
    %swap3A_231 = vector.load %arg2[%swap3A_229, %swap3A_230] : memref<8192x128xf32, #tpu.memory_space<vmem>>, vector<128x64xf32>
    tpu.vector_store %arg2[%swap3A_229, %swap3A_230], %slice3A_228 {strides = array<i32>} : memref<8192x128xf32, #tpu.memory_space<vmem>>, vector<128x64xf32>,
    %slice3A_232 = vector.extract_strided_slice %dot_general3A_9 {offsets = [7168, 0], sizes = [128, 64], strides = [1, 1]} : vector<16384x64xf32> to vector<128x64xf32>
    %swap3A_233 = arith.constant 3584 : index
    %swap3A_234 = arith.constant 0 : index
    %swap3A_235 = vector.load %arg2[%swap3A_233, %swap3A_234] : memref<8192x128xf32, #tpu.memory_space<vmem>>, vector<128x64xf32>
    tpu.vector_store %arg2[%swap3A_233, %swap3A_234], %slice3A_232 {strides = array<i32>} : memref<8192x128xf32, #tpu.memory_space<vmem>>, vector<128x64xf32>,
    %slice3A_236 = vector.extract_strided_slice %dot_general3A_9 {offsets = [7296, 0], sizes = [128, 64], strides = [1, 1]} : vector<16384x64xf32> to vector<128x64xf32>
    %swap3A_237 = arith.constant 3584 : index
    %swap3A_238 = arith.constant 64 : index
    %swap3A_239 = vector.load %arg2[%swap3A_237, %swap3A_238] : memref<8192x128xf32, #tpu.memory_space<vmem>>, vector<128x64xf32>
    tpu.vector_store %arg2[%swap3A_237, %swap3A_238], %slice3A_236 {strides = array<i32>} : memref<8192x128xf32, #tpu.memory_space<vmem>>, vector<128x64xf32>,
    %slice3A_240 = vector.extract_strided_slice %dot_general3A_9 {offsets = [7424, 0], sizes = [128, 64], strides = [1, 1]} : vector<16384x64xf32> to vector<128x64xf32>
    %swap3A_241 = arith.constant 3712 : index
    %swap3A_242 = arith.constant 0 : index
    %swap3A_243 = vector.load %arg2[%swap3A_241, %swap3A_242] : memref<8192x128xf32, #tpu.memory_space<vmem>>, vector<128x64xf32>
    tpu.vector_store %arg2[%swap3A_241, %swap3A_242], %slice3A_240 {strides = array<i32>} : memref<8192x128xf32, #tpu.memory_space<vmem>>, vector<128x64xf32>,
    %slice3A_244 = vector.extract_strided_slice %dot_general3A_9 {offsets = [7552, 0], sizes = [128, 64], strides = [1, 1]} : vector<16384x64xf32> to vector<128x64xf32>
    %swap3A_245 = arith.constant 3712 : index
    %swap3A_246 = arith.constant 64 : index
    %swap3A_247 = vector.load %arg2[%swap3A_245, %swap3A_246] : memref<8192x128xf32, #tpu.memory_space<vmem>>, vector<128x64xf32>
    tpu.vector_store %arg2[%swap3A_245, %swap3A_246], %slice3A_244 {strides = array<i32>} : memref<8192x128xf32, #tpu.memory_space<vmem>>, vector<128x64xf32>,
    %slice3A_248 = vector.extract_strided_slice %dot_general3A_9 {offsets = [7680, 0], sizes = [128, 64], strides = [1, 1]} : vector<16384x64xf32> to vector<128x64xf32>
    %swap3A_249 = arith.constant 3840 : index
    %swap3A_250 = arith.constant 0 : index
    %swap3A_251 = vector.load %arg2[%swap3A_249, %swap3A_250] : memref<8192x128xf32, #tpu.memory_space<vmem>>, vector<128x64xf32>
    tpu.vector_store %arg2[%swap3A_249, %swap3A_250], %slice3A_248 {strides = array<i32>} : memref<8192x128xf32, #tpu.memory_space<vmem>>, vector<128x64xf32>,
    %slice3A_252 = vector.extract_strided_slice %dot_general3A_9 {offsets = [7808, 0], sizes = [128, 64], strides = [1, 1]} : vector<16384x64xf32> to vector<128x64xf32>
    %swap3A_253 = arith.constant 3840 : index
    %swap3A_254 = arith.constant 64 : index
    %swap3A_255 = vector.load %arg2[%swap3A_253, %swap3A_254] : memref<8192x128xf32, #tpu.memory_space<vmem>>, vector<128x64xf32>
    tpu.vector_store %arg2[%swap3A_253, %swap3A_254], %slice3A_252 {strides = array<i32>} : memref<8192x128xf32, #tpu.memory_space<vmem>>, vector<128x64xf32>,
    %slice3A_256 = vector.extract_strided_slice %dot_general3A_9 {offsets = [7936, 0], sizes = [128, 64], strides = [1, 1]} : vector<16384x64xf32> to vector<128x64xf32>
    %swap3A_257 = arith.constant 3968 : index
    %swap3A_258 = arith.constant 0 : index
    %swap3A_259 = vector.load %arg2[%swap3A_257, %swap3A_258] : memref<8192x128xf32, #tpu.memory_space<vmem>>, vector<128x64xf32>
    tpu.vector_store %arg2[%swap3A_257, %swap3A_258], %slice3A_256 {strides = array<i32>} : memref<8192x128xf32, #tpu.memory_space<vmem>>, vector<128x64xf32>,
    %slice3A_260 = vector.extract_strided_slice %dot_general3A_9 {offsets = [8064, 0], sizes = [128, 64], strides = [1, 1]} : vector<16384x64xf32> to vector<128x64xf32>
    %swap3A_261 = arith.constant 3968 : index
    %swap3A_262 = arith.constant 64 : index
    %swap3A_263 = vector.load %arg2[%swap3A_261, %swap3A_262] : memref<8192x128xf32, #tpu.memory_space<vmem>>, vector<128x64xf32>
    tpu.vector_store %arg2[%swap3A_261, %swap3A_262], %slice3A_260 {strides = array<i32>} : memref<8192x128xf32, #tpu.memory_space<vmem>>, vector<128x64xf32>,
    %slice3A_264 = vector.extract_strided_slice %dot_general3A_9 {offsets = [8192, 0], sizes = [128, 64], strides = [1, 1]} : vector<16384x64xf32> to vector<128x64xf32>
    %swap3A_265 = arith.constant 4096 : index
    %swap3A_266 = arith.constant 0 : index
    %swap3A_267 = vector.load %arg2[%swap3A_265, %swap3A_266] : memref<8192x128xf32, #tpu.memory_space<vmem>>, vector<128x64xf32>
    tpu.vector_store %arg2[%swap3A_265, %swap3A_266], %slice3A_264 {strides = array<i32>} : memref<8192x128xf32, #tpu.memory_space<vmem>>, vector<128x64xf32>,
    %slice3A_268 = vector.extract_strided_slice %dot_general3A_9 {offsets = [8320, 0], sizes = [128, 64], strides = [1, 1]} : vector<16384x64xf32> to vector<128x64xf32>
    %swap3A_269 = arith.constant 4096 : index
    %swap3A_270 = arith.constant 64 : index
    %swap3A_271 = vector.load %arg2[%swap3A_269, %swap3A_270] : memref<8192x128xf32, #tpu.memory_space<vmem>>, vector<128x64xf32>
    tpu.vector_store %arg2[%swap3A_269, %swap3A_270], %slice3A_268 {strides = array<i32>} : memref<8192x128xf32, #tpu.memory_space<vmem>>, vector<128x64xf32>,
    %slice3A_272 = vector.extract_strided_slice %dot_general3A_9 {offsets = [8448, 0], sizes = [128, 64], strides = [1, 1]} : vector<16384x64xf32> to vector<128x64xf32>
    %swap3A_273 = arith.constant 4224 : index
    %swap3A_274 = arith.constant 0 : index
    %swap3A_275 = vector.load %arg2[%swap3A_273, %swap3A_274] : memref<8192x128xf32, #tpu.memory_space<vmem>>, vector<128x64xf32>
    tpu.vector_store %arg2[%swap3A_273, %swap3A_274], %slice3A_272 {strides = array<i32>} : memref<8192x128xf32, #tpu.memory_space<vmem>>, vector<128x64xf32>,
    %slice3A_276 = vector.extract_strided_slice %dot_general3A_9 {offsets = [8576, 0], sizes = [128, 64], strides = [1, 1]} : vector<16384x64xf32> to vector<128x64xf32>
    %swap3A_277 = arith.constant 4224 : index
    %swap3A_278 = arith.constant 64 : index
    %swap3A_279 = vector.load %arg2[%swap3A_277, %swap3A_278] : memref<8192x128xf32, #tpu.memory_space<vmem>>, vector<128x64xf32>
    tpu.vector_store %arg2[%swap3A_277, %swap3A_278], %slice3A_276 {strides = array<i32>} : memref<8192x128xf32, #tpu.memory_space<vmem>>, vector<128x64xf32>,
    %slice3A_280 = vector.extract_strided_slice %dot_general3A_9 {offsets = [8704, 0], sizes = [128, 64], strides = [1, 1]} : vector<16384x64xf32> to vector<128x64xf32>
    %swap3A_281 = arith.constant 4352 : index
    %swap3A_282 = arith.constant 0 : index
    %swap3A_283 = vector.load %arg2[%swap3A_281, %swap3A_282] : memref<8192x128xf32, #tpu.memory_space<vmem>>, vector<128x64xf32>
    tpu.vector_store %arg2[%swap3A_281, %swap3A_282], %slice3A_280 {strides = array<i32>} : memref<8192x128xf32, #tpu.memory_space<vmem>>, vector<128x64xf32>,
    %slice3A_284 = vector.extract_strided_slice %dot_general3A_9 {offsets = [8832, 0], sizes = [128, 64], strides = [1, 1]} : vector<16384x64xf32> to vector<128x64xf32>
    %swap3A_285 = arith.constant 4352 : index
    %swap3A_286 = arith.constant 64 : index
    %swap3A_287 = vector.load %arg2[%swap3A_285, %swap3A_286] : memref<8192x128xf32, #tpu.memory_space<vmem>>, vector<128x64xf32>
    tpu.vector_store %arg2[%swap3A_285, %swap3A_286], %slice3A_284 {strides = array<i32>} : memref<8192x128xf32, #tpu.memory_space<vmem>>, vector<128x64xf32>,
    %slice3A_288 = vector.extract_strided_slice %dot_general3A_9 {offsets = [8960, 0], sizes = [128, 64], strides = [1, 1]} : vector<16384x64xf32> to vector<128x64xf32>
    %swap3A_289 = arith.constant 4480 : index
    %swap3A_290 = arith.constant 0 : index
    %swap3A_291 = vector.load %arg2[%swap3A_289, %swap3A_290] : memref<8192x128xf32, #tpu.memory_space<vmem>>, vector<128x64xf32>
    tpu.vector_store %arg2[%swap3A_289, %swap3A_290], %slice3A_288 {strides = array<i32>} : memref<8192x128xf32, #tpu.memory_space<vmem>>, vector<128x64xf32>,
    %slice3A_292 = vector.extract_strided_slice %dot_general3A_9 {offsets = [9088, 0], sizes = [128, 64], strides = [1, 1]} : vector<16384x64xf32> to vector<128x64xf32>
    %swap3A_293 = arith.constant 4480 : index
    %swap3A_294 = arith.constant 64 : index
    %swap3A_295 = vector.load %arg2[%swap3A_293, %swap3A_294] : memref<8192x128xf32, #tpu.memory_space<vmem>>, vector<128x64xf32>
    tpu.vector_store %arg2[%swap3A_293, %swap3A_294], %slice3A_292 {strides = array<i32>} : memref<8192x128xf32, #tpu.memory_space<vmem>>, vector<128x64xf32>,
    %slice3A_296 = vector.extract_strided_slice %dot_general3A_9 {offsets = [9216, 0], sizes = [128, 64], strides = [1, 1]} : vector<16384x64xf32> to vector<128x64xf32>
    %swap3A_297 = arith.constant 4608 : index
    %swap3A_298 = arith.constant 0 : index
    %swap3A_299 = vector.load %arg2[%swap3A_297, %swap3A_298] : memref<8192x128xf32, #tpu.memory_space<vmem>>, vector<128x64xf32>
    tpu.vector_store %arg2[%swap3A_297, %swap3A_298], %slice3A_296 {strides = array<i32>} : memref<8192x128xf32, #tpu.memory_space<vmem>>, vector<128x64xf32>,
    %slice3A_300 = vector.extract_strided_slice %dot_general3A_9 {offsets = [9344, 0], sizes = [128, 64], strides = [1, 1]} : vector<16384x64xf32> to vector<128x64xf32>
    %swap3A_301 = arith.constant 4608 : index
    %swap3A_302 = arith.constant 64 : index
    %swap3A_303 = vector.load %arg2[%swap3A_301, %swap3A_302] : memref<8192x128xf32, #tpu.memory_space<vmem>>, vector<128x64xf32>
    tpu.vector_store %arg2[%swap3A_301, %swap3A_302], %slice3A_300 {strides = array<i32>} : memref<8192x128xf32, #tpu.memory_space<vmem>>, vector<128x64xf32>,
    %slice3A_304 = vector.extract_strided_slice %dot_general3A_9 {offsets = [9472, 0], sizes = [128, 64], strides = [1, 1]} : vector<16384x64xf32> to vector<128x64xf32>
    %swap3A_305 = arith.constant 4736 : index
    %swap3A_306 = arith.constant 0 : index
    %swap3A_307 = vector.load %arg2[%swap3A_305, %swap3A_306] : memref<8192x128xf32, #tpu.memory_space<vmem>>, vector<128x64xf32>
    tpu.vector_store %arg2[%swap3A_305, %swap3A_306], %slice3A_304 {strides = array<i32>} : memref<8192x128xf32, #tpu.memory_space<vmem>>, vector<128x64xf32>,
    %slice3A_308 = vector.extract_strided_slice %dot_general3A_9 {offsets = [9600, 0], sizes = [128, 64], strides = [1, 1]} : vector<16384x64xf32> to vector<128x64xf32>
    %swap3A_309 = arith.constant 4736 : index
    %swap3A_310 = arith.constant 64 : index
    %swap3A_311 = vector.load %arg2[%swap3A_309, %swap3A_310] : memref<8192x128xf32, #tpu.memory_space<vmem>>, vector<128x64xf32>
    tpu.vector_store %arg2[%swap3A_309, %swap3A_310], %slice3A_308 {strides = array<i32>} : memref<8192x128xf32, #tpu.memory_space<vmem>>, vector<128x64xf32>,
    %slice3A_312 = vector.extract_strided_slice %dot_general3A_9 {offsets = [9728, 0], sizes = [128, 64], strides = [1, 1]} : vector<16384x64xf32> to vector<128x64xf32>
    %swap3A_313 = arith.constant 4864 : index
    %swap3A_314 = arith.constant 0 : index
    %swap3A_315 = vector.load %arg2[%swap3A_313, %swap3A_314] : memref<8192x128xf32, #tpu.memory_space<vmem>>, vector<128x64xf32>
    tpu.vector_store %arg2[%swap3A_313, %swap3A_314], %slice3A_312 {strides = array<i32>} : memref<8192x128xf32, #tpu.memory_space<vmem>>, vector<128x64xf32>,
    %slice3A_316 = vector.extract_strided_slice %dot_general3A_9 {offsets = [9856, 0], sizes = [128, 64], strides = [1, 1]} : vector<16384x64xf32> to vector<128x64xf32>
    %swap3A_317 = arith.constant 4864 : index
    %swap3A_318 = arith.constant 64 : index
    %swap3A_319 = vector.load %arg2[%swap3A_317, %swap3A_318] : memref<8192x128xf32, #tpu.memory_space<vmem>>, vector<128x64xf32>
    tpu.vector_store %arg2[%swap3A_317, %swap3A_318], %slice3A_316 {strides = array<i32>} : memref<8192x128xf32, #tpu.memory_space<vmem>>, vector<128x64xf32>,
    %slice3A_320 = vector.extract_strided_slice %dot_general3A_9 {offsets = [9984, 0], sizes = [128, 64], strides = [1, 1]} : vector<16384x64xf32> to vector<128x64xf32>
    %swap3A_321 = arith.constant 4992 : index
    %swap3A_322 = arith.constant 0 : index
    %swap3A_323 = vector.load %arg2[%swap3A_321, %swap3A_322] : memref<8192x128xf32, #tpu.memory_space<vmem>>, vector<128x64xf32>
    tpu.vector_store %arg2[%swap3A_321, %swap3A_322], %slice3A_320 {strides = array<i32>} : memref<8192x128xf32, #tpu.memory_space<vmem>>, vector<128x64xf32>,
    %slice3A_324 = vector.extract_strided_slice %dot_general3A_9 {offsets = [10112, 0], sizes = [128, 64], strides = [1, 1]} : vector<16384x64xf32> to vector<128x64xf32>
    %swap3A_325 = arith.constant 4992 : index
    %swap3A_326 = arith.constant 64 : index
    %swap3A_327 = vector.load %arg2[%swap3A_325, %swap3A_326] : memref<8192x128xf32, #tpu.memory_space<vmem>>, vector<128x64xf32>
    tpu.vector_store %arg2[%swap3A_325, %swap3A_326], %slice3A_324 {strides = array<i32>} : memref<8192x128xf32, #tpu.memory_space<vmem>>, vector<128x64xf32>,
    %slice3A_328 = vector.extract_strided_slice %dot_general3A_9 {offsets = [10240, 0], sizes = [128, 64], strides = [1, 1]} : vector<16384x64xf32> to vector<128x64xf32>
    %swap3A_329 = arith.constant 5120 : index
    %swap3A_330 = arith.constant 0 : index
    %swap3A_331 = vector.load %arg2[%swap3A_329, %swap3A_330] : memref<8192x128xf32, #tpu.memory_space<vmem>>, vector<128x64xf32>
    tpu.vector_store %arg2[%swap3A_329, %swap3A_330], %slice3A_328 {strides = array<i32>} : memref<8192x128xf32, #tpu.memory_space<vmem>>, vector<128x64xf32>,
    %slice3A_332 = vector.extract_strided_slice %dot_general3A_9 {offsets = [10368, 0], sizes = [128, 64], strides = [1, 1]} : vector<16384x64xf32> to vector<128x64xf32>
    %swap3A_333 = arith.constant 5120 : index
    %swap3A_334 = arith.constant 64 : index
    %swap3A_335 = vector.load %arg2[%swap3A_333, %swap3A_334] : memref<8192x128xf32, #tpu.memory_space<vmem>>, vector<128x64xf32>
    tpu.vector_store %arg2[%swap3A_333, %swap3A_334], %slice3A_332 {strides = array<i32>} : memref<8192x128xf32, #tpu.memory_space<vmem>>, vector<128x64xf32>,
    %slice3A_336 = vector.extract_strided_slice %dot_general3A_9 {offsets = [10496, 0], sizes = [128, 64], strides = [1, 1]} : vector<16384x64xf32> to vector<128x64xf32>
    %swap3A_337 = arith.constant 5248 : index
    %swap3A_338 = arith.constant 0 : index
    %swap3A_339 = vector.load %arg2[%swap3A_337, %swap3A_338] : memref<8192x128xf32, #tpu.memory_space<vmem>>, vector<128x64xf32>
    tpu.vector_store %arg2[%swap3A_337, %swap3A_338], %slice3A_336 {strides = array<i32>} : memref<8192x128xf32, #tpu.memory_space<vmem>>, vector<128x64xf32>,
    %slice3A_340 = vector.extract_strided_slice %dot_general3A_9 {offsets = [10624, 0], sizes = [128, 64], strides = [1, 1]} : vector<16384x64xf32> to vector<128x64xf32>
    %swap3A_341 = arith.constant 5248 : index
    %swap3A_342 = arith.constant 64 : index
    %swap3A_343 = vector.load %arg2[%swap3A_341, %swap3A_342] : memref<8192x128xf32, #tpu.memory_space<vmem>>, vector<128x64xf32>
    tpu.vector_store %arg2[%swap3A_341, %swap3A_342], %slice3A_340 {strides = array<i32>} : memref<8192x128xf32, #tpu.memory_space<vmem>>, vector<128x64xf32>,
    %slice3A_344 = vector.extract_strided_slice %dot_general3A_9 {offsets = [10752, 0], sizes = [128, 64], strides = [1, 1]} : vector<16384x64xf32> to vector<128x64xf32>
    %swap3A_345 = arith.constant 5376 : index
    %swap3A_346 = arith.constant 0 : index
    %swap3A_347 = vector.load %arg2[%swap3A_345, %swap3A_346] : memref<8192x128xf32, #tpu.memory_space<vmem>>, vector<128x64xf32>
    tpu.vector_store %arg2[%swap3A_345, %swap3A_346], %slice3A_344 {strides = array<i32>} : memref<8192x128xf32, #tpu.memory_space<vmem>>, vector<128x64xf32>,
    %slice3A_348 = vector.extract_strided_slice %dot_general3A_9 {offsets = [10880, 0], sizes = [128, 64], strides = [1, 1]} : vector<16384x64xf32> to vector<128x64xf32>
    %swap3A_349 = arith.constant 5376 : index
    %swap3A_350 = arith.constant 64 : index
    %swap3A_351 = vector.load %arg2[%swap3A_349, %swap3A_350] : memref<8192x128xf32, #tpu.memory_space<vmem>>, vector<128x64xf32>
    tpu.vector_store %arg2[%swap3A_349, %swap3A_350], %slice3A_348 {strides = array<i32>} : memref<8192x128xf32, #tpu.memory_space<vmem>>, vector<128x64xf32>,
    %slice3A_352 = vector.extract_strided_slice %dot_general3A_9 {offsets = [11008, 0], sizes = [128, 64], strides = [1, 1]} : vector<16384x64xf32> to vector<128x64xf32>
    %swap3A_353 = arith.constant 5504 : index
    %swap3A_354 = arith.constant 0 : index
    %swap3A_355 = vector.load %arg2[%swap3A_353, %swap3A_354] : memref<8192x128xf32, #tpu.memory_space<vmem>>, vector<128x64xf32>
    tpu.vector_store %arg2[%swap3A_353, %swap3A_354], %slice3A_352 {strides = array<i32>} : memref<8192x128xf32, #tpu.memory_space<vmem>>, vector<128x64xf32>,
    %slice3A_356 = vector.extract_strided_slice %dot_general3A_9 {offsets = [11136, 0], sizes = [128, 64], strides = [1, 1]} : vector<16384x64xf32> to vector<128x64xf32>
    %swap3A_357 = arith.constant 5504 : index
    %swap3A_358 = arith.constant 64 : index
    %swap3A_359 = vector.load %arg2[%swap3A_357, %swap3A_358] : memref<8192x128xf32, #tpu.memory_space<vmem>>, vector<128x64xf32>
    tpu.vector_store %arg2[%swap3A_357, %swap3A_358], %slice3A_356 {strides = array<i32>} : memref<8192x128xf32, #tpu.memory_space<vmem>>, vector<128x64xf32>,
    %slice3A_360 = vector.extract_strided_slice %dot_general3A_9 {offsets = [11264, 0], sizes = [128, 64], strides = [1, 1]} : vector<16384x64xf32> to vector<128x64xf32>
    %swap3A_361 = arith.constant 5632 : index
    %swap3A_362 = arith.constant 0 : index
    %swap3A_363 = vector.load %arg2[%swap3A_361, %swap3A_362] : memref<8192x128xf32, #tpu.memory_space<vmem>>, vector<128x64xf32>
    tpu.vector_store %arg2[%swap3A_361, %swap3A_362], %slice3A_360 {strides = array<i32>} : memref<8192x128xf32, #tpu.memory_space<vmem>>, vector<128x64xf32>,
    %slice3A_364 = vector.extract_strided_slice %dot_general3A_9 {offsets = [11392, 0], sizes = [128, 64], strides = [1, 1]} : vector<16384x64xf32> to vector<128x64xf32>
    %swap3A_365 = arith.constant 5632 : index
    %swap3A_366 = arith.constant 64 : index
    %swap3A_367 = vector.load %arg2[%swap3A_365, %swap3A_366] : memref<8192x128xf32, #tpu.memory_space<vmem>>, vector<128x64xf32>
    tpu.vector_store %arg2[%swap3A_365, %swap3A_366], %slice3A_364 {strides = array<i32>} : memref<8192x128xf32, #tpu.memory_space<vmem>>, vector<128x64xf32>,
    %slice3A_368 = vector.extract_strided_slice %dot_general3A_9 {offsets = [11520, 0], sizes = [128, 64], strides = [1, 1]} : vector<16384x64xf32> to vector<128x64xf32>
    %swap3A_369 = arith.constant 5760 : index
    %swap3A_370 = arith.constant 0 : index
    %swap3A_371 = vector.load %arg2[%swap3A_369, %swap3A_370] : memref<8192x128xf32, #tpu.memory_space<vmem>>, vector<128x64xf32>
    tpu.vector_store %arg2[%swap3A_369, %swap3A_370], %slice3A_368 {strides = array<i32>} : memref<8192x128xf32, #tpu.memory_space<vmem>>, vector<128x64xf32>,
    %slice3A_372 = vector.extract_strided_slice %dot_general3A_9 {offsets = [11648, 0], sizes = [128, 64], strides = [1, 1]} : vector<16384x64xf32> to vector<128x64xf32>
    %swap3A_373 = arith.constant 5760 : index
    %swap3A_374 = arith.constant 64 : index
    %swap3A_375 = vector.load %arg2[%swap3A_373, %swap3A_374] : memref<8192x128xf32, #tpu.memory_space<vmem>>, vector<128x64xf32>
    tpu.vector_store %arg2[%swap3A_373, %swap3A_374], %slice3A_372 {strides = array<i32>} : memref<8192x128xf32, #tpu.memory_space<vmem>>, vector<128x64xf32>,
    %slice3A_376 = vector.extract_strided_slice %dot_general3A_9 {offsets = [11776, 0], sizes = [128, 64], strides = [1, 1]} : vector<16384x64xf32> to vector<128x64xf32>
    %swap3A_377 = arith.constant 5888 : index
    %swap3A_378 = arith.constant 0 : index
    %swap3A_379 = vector.load %arg2[%swap3A_377, %swap3A_378] : memref<8192x128xf32, #tpu.memory_space<vmem>>, vector<128x64xf32>
    tpu.vector_store %arg2[%swap3A_377, %swap3A_378], %slice3A_376 {strides = array<i32>} : memref<8192x128xf32, #tpu.memory_space<vmem>>, vector<128x64xf32>,
    %slice3A_380 = vector.extract_strided_slice %dot_general3A_9 {offsets = [11904, 0], sizes = [128, 64], strides = [1, 1]} : vector<16384x64xf32> to vector<128x64xf32>
    %swap3A_381 = arith.constant 5888 : index
    %swap3A_382 = arith.constant 64 : index
    %swap3A_383 = vector.load %arg2[%swap3A_381, %swap3A_382] : memref<8192x128xf32, #tpu.memory_space<vmem>>, vector<128x64xf32>
    tpu.vector_store %arg2[%swap3A_381, %swap3A_382], %slice3A_380 {strides = array<i32>} : memref<8192x128xf32, #tpu.memory_space<vmem>>, vector<128x64xf32>,
    %slice3A_384 = vector.extract_strided_slice %dot_general3A_9 {offsets = [12032, 0], sizes = [128, 64], strides = [1, 1]} : vector<16384x64xf32> to vector<128x64xf32>
    %swap3A_385 = arith.constant 6016 : index
    %swap3A_386 = arith.constant 0 : index
    %swap3A_387 = vector.load %arg2[%swap3A_385, %swap3A_386] : memref<8192x128xf32, #tpu.memory_space<vmem>>, vector<128x64xf32>
    tpu.vector_store %arg2[%swap3A_385, %swap3A_386], %slice3A_384 {strides = array<i32>} : memref<8192x128xf32, #tpu.memory_space<vmem>>, vector<128x64xf32>,
    %slice3A_388 = vector.extract_strided_slice %dot_general3A_9 {offsets = [12160, 0], sizes = [128, 64], strides = [1, 1]} : vector<16384x64xf32> to vector<128x64xf32>
    %swap3A_389 = arith.constant 6016 : index
    %swap3A_390 = arith.constant 64 : index
    %swap3A_391 = vector.load %arg2[%swap3A_389, %swap3A_390] : memref<8192x128xf32, #tpu.memory_space<vmem>>, vector<128x64xf32>
    tpu.vector_store %arg2[%swap3A_389, %swap3A_390], %slice3A_388 {strides = array<i32>} : memref<8192x128xf32, #tpu.memory_space<vmem>>, vector<128x64xf32>,
    %slice3A_392 = vector.extract_strided_slice %dot_general3A_9 {offsets = [12288, 0], sizes = [128, 64], strides = [1, 1]} : vector<16384x64xf32> to vector<128x64xf32>
    %swap3A_393 = arith.constant 6144 : index
    %swap3A_394 = arith.constant 0 : index
    %swap3A_395 = vector.load %arg2[%swap3A_393, %swap3A_394] : memref<8192x128xf32, #tpu.memory_space<vmem>>, vector<128x64xf32>
    tpu.vector_store %arg2[%swap3A_393, %swap3A_394], %slice3A_392 {strides = array<i32>} : memref<8192x128xf32, #tpu.memory_space<vmem>>, vector<128x64xf32>,
    %slice3A_396 = vector.extract_strided_slice %dot_general3A_9 {offsets = [12416, 0], sizes = [128, 64], strides = [1, 1]} : vector<16384x64xf32> to vector<128x64xf32>
    %swap3A_397 = arith.constant 6144 : index
    %swap3A_398 = arith.constant 64 : index
    %swap3A_399 = vector.load %arg2[%swap3A_397, %swap3A_398] : memref<8192x128xf32, #tpu.memory_space<vmem>>, vector<128x64xf32>
    tpu.vector_store %arg2[%swap3A_397, %swap3A_398], %slice3A_396 {strides = array<i32>} : memref<8192x128xf32, #tpu.memory_space<vmem>>, vector<128x64xf32>,
    %slice3A_400 = vector.extract_strided_slice %dot_general3A_9 {offsets = [12544, 0], sizes = [128, 64], strides = [1, 1]} : vector<16384x64xf32> to vector<128x64xf32>
    %swap3A_401 = arith.constant 6272 : index
    %swap3A_402 = arith.constant 0 : index
    %swap3A_403 = vector.load %arg2[%swap3A_401, %swap3A_402] : memref<8192x128xf32, #tpu.memory_space<vmem>>, vector<128x64xf32>
    tpu.vector_store %arg2[%swap3A_401, %swap3A_402], %slice3A_400 {strides = array<i32>} : memref<8192x128xf32, #tpu.memory_space<vmem>>, vector<128x64xf32>,
    %slice3A_404 = vector.extract_strided_slice %dot_general3A_9 {offsets = [12672, 0], sizes = [128, 64], strides = [1, 1]} : vector<16384x64xf32> to vector<128x64xf32>
    %swap3A_405 = arith.constant 6272 : index
    %swap3A_406 = arith.constant 64 : index
    %swap3A_407 = vector.load %arg2[%swap3A_405, %swap3A_406] : memref<8192x128xf32, #tpu.memory_space<vmem>>, vector<128x64xf32>
    tpu.vector_store %arg2[%swap3A_405, %swap3A_406], %slice3A_404 {strides = array<i32>} : memref<8192x128xf32, #tpu.memory_space<vmem>>, vector<128x64xf32>,
    %slice3A_408 = vector.extract_strided_slice %dot_general3A_9 {offsets = [12800, 0], sizes = [128, 64], strides = [1, 1]} : vector<16384x64xf32> to vector<128x64xf32>
    %swap3A_409 = arith.constant 6400 : index
    %swap3A_410 = arith.constant 0 : index
    %swap3A_411 = vector.load %arg2[%swap3A_409, %swap3A_410] : memref<8192x128xf32, #tpu.memory_space<vmem>>, vector<128x64xf32>
    tpu.vector_store %arg2[%swap3A_409, %swap3A_410], %slice3A_408 {strides = array<i32>} : memref<8192x128xf32, #tpu.memory_space<vmem>>, vector<128x64xf32>,
    %slice3A_412 = vector.extract_strided_slice %dot_general3A_9 {offsets = [12928, 0], sizes = [128, 64], strides = [1, 1]} : vector<16384x64xf32> to vector<128x64xf32>
    %swap3A_413 = arith.constant 6400 : index
    %swap3A_414 = arith.constant 64 : index
    %swap3A_415 = vector.load %arg2[%swap3A_413, %swap3A_414] : memref<8192x128xf32, #tpu.memory_space<vmem>>, vector<128x64xf32>
    tpu.vector_store %arg2[%swap3A_413, %swap3A_414], %slice3A_412 {strides = array<i32>} : memref<8192x128xf32, #tpu.memory_space<vmem>>, vector<128x64xf32>,
    %slice3A_416 = vector.extract_strided_slice %dot_general3A_9 {offsets = [13056, 0], sizes = [128, 64], strides = [1, 1]} : vector<16384x64xf32> to vector<128x64xf32>
    %swap3A_417 = arith.constant 6528 : index
    %swap3A_418 = arith.constant 0 : index
    %swap3A_419 = vector.load %arg2[%swap3A_417, %swap3A_418] : memref<8192x128xf32, #tpu.memory_space<vmem>>, vector<128x64xf32>
    tpu.vector_store %arg2[%swap3A_417, %swap3A_418], %slice3A_416 {strides = array<i32>} : memref<8192x128xf32, #tpu.memory_space<vmem>>, vector<128x64xf32>,
    %slice3A_420 = vector.extract_strided_slice %dot_general3A_9 {offsets = [13184, 0], sizes = [128, 64], strides = [1, 1]} : vector<16384x64xf32> to vector<128x64xf32>
    %swap3A_421 = arith.constant 6528 : index
    %swap3A_422 = arith.constant 64 : index
    %swap3A_423 = vector.load %arg2[%swap3A_421, %swap3A_422] : memref<8192x128xf32, #tpu.memory_space<vmem>>, vector<128x64xf32>
    tpu.vector_store %arg2[%swap3A_421, %swap3A_422], %slice3A_420 {strides = array<i32>} : memref<8192x128xf32, #tpu.memory_space<vmem>>, vector<128x64xf32>,
    %slice3A_424 = vector.extract_strided_slice %dot_general3A_9 {offsets = [13312, 0], sizes = [128, 64], strides = [1, 1]} : vector<16384x64xf32> to vector<128x64xf32>
    %swap3A_425 = arith.constant 6656 : index
    %swap3A_426 = arith.constant 0 : index
    %swap3A_427 = vector.load %arg2[%swap3A_425, %swap3A_426] : memref<8192x128xf32, #tpu.memory_space<vmem>>, vector<128x64xf32>
    tpu.vector_store %arg2[%swap3A_425, %swap3A_426], %slice3A_424 {strides = array<i32>} : memref<8192x128xf32, #tpu.memory_space<vmem>>, vector<128x64xf32>,
    %slice3A_428 = vector.extract_strided_slice %dot_general3A_9 {offsets = [13440, 0], sizes = [128, 64], strides = [1, 1]} : vector<16384x64xf32> to vector<128x64xf32>
    %swap3A_429 = arith.constant 6656 : index
    %swap3A_430 = arith.constant 64 : index
    %swap3A_431 = vector.load %arg2[%swap3A_429, %swap3A_430] : memref<8192x128xf32, #tpu.memory_space<vmem>>, vector<128x64xf32>
    tpu.vector_store %arg2[%swap3A_429, %swap3A_430], %slice3A_428 {strides = array<i32>} : memref<8192x128xf32, #tpu.memory_space<vmem>>, vector<128x64xf32>,
    %slice3A_432 = vector.extract_strided_slice %dot_general3A_9 {offsets = [13568, 0], sizes = [128, 64], strides = [1, 1]} : vector<16384x64xf32> to vector<128x64xf32>
    %swap3A_433 = arith.constant 6784 : index
    %swap3A_434 = arith.constant 0 : index
    %swap3A_435 = vector.load %arg2[%swap3A_433, %swap3A_434] : memref<8192x128xf32, #tpu.memory_space<vmem>>, vector<128x64xf32>
    tpu.vector_store %arg2[%swap3A_433, %swap3A_434], %slice3A_432 {strides = array<i32>} : memref<8192x128xf32, #tpu.memory_space<vmem>>, vector<128x64xf32>,
    %slice3A_436 = vector.extract_strided_slice %dot_general3A_9 {offsets = [13696, 0], sizes = [128, 64], strides = [1, 1]} : vector<16384x64xf32> to vector<128x64xf32>
    %swap3A_437 = arith.constant 6784 : index
    %swap3A_438 = arith.constant 64 : index
    %swap3A_439 = vector.load %arg2[%swap3A_437, %swap3A_438] : memref<8192x128xf32, #tpu.memory_space<vmem>>, vector<128x64xf32>
    tpu.vector_store %arg2[%swap3A_437, %swap3A_438], %slice3A_436 {strides = array<i32>} : memref<8192x128xf32, #tpu.memory_space<vmem>>, vector<128x64xf32>,
    %slice3A_440 = vector.extract_strided_slice %dot_general3A_9 {offsets = [13824, 0], sizes = [128, 64], strides = [1, 1]} : vector<16384x64xf32> to vector<128x64xf32>
    %swap3A_441 = arith.constant 6912 : index
    %swap3A_442 = arith.constant 0 : index
    %swap3A_443 = vector.load %arg2[%swap3A_441, %swap3A_442] : memref<8192x128xf32, #tpu.memory_space<vmem>>, vector<128x64xf32>
    tpu.vector_store %arg2[%swap3A_441, %swap3A_442], %slice3A_440 {strides = array<i32>} : memref<8192x128xf32, #tpu.memory_space<vmem>>, vector<128x64xf32>,
    %slice3A_444 = vector.extract_strided_slice %dot_general3A_9 {offsets = [13952, 0], sizes = [128, 64], strides = [1, 1]} : vector<16384x64xf32> to vector<128x64xf32>
    %swap3A_445 = arith.constant 6912 : index
    %swap3A_446 = arith.constant 64 : index
    %swap3A_447 = vector.load %arg2[%swap3A_445, %swap3A_446] : memref<8192x128xf32, #tpu.memory_space<vmem>>, vector<128x64xf32>
    tpu.vector_store %arg2[%swap3A_445, %swap3A_446], %slice3A_444 {strides = array<i32>} : memref<8192x128xf32, #tpu.memory_space<vmem>>, vector<128x64xf32>,
    %slice3A_448 = vector.extract_strided_slice %dot_general3A_9 {offsets = [14080, 0], sizes = [128, 64], strides = [1, 1]} : vector<16384x64xf32> to vector<128x64xf32>
    %swap3A_449 = arith.constant 7040 : index
    %swap3A_450 = arith.constant 0 : index
    %swap3A_451 = vector.load %arg2[%swap3A_449, %swap3A_450] : memref<8192x128xf32, #tpu.memory_space<vmem>>, vector<128x64xf32>
    tpu.vector_store %arg2[%swap3A_449, %swap3A_450], %slice3A_448 {strides = array<i32>} : memref<8192x128xf32, #tpu.memory_space<vmem>>, vector<128x64xf32>,
    %slice3A_452 = vector.extract_strided_slice %dot_general3A_9 {offsets = [14208, 0], sizes = [128, 64], strides = [1, 1]} : vector<16384x64xf32> to vector<128x64xf32>
    %swap3A_453 = arith.constant 7040 : index
    %swap3A_454 = arith.constant 64 : index
    %swap3A_455 = vector.load %arg2[%swap3A_453, %swap3A_454] : memref<8192x128xf32, #tpu.memory_space<vmem>>, vector<128x64xf32>
    tpu.vector_store %arg2[%swap3A_453, %swap3A_454], %slice3A_452 {strides = array<i32>} : memref<8192x128xf32, #tpu.memory_space<vmem>>, vector<128x64xf32>,
    %slice3A_456 = vector.extract_strided_slice %dot_general3A_9 {offsets = [14336, 0], sizes = [128, 64], strides = [1, 1]} : vector<16384x64xf32> to vector<128x64xf32>
    %swap3A_457 = arith.constant 7168 : index
    %swap3A_458 = arith.constant 0 : index
    %swap3A_459 = vector.load %arg2[%swap3A_457, %swap3A_458] : memref<8192x128xf32, #tpu.memory_space<vmem>>, vector<128x64xf32>
    tpu.vector_store %arg2[%swap3A_457, %swap3A_458], %slice3A_456 {strides = array<i32>} : memref<8192x128xf32, #tpu.memory_space<vmem>>, vector<128x64xf32>,
    %slice3A_460 = vector.extract_strided_slice %dot_general3A_9 {offsets = [14464, 0], sizes = [128, 64], strides = [1, 1]} : vector<16384x64xf32> to vector<128x64xf32>
    %swap3A_461 = arith.constant 7168 : index
    %swap3A_462 = arith.constant 64 : index
    %swap3A_463 = vector.load %arg2[%swap3A_461, %swap3A_462] : memref<8192x128xf32, #tpu.memory_space<vmem>>, vector<128x64xf32>
    tpu.vector_store %arg2[%swap3A_461, %swap3A_462], %slice3A_460 {strides = array<i32>} : memref<8192x128xf32, #tpu.memory_space<vmem>>, vector<128x64xf32>,
    %slice3A_464 = vector.extract_strided_slice %dot_general3A_9 {offsets = [14592, 0], sizes = [128, 64], strides = [1, 1]} : vector<16384x64xf32> to vector<128x64xf32>
    %swap3A_465 = arith.constant 7296 : index
    %swap3A_466 = arith.constant 0 : index
    %swap3A_467 = vector.load %arg2[%swap3A_465, %swap3A_466] : memref<8192x128xf32, #tpu.memory_space<vmem>>, vector<128x64xf32>
    tpu.vector_store %arg2[%swap3A_465, %swap3A_466], %slice3A_464 {strides = array<i32>} : memref<8192x128xf32, #tpu.memory_space<vmem>>, vector<128x64xf32>,
    %slice3A_468 = vector.extract_strided_slice %dot_general3A_9 {offsets = [14720, 0], sizes = [128, 64], strides = [1, 1]} : vector<16384x64xf32> to vector<128x64xf32>
    %swap3A_469 = arith.constant 7296 : index
    %swap3A_470 = arith.constant 64 : index
    %swap3A_471 = vector.load %arg2[%swap3A_469, %swap3A_470] : memref<8192x128xf32, #tpu.memory_space<vmem>>, vector<128x64xf32>
    tpu.vector_store %arg2[%swap3A_469, %swap3A_470], %slice3A_468 {strides = array<i32>} : memref<8192x128xf32, #tpu.memory_space<vmem>>, vector<128x64xf32>,
    %slice3A_472 = vector.extract_strided_slice %dot_general3A_9 {offsets = [14848, 0], sizes = [128, 64], strides = [1, 1]} : vector<16384x64xf32> to vector<128x64xf32>
    %swap3A_473 = arith.constant 7424 : index
    %swap3A_474 = arith.constant 0 : index
    %swap3A_475 = vector.load %arg2[%swap3A_473, %swap3A_474] : memref<8192x128xf32, #tpu.memory_space<vmem>>, vector<128x64xf32>
    tpu.vector_store %arg2[%swap3A_473, %swap3A_474], %slice3A_472 {strides = array<i32>} : memref<8192x128xf32, #tpu.memory_space<vmem>>, vector<128x64xf32>,
    %slice3A_476 = vector.extract_strided_slice %dot_general3A_9 {offsets = [14976, 0], sizes = [128, 64], strides = [1, 1]} : vector<16384x64xf32> to vector<128x64xf32>
    %swap3A_477 = arith.constant 7424 : index
    %swap3A_478 = arith.constant 64 : index
    %swap3A_479 = vector.load %arg2[%swap3A_477, %swap3A_478] : memref<8192x128xf32, #tpu.memory_space<vmem>>, vector<128x64xf32>
    tpu.vector_store %arg2[%swap3A_477, %swap3A_478], %slice3A_476 {strides = array<i32>} : memref<8192x128xf32, #tpu.memory_space<vmem>>, vector<128x64xf32>,
    %slice3A_480 = vector.extract_strided_slice %dot_general3A_9 {offsets = [15104, 0], sizes = [128, 64], strides = [1, 1]} : vector<16384x64xf32> to vector<128x64xf32>
    %swap3A_481 = arith.constant 7552 : index
    %swap3A_482 = arith.constant 0 : index
    %swap3A_483 = vector.load %arg2[%swap3A_481, %swap3A_482] : memref<8192x128xf32, #tpu.memory_space<vmem>>, vector<128x64xf32>
    tpu.vector_store %arg2[%swap3A_481, %swap3A_482], %slice3A_480 {strides = array<i32>} : memref<8192x128xf32, #tpu.memory_space<vmem>>, vector<128x64xf32>,
    %slice3A_484 = vector.extract_strided_slice %dot_general3A_9 {offsets = [15232, 0], sizes = [128, 64], strides = [1, 1]} : vector<16384x64xf32> to vector<128x64xf32>
    %swap3A_485 = arith.constant 7552 : index
    %swap3A_486 = arith.constant 64 : index
    %swap3A_487 = vector.load %arg2[%swap3A_485, %swap3A_486] : memref<8192x128xf32, #tpu.memory_space<vmem>>, vector<128x64xf32>
    tpu.vector_store %arg2[%swap3A_485, %swap3A_486], %slice3A_484 {strides = array<i32>} : memref<8192x128xf32, #tpu.memory_space<vmem>>, vector<128x64xf32>,
    %slice3A_488 = vector.extract_strided_slice %dot_general3A_9 {offsets = [15360, 0], sizes = [128, 64], strides = [1, 1]} : vector<16384x64xf32> to vector<128x64xf32>
    %swap3A_489 = arith.constant 7680 : index
    %swap3A_490 = arith.constant 0 : index
    %swap3A_491 = vector.load %arg2[%swap3A_489, %swap3A_490] : memref<8192x128xf32, #tpu.memory_space<vmem>>, vector<128x64xf32>
    tpu.vector_store %arg2[%swap3A_489, %swap3A_490], %slice3A_488 {strides = array<i32>} : memref<8192x128xf32, #tpu.memory_space<vmem>>, vector<128x64xf32>,
    %slice3A_492 = vector.extract_strided_slice %dot_general3A_9 {offsets = [15488, 0], sizes = [128, 64], strides = [1, 1]} : vector<16384x64xf32> to vector<128x64xf32>
    %swap3A_493 = arith.constant 7680 : index
    %swap3A_494 = arith.constant 64 : index
    %swap3A_495 = vector.load %arg2[%swap3A_493, %swap3A_494] : memref<8192x128xf32, #tpu.memory_space<vmem>>, vector<128x64xf32>
    tpu.vector_store %arg2[%swap3A_493, %swap3A_494], %slice3A_492 {strides = array<i32>} : memref<8192x128xf32, #tpu.memory_space<vmem>>, vector<128x64xf32>,
    %slice3A_496 = vector.extract_strided_slice %dot_general3A_9 {offsets = [15616, 0], sizes = [128, 64], strides = [1, 1]} : vector<16384x64xf32> to vector<128x64xf32>
    %swap3A_497 = arith.constant 7808 : index
    %swap3A_498 = arith.constant 0 : index
    %swap3A_499 = vector.load %arg2[%swap3A_497, %swap3A_498] : memref<8192x128xf32, #tpu.memory_space<vmem>>, vector<128x64xf32>
    tpu.vector_store %arg2[%swap3A_497, %swap3A_498], %slice3A_496 {strides = array<i32>} : memref<8192x128xf32, #tpu.memory_space<vmem>>, vector<128x64xf32>,
    %slice3A_500 = vector.extract_strided_slice %dot_general3A_9 {offsets = [15744, 0], sizes = [128, 64], strides = [1, 1]} : vector<16384x64xf32> to vector<128x64xf32>
    %swap3A_501 = arith.constant 7808 : index
    %swap3A_502 = arith.constant 64 : index
    %swap3A_503 = vector.load %arg2[%swap3A_501, %swap3A_502] : memref<8192x128xf32, #tpu.memory_space<vmem>>, vector<128x64xf32>
    tpu.vector_store %arg2[%swap3A_501, %swap3A_502], %slice3A_500 {strides = array<i32>} : memref<8192x128xf32, #tpu.memory_space<vmem>>, vector<128x64xf32>,
    %slice3A_504 = vector.extract_strided_slice %dot_general3A_9 {offsets = [15872, 0], sizes = [128, 64], strides = [1, 1]} : vector<16384x64xf32> to vector<128x64xf32>
    %swap3A_505 = arith.constant 7936 : index
    %swap3A_506 = arith.constant 0 : index
    %swap3A_507 = vector.load %arg2[%swap3A_505, %swap3A_506] : memref<8192x128xf32, #tpu.memory_space<vmem>>, vector<128x64xf32>
    tpu.vector_store %arg2[%swap3A_505, %swap3A_506], %slice3A_504 {strides = array<i32>} : memref<8192x128xf32, #tpu.memory_space<vmem>>, vector<128x64xf32>,
    %slice3A_508 = vector.extract_strided_slice %dot_general3A_9 {offsets = [16000, 0], sizes = [128, 64], strides = [1, 1]} : vector<16384x64xf32> to vector<128x64xf32>
    %swap3A_509 = arith.constant 7936 : index
    %swap3A_510 = arith.constant 64 : index
    %swap3A_511 = vector.load %arg2[%swap3A_509, %swap3A_510] : memref<8192x128xf32, #tpu.memory_space<vmem>>, vector<128x64xf32>
    tpu.vector_store %arg2[%swap3A_509, %swap3A_510], %slice3A_508 {strides = array<i32>} : memref<8192x128xf32, #tpu.memory_space<vmem>>, vector<128x64xf32>,
    %slice3A_512 = vector.extract_strided_slice %dot_general3A_9 {offsets = [16128, 0], sizes = [128, 64], strides = [1, 1]} : vector<16384x64xf32> to vector<128x64xf32>
    %swap3A_513 = arith.constant 8064 : index
    %swap3A_514 = arith.constant 0 : index
    %swap3A_515 = vector.load %arg2[%swap3A_513, %swap3A_514] : memref<8192x128xf32, #tpu.memory_space<vmem>>, vector<128x64xf32>
    tpu.vector_store %arg2[%swap3A_513, %swap3A_514], %slice3A_512 {strides = array<i32>} : memref<8192x128xf32, #tpu.memory_space<vmem>>, vector<128x64xf32>,
    %slice3A_516 = vector.extract_strided_slice %dot_general3A_9 {offsets = [16256, 0], sizes = [128, 64], strides = [1, 1]} : vector<16384x64xf32> to vector<128x64xf32>
    %swap3A_517 = arith.constant 8064 : index
    %swap3A_518 = arith.constant 64 : index
    %swap3A_519 = vector.load %arg2[%swap3A_517, %swap3A_518] : memref<8192x128xf32, #tpu.memory_space<vmem>>, vector<128x64xf32>
    tpu.vector_store %arg2[%swap3A_517, %swap3A_518], %slice3A_516 {strides = array<i32>} : memref<8192x128xf32, #tpu.memory_space<vmem>>, vector<128x64xf32>,
    return
  }
  func.func @transform_0(%arg0: i32) -> (i32, i32) {
    %c0_i32 = arith.constant 0 : i32
    %c0_i32_0 = arith.constant 0 : i32
    return %c0_i32, %arg0 : i32, i32
  }
  func.func @transform_1(%arg0: i32) -> (i32, i32) {
    %c0_i32 = arith.constant 0 : i32
    %c0_i32_0 = arith.constant 0 : i32
    return %arg0, %c0_i32 : i32, i32
  }
}

module attributes {stable_mosaic.version = 14 : i64} {
  func.func @_tc_body(%arg0: i32, %arg1: memref<2048x128xf32, #tpu.memory_space<vmem>>, %arg2: memref<2048x1xi32, #tpu.memory_space<vmem>>, %arg3: memref<2048x1xi32, #tpu.memory_space<vmem>>, %arg4: memref<18x2048xi32, #tpu.memory_space<vmem>>, %arg5: memref<2048x384xf32, #tpu.memory_space<vmem>>, %arg6: memref<16x83xf32, #tpu.memory_space<vmem>>, %arg7: memref<18x32xf32, #tpu.memory_space<vmem>>, %arg8: memref<32xf32, #tpu.memory_space<vmem>>, %arg9: memref<192x384xf32, #tpu.memory_space<vmem>>, %arg10: memref<192xf32, #tpu.memory_space<vmem>>, %arg11: memref<192x96xf32, #tpu.memory_space<vmem>>, %arg12: memref<96xf32, #tpu.memory_space<vmem>>, %arg13: memref<208x384xf32, #tpu.memory_space<vmem>>, %arg14: memref<384xf32, #tpu.memory_space<vmem>>, %arg15: memref<384xf32, #tpu.memory_space<vmem>>, %arg16: memref<384xf32, #tpu.memory_space<vmem>>, %arg17: memref<384x256xf32, #tpu.memory_space<vmem>>, %arg18: memref<256xf32, #tpu.memory_space<vmem>>, %arg19: memref<256xf32, #tpu.memory_space<vmem>>, %arg20: memref<256xf32, #tpu.memory_space<vmem>>, %arg21: memref<256x128xf32, #tpu.memory_space<vmem>>, %arg22: memref<128xf32, #tpu.memory_space<vmem>>, %arg23: memref<128xf32, #tpu.memory_space<vmem>>, %arg24: memref<128xf32, #tpu.memory_space<vmem>>, %arg25: memref<18x128xf32, #tpu.memory_space<vmem>>, %arg26: memref<18xf32, #tpu.memory_space<vmem>>, %arg27: memref<18x64x128xf32, #tpu.memory_space<vmem>>, %arg28: memref<18x64xf32, #tpu.memory_space<vmem>>, %arg29: memref<18x32x64xf32, #tpu.memory_space<vmem>>, %arg30: memref<18x32xf32, #tpu.memory_space<vmem>>, %arg31: memref<18x32x32xf32, #tpu.memory_space<vmem>>, %arg32: memref<18x32xf32, #tpu.memory_space<vmem>>, %arg33: memref<160x128xf32, #tpu.memory_space<vmem>>, %arg34: memref<128xf32, #tpu.memory_space<vmem>>, %arg35: memref<128x128xf32, #tpu.memory_space<vmem>>, %arg36: memref<128xf32, #tpu.memory_space<vmem>>, %arg37: memref<128xf32, #tpu.memory_space<vmem>>, %arg38: memref<128xf32, #tpu.memory_space<vmem>>, %arg39: memref<2048x128xf32, #tpu.memory_space<vmem>>) attributes {dimension_semantics = [#tpu.dimension_semantics<arbitrary>], iteration_bounds = array<i64: 2>, scalar_prefetch = 0 : i64, scratch_operands = 0 : i64, tpu.core_type = #tpu.core_type<tc>, window_params = [{transform_indices = @transform_0, window_bounds = array<i64: 2048, 128>}, {transform_indices = @transform_1, window_bounds = array<i64: 2048, 1>}, {transform_indices = @transform_2, window_bounds = array<i64: 2048, 1>}, {transform_indices = @transform_3, window_bounds = array<i64: 18, 2048>}, {transform_indices = @transform_4, window_bounds = array<i64: 2048, 384>}, {pipeline_mode = #tpu.pipeline_mode<synchronous>, transform_indices = @transform_5, window_bounds = array<i64: 16, 83>}, {pipeline_mode = #tpu.pipeline_mode<synchronous>, transform_indices = @transform_6, window_bounds = array<i64: 18, 32>}, {pipeline_mode = #tpu.pipeline_mode<synchronous>, transform_indices = @transform_7, window_bounds = array<i64: 32>}, {pipeline_mode = #tpu.pipeline_mode<synchronous>, transform_indices = @transform_8, window_bounds = array<i64: 192, 384>}, {pipeline_mode = #tpu.pipeline_mode<synchronous>, transform_indices = @transform_9, window_bounds = array<i64: 192>}, {pipeline_mode = #tpu.pipeline_mode<synchronous>, transform_indices = @transform_10, window_bounds = array<i64: 192, 96>}, {pipeline_mode = #tpu.pipeline_mode<synchronous>, transform_indices = @transform_11, window_bounds = array<i64: 96>}, {pipeline_mode = #tpu.pipeline_mode<synchronous>, transform_indices = @transform_12, window_bounds = array<i64: 208, 384>}, {pipeline_mode = #tpu.pipeline_mode<synchronous>, transform_indices = @transform_13, window_bounds = array<i64: 384>}, {pipeline_mode = #tpu.pipeline_mode<synchronous>, transform_indices = @transform_14, window_bounds = array<i64: 384>}, {pipeline_mode = #tpu.pipeline_mode<synchronous>, transform_indices = @transform_15, window_bounds = array<i64: 384>}, {pipeline_mode = #tpu.pipeline_mode<synchronous>, transform_indices = @transform_16, window_bounds = array<i64: 384, 256>}, {pipeline_mode = #tpu.pipeline_mode<synchronous>, transform_indices = @transform_17, window_bounds = array<i64: 256>}, {pipeline_mode = #tpu.pipeline_mode<synchronous>, transform_indices = @transform_18, window_bounds = array<i64: 256>}, {pipeline_mode = #tpu.pipeline_mode<synchronous>, transform_indices = @transform_19, window_bounds = array<i64: 256>}, {pipeline_mode = #tpu.pipeline_mode<synchronous>, transform_indices = @transform_20, window_bounds = array<i64: 256, 128>}, {pipeline_mode = #tpu.pipeline_mode<synchronous>, transform_indices = @transform_21, window_bounds = array<i64: 128>}, {pipeline_mode = #tpu.pipeline_mode<synchronous>, transform_indices = @transform_22, window_bounds = array<i64: 128>}, {pipeline_mode = #tpu.pipeline_mode<synchronous>, transform_indices = @transform_23, window_bounds = array<i64: 128>}, {pipeline_mode = #tpu.pipeline_mode<synchronous>, transform_indices = @transform_24, window_bounds = array<i64: 18, 128>}, {pipeline_mode = #tpu.pipeline_mode<synchronous>, transform_indices = @transform_25, window_bounds = array<i64: 18>}, {pipeline_mode = #tpu.pipeline_mode<synchronous>, transform_indices = @transform_26, window_bounds = array<i64: 18, 64, 128>}, {pipeline_mode = #tpu.pipeline_mode<synchronous>, transform_indices = @transform_27, window_bounds = array<i64: 18, 64>}, {pipeline_mode = #tpu.pipeline_mode<synchronous>, transform_indices = @transform_28, window_bounds = array<i64: 18, 32, 64>}, {pipeline_mode = #tpu.pipeline_mode<synchronous>, transform_indices = @transform_29, window_bounds = array<i64: 18, 32>}, {pipeline_mode = #tpu.pipeline_mode<synchronous>, transform_indices = @transform_30, window_bounds = array<i64: 18, 32, 32>}, {pipeline_mode = #tpu.pipeline_mode<synchronous>, transform_indices = @transform_31, window_bounds = array<i64: 18, 32>}, {pipeline_mode = #tpu.pipeline_mode<synchronous>, transform_indices = @transform_32, window_bounds = array<i64: 160, 128>}, {pipeline_mode = #tpu.pipeline_mode<synchronous>, transform_indices = @transform_33, window_bounds = array<i64: 128>}, {pipeline_mode = #tpu.pipeline_mode<synchronous>, transform_indices = @transform_34, window_bounds = array<i64: 128, 128>}, {pipeline_mode = #tpu.pipeline_mode<synchronous>, transform_indices = @transform_35, window_bounds = array<i64: 128>}, {pipeline_mode = #tpu.pipeline_mode<synchronous>, transform_indices = @transform_36, window_bounds = array<i64: 128>}, {pipeline_mode = #tpu.pipeline_mode<synchronous>, transform_indices = @transform_37, window_bounds = array<i64: 128>}, {transform_indices = @transform_38, window_bounds = array<i64: 2048, 128>}]} {
    %get3A = arith.constant 0 : index
    %get3A_0 = arith.constant 0 : index
    %get3A_1 = vector.load %arg2[%get3A, %get3A_0] : memref<2048x1xi32, #tpu.memory_space<vmem>>, vector<2048x1xi32>
    %shift_right_logical3A = arith.constant 7 : i32
    %shift_right_logical3A_2 = vector.broadcast %shift_right_logical3A : i32 to vector<2048x1xi32>
    %shift_right_logical3A_3 = arith.shrui %get3A_1, %shift_right_logical3A_2 : vector<2048x1xi32>
    %and3A = arith.constant 1 : i32
    %and3A_4 = vector.broadcast %and3A : i32 to vector<2048x1xi32>
    %and3A_5 = arith.andi %shift_right_logical3A_3, %and3A_4 : vector<2048x1xi32>
    %convert_element_type3A = arith.sitofp %and3A_5 : vector<2048x1xi32> to vector<2048x1xf32>
    %get3A_6 = arith.constant 0 : index
    %get3A_7 = arith.constant 0 : index
    %get3A_8 = vector.load %arg1[%get3A_6, %get3A_7] : memref<2048x128xf32, #tpu.memory_space<vmem>>, vector<2048x64xf32>
    %sub3A = arith.constant 1.000000e+00 : f32
    %sub3A_9 = vector.broadcast %sub3A : f32 to vector<2048x1xf32>
    %sub3A_10 = arith.subf %sub3A_9, %convert_element_type3A : vector<2048x1xf32>
    %mul3A = vector.broadcast %sub3A_10 : vector<2048x1xf32> to vector<2048x64xf32>
    %mul3A_11 = arith.mulf %get3A_8, %mul3A : vector<2048x64xf32>
    %get3A_12 = arith.constant 0 : index
    %get3A_13 = arith.constant 64 : index
    %get3A_14 = vector.load %arg1[%get3A_12, %get3A_13] : memref<2048x128xf32, #tpu.memory_space<vmem>>, vector<2048x64xf32>
    %mul3A_15 = vector.broadcast %convert_element_type3A : vector<2048x1xf32> to vector<2048x64xf32>
    %mul3A_16 = arith.mulf %get3A_14, %mul3A_15 : vector<2048x64xf32>
    %add3A = arith.addf %mul3A_11, %mul3A_16 : vector<2048x64xf32>
    %get3A_17 = arith.constant 0 : index
    %get3A_18 = arith.constant 0 : index
    %get3A_19 = vector.load %arg3[%get3A_17, %get3A_18] : memref<2048x1xi32, #tpu.memory_space<vmem>>, vector<2048x1xi32>
    %sub3A_20 = arith.constant 1919 : i32
    %sub3A_21 = vector.broadcast %sub3A_20 : i32 to vector<2048x1xi32>
    %sub3A_22 = arith.subi %get3A_19, %sub3A_21 : vector<2048x1xi32>
    %jit3A = arith.constant 0 : i32
    %jit3A_23 = arith.constant 81 : i32
    %max3A = vector.broadcast %jit3A : i32 to vector<2048x1xi32>
    %max3A_24 = arith.maxsi %max3A, %sub3A_22 : vector<2048x1xi32>
    %min3A = vector.broadcast %jit3A_23 : i32 to vector<2048x1xi32>
    %min3A_25 = arith.minsi %min3A, %max3A_24 : vector<2048x1xi32>
    %iota3A = tpu.iota {dimensions = array<i32: 1>} : vector<2048x83xi32>
    %eq3A = vector.broadcast %min3A_25 : vector<2048x1xi32> to vector<2048x83xi32>
    %eq3A_26 = arith.cmpi eq, %iota3A, %eq3A : vector<2048x83xi32>
    %convert_element_type3A_27 = arith.extui %eq3A_26 : vector<2048x83xi1> to vector<2048x83xi32>
    %convert_element_type3A_28 = arith.sitofp %convert_element_type3A_27 : vector<2048x83xi32> to vector<2048x83xf32>
    %get3A_29 = arith.constant 0 : index
    %get3A_30 = arith.constant 0 : index
    %get3A_31 = vector.load %arg6[%get3A_29, %get3A_30] : memref<16x83xf32, #tpu.memory_space<vmem>>, vector<16x83xf32>
    %convert_element_type3A_32 = arith.truncf %convert_element_type3A_28 : vector<2048x83xf32> to vector<2048x83xbf16>
    %convert_element_type3A_33 = arith.truncf %get3A_31 : vector<16x83xf32> to vector<16x83xbf16>
    %dot_general3A = arith.constant dense<0.000000e+00> : vector<2048x16xf32>
    %dot_general3A_34 = tpu.matmul %convert_element_type3A_32, %convert_element_type3A_33, %dot_general3A {dimension_numbers = #tpu.dot_dimension_numbers<[1], [1], [0], [0], [0, 0, 1, 0], [], []>, transpose_lhs_hint = false} : vector<2048x83xbf16>, vector<16x83xbf16>, vector<2048x16xf32> -> vector<2048x16xf32>
    %get3A_35 = arith.constant 0 : index
    %get3A_36 = arith.constant 0 : index
    %get3A_37 = vector.load %arg4[%get3A_35, %get3A_36] : memref<18x2048xi32, #tpu.memory_space<vmem>>, vector<18x2048xi32>
    %convert_element_type3A_38 = arith.sitofp %get3A_37 : vector<18x2048xi32> to vector<18x2048xf32>
    %get3A_39 = arith.constant 0 : index
    %get3A_40 = arith.constant 0 : index
    %get3A_41 = vector.load %arg7[%get3A_39, %get3A_40] : memref<18x32xf32, #tpu.memory_space<vmem>>, vector<18x32xf32>
    %dot_general3A_42 = arith.constant dense<0.000000e+00> : vector<2048x32xf32>
    %dot_general3A_43 = tpu.matmul %convert_element_type3A_38, %get3A_41, %dot_general3A_42 {dimension_numbers = #tpu.dot_dimension_numbers<[0], [0], [1], [1], [0, 1, 1, 1], [], []>, transpose_lhs_hint = false} : vector<18x2048xf32>, vector<18x32xf32>, vector<2048x32xf32> -> vector<2048x32xf32>
    %get3A_44 = arith.constant 0 : index
    %get3A_45 = vector.load %arg8[%get3A_44] : memref<32xf32, #tpu.memory_space<vmem>>, vector<32xf32>
    %broadcast_in_dim3A = vector.shape_cast %get3A_45 : vector<32xf32> to vector<1x32xf32>
    %add3A_46 = vector.broadcast %broadcast_in_dim3A : vector<1x32xf32> to vector<2048x32xf32>
    %add3A_47 = arith.addf %dot_general3A_43, %add3A_46 : vector<2048x32xf32>
    %max3A_48 = arith.constant 0.000000e+00 : f32
    %max3A_49 = vector.broadcast %max3A_48 : f32 to vector<2048x32xf32>
    %max3A_50 = arith.maximumf %add3A_47, %max3A_49 : vector<2048x32xf32>
    %iota3A_51 = tpu.iota {dimensions = array<i32: 0>} : vector<18x18xi32>
    %iota3A_52 = tpu.iota {dimensions = array<i32: 1>} : vector<18x18xi32>
    %eq3A_53 = arith.cmpi eq, %iota3A_51, %iota3A_52 : vector<18x18xi32>
    %convert_element_type3A_54 = arith.extui %eq3A_53 : vector<18x18xi1> to vector<18x18xi32>
    %convert_element_type3A_55 = arith.sitofp %convert_element_type3A_54 : vector<18x18xi32> to vector<18x18xf32>
    %dot_general3A_56 = arith.constant dense<0.000000e+00> : vector<2048x18xf32>
    %dot_general3A_57 = tpu.matmul %convert_element_type3A_38, %convert_element_type3A_55, %dot_general3A_56 {dimension_numbers = #tpu.dot_dimension_numbers<[0], [0], [1], [1], [0, 1, 1, 1], [], []>, transpose_lhs_hint = false} : vector<18x2048xf32>, vector<18x18xf32>, vector<2048x18xf32> -> vector<2048x18xf32>
    %get3A_58 = arith.constant 0 : index
    %get3A_59 = arith.constant 0 : index
    %get3A_60 = vector.load %arg5[%get3A_58, %get3A_59] : memref<2048x384xf32, #tpu.memory_space<vmem>>, vector<2048x384xf32>
    %get3A_61 = arith.constant 0 : index
    %get3A_62 = arith.constant 0 : index
    %get3A_63 = vector.load %arg9[%get3A_61, %get3A_62] : memref<192x384xf32, #tpu.memory_space<vmem>>, vector<192x384xf32>
    %convert_element_type3A_64 = arith.truncf %get3A_60 : vector<2048x384xf32> to vector<2048x384xbf16>
    %convert_element_type3A_65 = arith.truncf %get3A_63 : vector<192x384xf32> to vector<192x384xbf16>
    %dot_general3A_66 = arith.constant dense<0.000000e+00> : vector<2048x192xf32>
    %dot_general3A_67 = tpu.matmul %convert_element_type3A_64, %convert_element_type3A_65, %dot_general3A_66 {dimension_numbers = #tpu.dot_dimension_numbers<[1], [1], [0], [0], [0, 0, 1, 0], [], []>, transpose_lhs_hint = false} : vector<2048x384xbf16>, vector<192x384xbf16>, vector<2048x192xf32> -> vector<2048x192xf32>
    %get3A_68 = arith.constant 0 : index
    %get3A_69 = vector.load %arg10[%get3A_68] : memref<192xf32, #tpu.memory_space<vmem>>, vector<192xf32>
    %broadcast_in_dim3A_70 = vector.shape_cast %get3A_69 : vector<192xf32> to vector<1x192xf32>
    %add3A_71 = vector.broadcast %broadcast_in_dim3A_70 : vector<1x192xf32> to vector<2048x192xf32>
    %add3A_72 = arith.addf %dot_general3A_67, %add3A_71 : vector<2048x192xf32>
    %max3A_73 = arith.constant 0.000000e+00 : f32
    %max3A_74 = vector.broadcast %max3A_73 : f32 to vector<2048x192xf32>
    %max3A_75 = arith.maximumf %add3A_72, %max3A_74 : vector<2048x192xf32>
    %get3A_76 = arith.constant 0 : index
    %get3A_77 = arith.constant 0 : index
    %get3A_78 = vector.load %arg11[%get3A_76, %get3A_77] : memref<192x96xf32, #tpu.memory_space<vmem>>, vector<192x96xf32>
    %convert_element_type3A_79 = arith.truncf %max3A_75 : vector<2048x192xf32> to vector<2048x192xbf16>
    %convert_element_type3A_80 = arith.truncf %get3A_78 : vector<192x96xf32> to vector<192x96xbf16>
    %dot_general3A_81 = arith.constant dense<0.000000e+00> : vector<2048x96xf32>
    %dot_general3A_82 = tpu.matmul %convert_element_type3A_79, %convert_element_type3A_80, %dot_general3A_81 {dimension_numbers = #tpu.dot_dimension_numbers<[1], [0], [0], [1], [0, 0, 1, 1], [], []>, transpose_lhs_hint = false} : vector<2048x192xbf16>, vector<192x96xbf16>, vector<2048x96xf32> -> vector<2048x96xf32>
    %get3A_83 = arith.constant 0 : index
    %get3A_84 = vector.load %arg12[%get3A_83] : memref<96xf32, #tpu.memory_space<vmem>>, vector<96xf32>
    %broadcast_in_dim3A_85 = vector.shape_cast %get3A_84 : vector<96xf32> to vector<1x96xf32>
    %add3A_86 = vector.broadcast %broadcast_in_dim3A_85 : vector<1x96xf32> to vector<2048x96xf32>
    %add3A_87 = arith.addf %dot_general3A_82, %add3A_86 : vector<2048x96xf32>
    %get3A_88 = arith.constant 0 : index
    %get3A_89 = arith.constant 0 : index
    %get3A_90 = vector.load %arg13[%get3A_88, %get3A_89] : memref<208x384xf32, #tpu.memory_space<vmem>>, vector<64x384xf32>
    %convert_element_type3A_91 = arith.truncf %add3A : vector<2048x64xf32> to vector<2048x64xbf16>
    %convert_element_type3A_92 = arith.truncf %get3A_90 : vector<64x384xf32> to vector<64x384xbf16>
    %dot_general3A_93 = arith.constant dense<0.000000e+00> : vector<2048x384xf32>
    %dot_general3A_94 = tpu.matmul %convert_element_type3A_91, %convert_element_type3A_92, %dot_general3A_93 {dimension_numbers = #tpu.dot_dimension_numbers<[1], [0], [0], [1], [0, 0, 1, 1], [], []>, transpose_lhs_hint = false} : vector<2048x64xbf16>, vector<64x384xbf16>, vector<2048x384xf32> -> vector<2048x384xf32>
    %get3A_95 = arith.constant 64 : index
    %get3A_96 = arith.constant 0 : index
    %get3A_97 = vector.load %arg13[%get3A_95, %get3A_96] : memref<208x384xf32, #tpu.memory_space<vmem>>, vector<32x384xf32>
    %convert_element_type3A_98 = arith.truncf %max3A_50 : vector<2048x32xf32> to vector<2048x32xbf16>
    %convert_element_type3A_99 = arith.truncf %get3A_97 : vector<32x384xf32> to vector<32x384xbf16>
    %dot_general3A_100 = arith.constant dense<0.000000e+00> : vector<2048x384xf32>
    %dot_general3A_101 = tpu.matmul %convert_element_type3A_98, %convert_element_type3A_99, %dot_general3A_100 {dimension_numbers = #tpu.dot_dimension_numbers<[1], [0], [0], [1], [0, 0, 1, 1], [], []>, transpose_lhs_hint = false} : vector<2048x32xbf16>, vector<32x384xbf16>, vector<2048x384xf32> -> vector<2048x384xf32>
    %add3A_102 = arith.addf %dot_general3A_94, %dot_general3A_101 : vector<2048x384xf32>
    %get3A_103 = arith.constant 96 : index
    %get3A_104 = arith.constant 0 : index
    %get3A_105 = vector.load %arg13[%get3A_103, %get3A_104] : memref<208x384xf32, #tpu.memory_space<vmem>>, vector<16x384xf32>
    %convert_element_type3A_106 = arith.truncf %dot_general3A_34 : vector<2048x16xf32> to vector<2048x16xbf16>
    %convert_element_type3A_107 = arith.truncf %get3A_105 : vector<16x384xf32> to vector<16x384xbf16>
    %dot_general3A_108 = arith.constant dense<0.000000e+00> : vector<2048x384xf32>
    %dot_general3A_109 = tpu.matmul %convert_element_type3A_106, %convert_element_type3A_107, %dot_general3A_108 {dimension_numbers = #tpu.dot_dimension_numbers<[1], [0], [0], [1], [0, 0, 1, 1], [], []>, transpose_lhs_hint = false} : vector<2048x16xbf16>, vector<16x384xbf16>, vector<2048x384xf32> -> vector<2048x384xf32>
    %add3A_110 = arith.addf %add3A_102, %dot_general3A_109 : vector<2048x384xf32>
    %get3A_111 = arith.constant 112 : index
    %get3A_112 = arith.constant 0 : index
    %get3A_113 = vector.load %arg13[%get3A_111, %get3A_112] : memref<208x384xf32, #tpu.memory_space<vmem>>, vector<96x384xf32>
    %convert_element_type3A_114 = arith.truncf %add3A_87 : vector<2048x96xf32> to vector<2048x96xbf16>
    %convert_element_type3A_115 = arith.truncf %get3A_113 : vector<96x384xf32> to vector<96x384xbf16>
    %dot_general3A_116 = arith.constant dense<0.000000e+00> : vector<2048x384xf32>
    %dot_general3A_117 = tpu.matmul %convert_element_type3A_114, %convert_element_type3A_115, %dot_general3A_116 {dimension_numbers = #tpu.dot_dimension_numbers<[1], [0], [0], [1], [0, 0, 1, 1], [], []>, transpose_lhs_hint = false} : vector<2048x96xbf16>, vector<96x384xbf16>, vector<2048x384xf32> -> vector<2048x384xf32>
    %add3A_118 = arith.addf %add3A_110, %dot_general3A_117 : vector<2048x384xf32>
    %get3A_119 = arith.constant 0 : index
    %get3A_120 = vector.load %arg14[%get3A_119] : memref<384xf32, #tpu.memory_space<vmem>>, vector<384xf32>
    %broadcast_in_dim3A_121 = vector.shape_cast %get3A_120 : vector<384xf32> to vector<1x384xf32>
    %add3A_122 = vector.broadcast %broadcast_in_dim3A_121 : vector<1x384xf32> to vector<2048x384xf32>
    %add3A_123 = arith.addf %add3A_118, %add3A_122 : vector<2048x384xf32>
    %max3A_124 = arith.constant 0.000000e+00 : f32
    %max3A_125 = vector.broadcast %max3A_124 : f32 to vector<2048x384xf32>
    %max3A_126 = arith.maximumf %add3A_123, %max3A_125 : vector<2048x384xf32>
    %get3A_127 = arith.constant 0 : index
    %get3A_128 = vector.load %arg15[%get3A_127] : memref<384xf32, #tpu.memory_space<vmem>>, vector<384xf32>
    %get3A_129 = arith.constant 0 : index
    %get3A_130 = vector.load %arg16[%get3A_129] : memref<384xf32, #tpu.memory_space<vmem>>, vector<384xf32>
    %reduce_sum3A = arith.constant dense<0.000000e+00> : vector<2048xf32>
    %reduce_sum3A_131 = vector.multi_reduction <add>, %max3A_126, %reduce_sum3A [1] : vector<2048x384xf32> to vector<2048xf32>
    %broadcast_in_dim3A_132 = vector.shape_cast %reduce_sum3A_131 : vector<2048xf32> to vector<2048x1xf32>
    %div3A = arith.constant 3.840000e+02 : f32
    %div3A_133 = vector.broadcast %div3A : f32 to vector<2048x1xf32>
    %div3A_134 = arith.divf %broadcast_in_dim3A_132, %div3A_133 : vector<2048x1xf32>
    %jit3A_135 = arith.constant 0 : i32
    %reduce_sum3A_136 = arith.constant dense<0.000000e+00> : vector<2048xf32>
    %reduce_sum3A_137 = vector.multi_reduction <add>, %max3A_126, %reduce_sum3A_136 [1] : vector<2048x384xf32> to vector<2048xf32>
    %broadcast_in_dim3A_138 = vector.shape_cast %reduce_sum3A_137 : vector<2048xf32> to vector<2048x1xf32>
    %div3A_139 = arith.constant 3.840000e+02 : f32
    %div3A_140 = vector.broadcast %div3A_139 : f32 to vector<2048x1xf32>
    %div3A_141 = arith.divf %broadcast_in_dim3A_138, %div3A_140 : vector<2048x1xf32>
    %sub3A_142 = vector.broadcast %div3A_141 : vector<2048x1xf32> to vector<2048x384xf32>
    %sub3A_143 = arith.subf %max3A_126, %sub3A_142 : vector<2048x384xf32>
    %square3A = arith.mulf %sub3A_143, %sub3A_143 : vector<2048x384xf32>
    %convert_element_type3A_144 = arith.sitofp %jit3A_135 : i32 to f32
    %sub3A_145 = arith.constant 3.840000e+02 : f32
    %sub3A_146 = arith.subf %sub3A_145, %convert_element_type3A_144 : f32
    %reduce_sum3A_147 = arith.constant dense<0.000000e+00> : vector<2048xf32>
    %reduce_sum3A_148 = vector.multi_reduction <add>, %square3A, %reduce_sum3A_147 [1] : vector<2048x384xf32> to vector<2048xf32>
    %broadcast_in_dim3A_149 = vector.shape_cast %reduce_sum3A_148 : vector<2048xf32> to vector<2048x1xf32>
    %div3A_150 = vector.broadcast %sub3A_146 : f32 to vector<2048x1xf32>
    %div3A_151 = arith.divf %broadcast_in_dim3A_149, %div3A_150 : vector<2048x1xf32>
    %gt3A = arith.constant 0.000000e+00 : f32
    %gt3A_152 = arith.cmpf ogt, %sub3A_146, %gt3A : f32
    %jit3A_153 = arith.constant 0x7FC00000 : f32
    %broadcast_in_dim3A_154 = vector.broadcast %jit3A_153 : f32 to vector<2048x1xf32>
    %select_n3A = arith.select %gt3A_152, %div3A_151, %broadcast_in_dim3A_154 : vector<2048x1xf32>
    %sub3A_155 = vector.broadcast %div3A_134 : vector<2048x1xf32> to vector<2048x384xf32>
    %sub3A_156 = arith.subf %max3A_126, %sub3A_155 : vector<2048x384xf32>
    %add3A_157 = arith.constant 9.99999974E-6 : f32
    %add3A_158 = vector.broadcast %add3A_157 : f32 to vector<2048x1xf32>
    %add3A_159 = arith.addf %select_n3A, %add3A_158 : vector<2048x1xf32>
    %sqrt3A = math.sqrt %add3A_159 : vector<2048x1xf32>
    %div3A_160 = vector.broadcast %sqrt3A : vector<2048x1xf32> to vector<2048x384xf32>
    %div3A_161 = arith.divf %sub3A_156, %div3A_160 : vector<2048x384xf32>
    %broadcast_in_dim3A_162 = vector.shape_cast %get3A_128 : vector<384xf32> to vector<1x384xf32>
    %mul3A_163 = vector.broadcast %broadcast_in_dim3A_162 : vector<1x384xf32> to vector<2048x384xf32>
    %mul3A_164 = arith.mulf %div3A_161, %mul3A_163 : vector<2048x384xf32>
    %broadcast_in_dim3A_165 = vector.shape_cast %get3A_130 : vector<384xf32> to vector<1x384xf32>
    %add3A_166 = vector.broadcast %broadcast_in_dim3A_165 : vector<1x384xf32> to vector<2048x384xf32>
    %add3A_167 = arith.addf %mul3A_164, %add3A_166 : vector<2048x384xf32>
    %get3A_168 = arith.constant 0 : index
    %get3A_169 = arith.constant 0 : index
    %get3A_170 = vector.load %arg17[%get3A_168, %get3A_169] : memref<384x256xf32, #tpu.memory_space<vmem>>, vector<384x256xf32>
    %convert_element_type3A_171 = arith.truncf %add3A_167 : vector<2048x384xf32> to vector<2048x384xbf16>
    %convert_element_type3A_172 = arith.truncf %get3A_170 : vector<384x256xf32> to vector<384x256xbf16>
    %dot_general3A_173 = arith.constant dense<0.000000e+00> : vector<2048x256xf32>
    %dot_general3A_174 = tpu.matmul %convert_element_type3A_171, %convert_element_type3A_172, %dot_general3A_173 {dimension_numbers = #tpu.dot_dimension_numbers<[1], [0], [0], [1], [0, 0, 1, 1], [], []>, transpose_lhs_hint = false} : vector<2048x384xbf16>, vector<384x256xbf16>, vector<2048x256xf32> -> vector<2048x256xf32>
    %get3A_175 = arith.constant 0 : index
    %get3A_176 = vector.load %arg18[%get3A_175] : memref<256xf32, #tpu.memory_space<vmem>>, vector<256xf32>
    %broadcast_in_dim3A_177 = vector.shape_cast %get3A_176 : vector<256xf32> to vector<1x256xf32>
    %add3A_178 = vector.broadcast %broadcast_in_dim3A_177 : vector<1x256xf32> to vector<2048x256xf32>
    %add3A_179 = arith.addf %dot_general3A_174, %add3A_178 : vector<2048x256xf32>
    %max3A_180 = arith.constant 0.000000e+00 : f32
    %max3A_181 = vector.broadcast %max3A_180 : f32 to vector<2048x256xf32>
    %max3A_182 = arith.maximumf %add3A_179, %max3A_181 : vector<2048x256xf32>
    %get3A_183 = arith.constant 0 : index
    %get3A_184 = vector.load %arg19[%get3A_183] : memref<256xf32, #tpu.memory_space<vmem>>, vector<256xf32>
    %get3A_185 = arith.constant 0 : index
    %get3A_186 = vector.load %arg20[%get3A_185] : memref<256xf32, #tpu.memory_space<vmem>>, vector<256xf32>
    %reduce_sum3A_187 = arith.constant dense<0.000000e+00> : vector<2048xf32>
    %reduce_sum3A_188 = vector.multi_reduction <add>, %max3A_182, %reduce_sum3A_187 [1] : vector<2048x256xf32> to vector<2048xf32>
    %broadcast_in_dim3A_189 = vector.shape_cast %reduce_sum3A_188 : vector<2048xf32> to vector<2048x1xf32>
    %div3A_190 = arith.constant 2.560000e+02 : f32
    %div3A_191 = vector.broadcast %div3A_190 : f32 to vector<2048x1xf32>
    %div3A_192 = arith.divf %broadcast_in_dim3A_189, %div3A_191 : vector<2048x1xf32>
    %jit3A_193 = arith.constant 0 : i32
    %reduce_sum3A_194 = arith.constant dense<0.000000e+00> : vector<2048xf32>
    %reduce_sum3A_195 = vector.multi_reduction <add>, %max3A_182, %reduce_sum3A_194 [1] : vector<2048x256xf32> to vector<2048xf32>
    %broadcast_in_dim3A_196 = vector.shape_cast %reduce_sum3A_195 : vector<2048xf32> to vector<2048x1xf32>
    %div3A_197 = arith.constant 2.560000e+02 : f32
    %div3A_198 = vector.broadcast %div3A_197 : f32 to vector<2048x1xf32>
    %div3A_199 = arith.divf %broadcast_in_dim3A_196, %div3A_198 : vector<2048x1xf32>
    %sub3A_200 = vector.broadcast %div3A_199 : vector<2048x1xf32> to vector<2048x256xf32>
    %sub3A_201 = arith.subf %max3A_182, %sub3A_200 : vector<2048x256xf32>
    %square3A_202 = arith.mulf %sub3A_201, %sub3A_201 : vector<2048x256xf32>
    %convert_element_type3A_203 = arith.sitofp %jit3A_193 : i32 to f32
    %sub3A_204 = arith.constant 2.560000e+02 : f32
    %sub3A_205 = arith.subf %sub3A_204, %convert_element_type3A_203 : f32
    %reduce_sum3A_206 = arith.constant dense<0.000000e+00> : vector<2048xf32>
    %reduce_sum3A_207 = vector.multi_reduction <add>, %square3A_202, %reduce_sum3A_206 [1] : vector<2048x256xf32> to vector<2048xf32>
    %broadcast_in_dim3A_208 = vector.shape_cast %reduce_sum3A_207 : vector<2048xf32> to vector<2048x1xf32>
    %div3A_209 = vector.broadcast %sub3A_205 : f32 to vector<2048x1xf32>
    %div3A_210 = arith.divf %broadcast_in_dim3A_208, %div3A_209 : vector<2048x1xf32>
    %gt3A_211 = arith.constant 0.000000e+00 : f32
    %gt3A_212 = arith.cmpf ogt, %sub3A_205, %gt3A_211 : f32
    %jit3A_213 = arith.constant 0x7FC00000 : f32
    %broadcast_in_dim3A_214 = vector.broadcast %jit3A_213 : f32 to vector<2048x1xf32>
    %select_n3A_215 = arith.select %gt3A_212, %div3A_210, %broadcast_in_dim3A_214 : vector<2048x1xf32>
    %sub3A_216 = vector.broadcast %div3A_192 : vector<2048x1xf32> to vector<2048x256xf32>
    %sub3A_217 = arith.subf %max3A_182, %sub3A_216 : vector<2048x256xf32>
    %add3A_218 = arith.constant 9.99999974E-6 : f32
    %add3A_219 = vector.broadcast %add3A_218 : f32 to vector<2048x1xf32>
    %add3A_220 = arith.addf %select_n3A_215, %add3A_219 : vector<2048x1xf32>
    %sqrt3A_221 = math.sqrt %add3A_220 : vector<2048x1xf32>
    %div3A_222 = vector.broadcast %sqrt3A_221 : vector<2048x1xf32> to vector<2048x256xf32>
    %div3A_223 = arith.divf %sub3A_217, %div3A_222 : vector<2048x256xf32>
    %broadcast_in_dim3A_224 = vector.shape_cast %get3A_184 : vector<256xf32> to vector<1x256xf32>
    %mul3A_225 = vector.broadcast %broadcast_in_dim3A_224 : vector<1x256xf32> to vector<2048x256xf32>
    %mul3A_226 = arith.mulf %div3A_223, %mul3A_225 : vector<2048x256xf32>
    %broadcast_in_dim3A_227 = vector.shape_cast %get3A_186 : vector<256xf32> to vector<1x256xf32>
    %add3A_228 = vector.broadcast %broadcast_in_dim3A_227 : vector<1x256xf32> to vector<2048x256xf32>
    %add3A_229 = arith.addf %mul3A_226, %add3A_228 : vector<2048x256xf32>
    %get3A_230 = arith.constant 0 : index
    %get3A_231 = arith.constant 0 : index
    %get3A_232 = vector.load %arg21[%get3A_230, %get3A_231] : memref<256x128xf32, #tpu.memory_space<vmem>>, vector<256x128xf32>
    %convert_element_type3A_233 = arith.truncf %add3A_229 : vector<2048x256xf32> to vector<2048x256xbf16>
    %convert_element_type3A_234 = arith.truncf %get3A_232 : vector<256x128xf32> to vector<256x128xbf16>
    %dot_general3A_235 = arith.constant dense<0.000000e+00> : vector<2048x128xf32>
    %dot_general3A_236 = tpu.matmul %convert_element_type3A_233, %convert_element_type3A_234, %dot_general3A_235 {dimension_numbers = #tpu.dot_dimension_numbers<[1], [0], [0], [1], [0, 0, 1, 1], [], []>, transpose_lhs_hint = false} : vector<2048x256xbf16>, vector<256x128xbf16>, vector<2048x128xf32> -> vector<2048x128xf32>
    %get3A_237 = arith.constant 0 : index
    %get3A_238 = vector.load %arg22[%get3A_237] : memref<128xf32, #tpu.memory_space<vmem>>, vector<128xf32>
    %broadcast_in_dim3A_239 = vector.shape_cast %get3A_238 : vector<128xf32> to vector<1x128xf32>
    %add3A_240 = vector.broadcast %broadcast_in_dim3A_239 : vector<1x128xf32> to vector<2048x128xf32>
    %add3A_241 = arith.addf %dot_general3A_236, %add3A_240 : vector<2048x128xf32>
    %max3A_242 = arith.constant 0.000000e+00 : f32
    %max3A_243 = vector.broadcast %max3A_242 : f32 to vector<2048x128xf32>
    %max3A_244 = arith.maximumf %add3A_241, %max3A_243 : vector<2048x128xf32>
    %get3A_245 = arith.constant 0 : index
    %get3A_246 = vector.load %arg23[%get3A_245] : memref<128xf32, #tpu.memory_space<vmem>>, vector<128xf32>
    %get3A_247 = arith.constant 0 : index
    %get3A_248 = vector.load %arg24[%get3A_247] : memref<128xf32, #tpu.memory_space<vmem>>, vector<128xf32>
    %reduce_sum3A_249 = arith.constant dense<0.000000e+00> : vector<2048xf32>
    %reduce_sum3A_250 = vector.multi_reduction <add>, %max3A_244, %reduce_sum3A_249 [1] : vector<2048x128xf32> to vector<2048xf32>
    %broadcast_in_dim3A_251 = vector.shape_cast %reduce_sum3A_250 : vector<2048xf32> to vector<2048x1xf32>
    %div3A_252 = arith.constant 1.280000e+02 : f32
    %div3A_253 = vector.broadcast %div3A_252 : f32 to vector<2048x1xf32>
    %div3A_254 = arith.divf %broadcast_in_dim3A_251, %div3A_253 : vector<2048x1xf32>
    %jit3A_255 = arith.constant 0 : i32
    %reduce_sum3A_256 = arith.constant dense<0.000000e+00> : vector<2048xf32>
    %reduce_sum3A_257 = vector.multi_reduction <add>, %max3A_244, %reduce_sum3A_256 [1] : vector<2048x128xf32> to vector<2048xf32>
    %broadcast_in_dim3A_258 = vector.shape_cast %reduce_sum3A_257 : vector<2048xf32> to vector<2048x1xf32>
    %div3A_259 = arith.constant 1.280000e+02 : f32
    %div3A_260 = vector.broadcast %div3A_259 : f32 to vector<2048x1xf32>
    %div3A_261 = arith.divf %broadcast_in_dim3A_258, %div3A_260 : vector<2048x1xf32>
    %sub3A_262 = vector.broadcast %div3A_261 : vector<2048x1xf32> to vector<2048x128xf32>
    %sub3A_263 = arith.subf %max3A_244, %sub3A_262 : vector<2048x128xf32>
    %square3A_264 = arith.mulf %sub3A_263, %sub3A_263 : vector<2048x128xf32>
    %convert_element_type3A_265 = arith.sitofp %jit3A_255 : i32 to f32
    %sub3A_266 = arith.constant 1.280000e+02 : f32
    %sub3A_267 = arith.subf %sub3A_266, %convert_element_type3A_265 : f32
    %reduce_sum3A_268 = arith.constant dense<0.000000e+00> : vector<2048xf32>
    %reduce_sum3A_269 = vector.multi_reduction <add>, %square3A_264, %reduce_sum3A_268 [1] : vector<2048x128xf32> to vector<2048xf32>
    %broadcast_in_dim3A_270 = vector.shape_cast %reduce_sum3A_269 : vector<2048xf32> to vector<2048x1xf32>
    %div3A_271 = vector.broadcast %sub3A_267 : f32 to vector<2048x1xf32>
    %div3A_272 = arith.divf %broadcast_in_dim3A_270, %div3A_271 : vector<2048x1xf32>
    %gt3A_273 = arith.constant 0.000000e+00 : f32
    %gt3A_274 = arith.cmpf ogt, %sub3A_267, %gt3A_273 : f32
    %jit3A_275 = arith.constant 0x7FC00000 : f32
    %broadcast_in_dim3A_276 = vector.broadcast %jit3A_275 : f32 to vector<2048x1xf32>
    %select_n3A_277 = arith.select %gt3A_274, %div3A_272, %broadcast_in_dim3A_276 : vector<2048x1xf32>
    %sub3A_278 = vector.broadcast %div3A_254 : vector<2048x1xf32> to vector<2048x128xf32>
    %sub3A_279 = arith.subf %max3A_244, %sub3A_278 : vector<2048x128xf32>
    %add3A_280 = arith.constant 9.99999974E-6 : f32
    %add3A_281 = vector.broadcast %add3A_280 : f32 to vector<2048x1xf32>
    %add3A_282 = arith.addf %select_n3A_277, %add3A_281 : vector<2048x1xf32>
    %sqrt3A_283 = math.sqrt %add3A_282 : vector<2048x1xf32>
    %div3A_284 = vector.broadcast %sqrt3A_283 : vector<2048x1xf32> to vector<2048x128xf32>
    %div3A_285 = arith.divf %sub3A_279, %div3A_284 : vector<2048x128xf32>
    %broadcast_in_dim3A_286 = vector.shape_cast %get3A_246 : vector<128xf32> to vector<1x128xf32>
    %mul3A_287 = vector.broadcast %broadcast_in_dim3A_286 : vector<1x128xf32> to vector<2048x128xf32>
    %mul3A_288 = arith.mulf %div3A_285, %mul3A_287 : vector<2048x128xf32>
    %broadcast_in_dim3A_289 = vector.shape_cast %get3A_248 : vector<128xf32> to vector<1x128xf32>
    %add3A_290 = vector.broadcast %broadcast_in_dim3A_289 : vector<1x128xf32> to vector<2048x128xf32>
    %add3A_291 = arith.addf %mul3A_288, %add3A_290 : vector<2048x128xf32>
    %get3A_292 = arith.constant 0 : index
    %get3A_293 = arith.constant 0 : index
    %get3A_294 = vector.load %arg25[%get3A_292, %get3A_293] : memref<18x128xf32, #tpu.memory_space<vmem>>, vector<18x128xf32>
    %convert_element_type3A_295 = arith.truncf %add3A_291 : vector<2048x128xf32> to vector<2048x128xbf16>
    %convert_element_type3A_296 = arith.truncf %get3A_294 : vector<18x128xf32> to vector<18x128xbf16>
    %dot_general3A_297 = arith.constant dense<0.000000e+00> : vector<2048x18xf32>
    %dot_general3A_298 = tpu.matmul %convert_element_type3A_295, %convert_element_type3A_296, %dot_general3A_297 {dimension_numbers = #tpu.dot_dimension_numbers<[1], [1], [0], [0], [0, 0, 1, 0], [], []>, transpose_lhs_hint = false} : vector<2048x128xbf16>, vector<18x128xbf16>, vector<2048x18xf32> -> vector<2048x18xf32>
    %get3A_299 = arith.constant 0 : index
    %get3A_300 = vector.load %arg26[%get3A_299] : memref<18xf32, #tpu.memory_space<vmem>>, vector<18xf32>
    %broadcast_in_dim3A_301 = vector.shape_cast %get3A_300 : vector<18xf32> to vector<1x18xf32>
    %add3A_302 = vector.broadcast %broadcast_in_dim3A_301 : vector<1x18xf32> to vector<2048x18xf32>
    %add3A_303 = arith.addf %dot_general3A_298, %add3A_302 : vector<2048x18xf32>
    %reduce_max3A = arith.constant dense<0xFF800000> : vector<2048xf32>
    %reduce_max3A_304 = vector.multi_reduction <maximumf>, %add3A_303, %reduce_max3A [1] : vector<2048x18xf32> to vector<2048xf32>
    %broadcast_in_dim3A_305 = vector.shape_cast %reduce_max3A_304 : vector<2048xf32> to vector<2048x1xf32>
    %sub3A_306 = vector.broadcast %broadcast_in_dim3A_305 : vector<2048x1xf32> to vector<2048x18xf32>
    %sub3A_307 = arith.subf %add3A_303, %sub3A_306 : vector<2048x18xf32>
    %exp3A = math.exp %sub3A_307 : vector<2048x18xf32>
    %reduce_sum3A_308 = arith.constant dense<0.000000e+00> : vector<2048xf32>
    %reduce_sum3A_309 = vector.multi_reduction <add>, %exp3A, %reduce_sum3A_308 [1] : vector<2048x18xf32> to vector<2048xf32>
    %broadcast_in_dim3A_310 = vector.shape_cast %reduce_sum3A_309 : vector<2048xf32> to vector<2048x1xf32>
    %div3A_311 = vector.broadcast %broadcast_in_dim3A_310 : vector<2048x1xf32> to vector<2048x18xf32>
    %div3A_312 = arith.divf %exp3A, %div3A_311 : vector<2048x18xf32>
    %mul3A_313 = arith.mulf %div3A_312, %dot_general3A_57 : vector<2048x18xf32>
    %gt3A_314 = arith.constant 0.000000e+00 : f32
    %gt3A_315 = vector.broadcast %gt3A_314 : f32 to vector<2048x18xf32>
    %gt3A_316 = arith.cmpf ogt, %dot_general3A_57, %gt3A_315 : vector<2048x18xf32>
    %convert_element_type3A_317 = arith.extui %gt3A_316 : vector<2048x18xi1> to vector<2048x18xi32>
    %convert_element_type3A_318 = arith.sitofp %convert_element_type3A_317 : vector<2048x18xi32> to vector<2048x18xf32>
    %mul3A_319 = arith.mulf %mul3A_313, %convert_element_type3A_318 : vector<2048x18xf32>
    %get3A_320 = arith.constant 0 : index
    %get3A_321 = arith.constant 0 : index
    %get3A_322 = arith.constant 0 : index
    %get3A_323 = vector.load %arg27[%get3A_320, %get3A_321, %get3A_322] : memref<18x64x128xf32, #tpu.memory_space<vmem>>, vector<1x64x128xf32>
    %get3A_324 = vector.shape_cast %get3A_323 : vector<1x64x128xf32> to vector<64x128xf32>
    %get3A_325 = arith.constant 1 : index
    %get3A_326 = arith.constant 0 : index
    %get3A_327 = arith.constant 0 : index
    %get3A_328 = vector.load %arg27[%get3A_325, %get3A_326, %get3A_327] : memref<18x64x128xf32, #tpu.memory_space<vmem>>, vector<1x64x128xf32>
    %get3A_329 = vector.shape_cast %get3A_328 : vector<1x64x128xf32> to vector<64x128xf32>
    %get3A_330 = arith.constant 2 : index
    %get3A_331 = arith.constant 0 : index
    %get3A_332 = arith.constant 0 : index
    %get3A_333 = vector.load %arg27[%get3A_330, %get3A_331, %get3A_332] : memref<18x64x128xf32, #tpu.memory_space<vmem>>, vector<1x64x128xf32>
    %get3A_334 = vector.shape_cast %get3A_333 : vector<1x64x128xf32> to vector<64x128xf32>
    %get3A_335 = arith.constant 3 : index
    %get3A_336 = arith.constant 0 : index
    %get3A_337 = arith.constant 0 : index
    %get3A_338 = vector.load %arg27[%get3A_335, %get3A_336, %get3A_337] : memref<18x64x128xf32, #tpu.memory_space<vmem>>, vector<1x64x128xf32>
    %get3A_339 = vector.shape_cast %get3A_338 : vector<1x64x128xf32> to vector<64x128xf32>
    %get3A_340 = arith.constant 4 : index
    %get3A_341 = arith.constant 0 : index
    %get3A_342 = arith.constant 0 : index
    %get3A_343 = vector.load %arg27[%get3A_340, %get3A_341, %get3A_342] : memref<18x64x128xf32, #tpu.memory_space<vmem>>, vector<1x64x128xf32>
    %get3A_344 = vector.shape_cast %get3A_343 : vector<1x64x128xf32> to vector<64x128xf32>
    %get3A_345 = arith.constant 5 : index
    %get3A_346 = arith.constant 0 : index
    %get3A_347 = arith.constant 0 : index
    %get3A_348 = vector.load %arg27[%get3A_345, %get3A_346, %get3A_347] : memref<18x64x128xf32, #tpu.memory_space<vmem>>, vector<1x64x128xf32>
    %get3A_349 = vector.shape_cast %get3A_348 : vector<1x64x128xf32> to vector<64x128xf32>
    %get3A_350 = arith.constant 6 : index
    %get3A_351 = arith.constant 0 : index
    %get3A_352 = arith.constant 0 : index
    %get3A_353 = vector.load %arg27[%get3A_350, %get3A_351, %get3A_352] : memref<18x64x128xf32, #tpu.memory_space<vmem>>, vector<1x64x128xf32>
    %get3A_354 = vector.shape_cast %get3A_353 : vector<1x64x128xf32> to vector<64x128xf32>
    %get3A_355 = arith.constant 7 : index
    %get3A_356 = arith.constant 0 : index
    %get3A_357 = arith.constant 0 : index
    %get3A_358 = vector.load %arg27[%get3A_355, %get3A_356, %get3A_357] : memref<18x64x128xf32, #tpu.memory_space<vmem>>, vector<1x64x128xf32>
    %get3A_359 = vector.shape_cast %get3A_358 : vector<1x64x128xf32> to vector<64x128xf32>
    %get3A_360 = arith.constant 8 : index
    %get3A_361 = arith.constant 0 : index
    %get3A_362 = arith.constant 0 : index
    %get3A_363 = vector.load %arg27[%get3A_360, %get3A_361, %get3A_362] : memref<18x64x128xf32, #tpu.memory_space<vmem>>, vector<1x64x128xf32>
    %get3A_364 = vector.shape_cast %get3A_363 : vector<1x64x128xf32> to vector<64x128xf32>
    %get3A_365 = arith.constant 9 : index
    %get3A_366 = arith.constant 0 : index
    %get3A_367 = arith.constant 0 : index
    %get3A_368 = vector.load %arg27[%get3A_365, %get3A_366, %get3A_367] : memref<18x64x128xf32, #tpu.memory_space<vmem>>, vector<1x64x128xf32>
    %get3A_369 = vector.shape_cast %get3A_368 : vector<1x64x128xf32> to vector<64x128xf32>
    %get3A_370 = arith.constant 10 : index
    %get3A_371 = arith.constant 0 : index
    %get3A_372 = arith.constant 0 : index
    %get3A_373 = vector.load %arg27[%get3A_370, %get3A_371, %get3A_372] : memref<18x64x128xf32, #tpu.memory_space<vmem>>, vector<1x64x128xf32>
    %get3A_374 = vector.shape_cast %get3A_373 : vector<1x64x128xf32> to vector<64x128xf32>
    %get3A_375 = arith.constant 11 : index
    %get3A_376 = arith.constant 0 : index
    %get3A_377 = arith.constant 0 : index
    %get3A_378 = vector.load %arg27[%get3A_375, %get3A_376, %get3A_377] : memref<18x64x128xf32, #tpu.memory_space<vmem>>, vector<1x64x128xf32>
    %get3A_379 = vector.shape_cast %get3A_378 : vector<1x64x128xf32> to vector<64x128xf32>
    %get3A_380 = arith.constant 12 : index
    %get3A_381 = arith.constant 0 : index
    %get3A_382 = arith.constant 0 : index
    %get3A_383 = vector.load %arg27[%get3A_380, %get3A_381, %get3A_382] : memref<18x64x128xf32, #tpu.memory_space<vmem>>, vector<1x64x128xf32>
    %get3A_384 = vector.shape_cast %get3A_383 : vector<1x64x128xf32> to vector<64x128xf32>
    %get3A_385 = arith.constant 13 : index
    %get3A_386 = arith.constant 0 : index
    %get3A_387 = arith.constant 0 : index
    %get3A_388 = vector.load %arg27[%get3A_385, %get3A_386, %get3A_387] : memref<18x64x128xf32, #tpu.memory_space<vmem>>, vector<1x64x128xf32>
    %get3A_389 = vector.shape_cast %get3A_388 : vector<1x64x128xf32> to vector<64x128xf32>
    %get3A_390 = arith.constant 14 : index
    %get3A_391 = arith.constant 0 : index
    %get3A_392 = arith.constant 0 : index
    %get3A_393 = vector.load %arg27[%get3A_390, %get3A_391, %get3A_392] : memref<18x64x128xf32, #tpu.memory_space<vmem>>, vector<1x64x128xf32>
    %get3A_394 = vector.shape_cast %get3A_393 : vector<1x64x128xf32> to vector<64x128xf32>
    %get3A_395 = arith.constant 15 : index
    %get3A_396 = arith.constant 0 : index
    %get3A_397 = arith.constant 0 : index
    %get3A_398 = vector.load %arg27[%get3A_395, %get3A_396, %get3A_397] : memref<18x64x128xf32, #tpu.memory_space<vmem>>, vector<1x64x128xf32>
    %get3A_399 = vector.shape_cast %get3A_398 : vector<1x64x128xf32> to vector<64x128xf32>
    %get3A_400 = arith.constant 16 : index
    %get3A_401 = arith.constant 0 : index
    %get3A_402 = arith.constant 0 : index
    %get3A_403 = vector.load %arg27[%get3A_400, %get3A_401, %get3A_402] : memref<18x64x128xf32, #tpu.memory_space<vmem>>, vector<1x64x128xf32>
    %get3A_404 = vector.shape_cast %get3A_403 : vector<1x64x128xf32> to vector<64x128xf32>
    %get3A_405 = arith.constant 17 : index
    %get3A_406 = arith.constant 0 : index
    %get3A_407 = arith.constant 0 : index
    %get3A_408 = vector.load %arg27[%get3A_405, %get3A_406, %get3A_407] : memref<18x64x128xf32, #tpu.memory_space<vmem>>, vector<1x64x128xf32>
    %get3A_409 = vector.shape_cast %get3A_408 : vector<1x64x128xf32> to vector<64x128xf32>
    %concatenate3A = tpu.concatenate %get3A_324, %get3A_329, %get3A_334, %get3A_339, %get3A_344, %get3A_349, %get3A_354, %get3A_359, %get3A_364, %get3A_369, %get3A_374, %get3A_379, %get3A_384, %get3A_389, %get3A_394, %get3A_399, %get3A_404, %get3A_409 in 0 : vector<64x128xf32>, vector<64x128xf32>, vector<64x128xf32>, vector<64x128xf32>, vector<64x128xf32>, vector<64x128xf32>, vector<64x128xf32>, vector<64x128xf32>, vector<64x128xf32>, vector<64x128xf32>, vector<64x128xf32>, vector<64x128xf32>, vector<64x128xf32>, vector<64x128xf32>, vector<64x128xf32>, vector<64x128xf32>, vector<64x128xf32>, vector<64x128xf32> -> vector<1152x128xf32>
    %get3A_410 = arith.constant 0 : index
    %get3A_411 = arith.constant 0 : index
    %get3A_412 = vector.load %arg28[%get3A_410, %get3A_411] : memref<18x64xf32, #tpu.memory_space<vmem>>, vector<1x64xf32>
    %get3A_413 = arith.constant 1 : index
    %get3A_414 = arith.constant 0 : index
    %get3A_415 = vector.load %arg28[%get3A_413, %get3A_414] : memref<18x64xf32, #tpu.memory_space<vmem>>, vector<1x64xf32>
    %get3A_416 = arith.constant 2 : index
    %get3A_417 = arith.constant 0 : index
    %get3A_418 = vector.load %arg28[%get3A_416, %get3A_417] : memref<18x64xf32, #tpu.memory_space<vmem>>, vector<1x64xf32>
    %get3A_419 = arith.constant 3 : index
    %get3A_420 = arith.constant 0 : index
    %get3A_421 = vector.load %arg28[%get3A_419, %get3A_420] : memref<18x64xf32, #tpu.memory_space<vmem>>, vector<1x64xf32>
    %get3A_422 = arith.constant 4 : index
    %get3A_423 = arith.constant 0 : index
    %get3A_424 = vector.load %arg28[%get3A_422, %get3A_423] : memref<18x64xf32, #tpu.memory_space<vmem>>, vector<1x64xf32>
    %get3A_425 = arith.constant 5 : index
    %get3A_426 = arith.constant 0 : index
    %get3A_427 = vector.load %arg28[%get3A_425, %get3A_426] : memref<18x64xf32, #tpu.memory_space<vmem>>, vector<1x64xf32>
    %get3A_428 = arith.constant 6 : index
    %get3A_429 = arith.constant 0 : index
    %get3A_430 = vector.load %arg28[%get3A_428, %get3A_429] : memref<18x64xf32, #tpu.memory_space<vmem>>, vector<1x64xf32>
    %get3A_431 = arith.constant 7 : index
    %get3A_432 = arith.constant 0 : index
    %get3A_433 = vector.load %arg28[%get3A_431, %get3A_432] : memref<18x64xf32, #tpu.memory_space<vmem>>, vector<1x64xf32>
    %get3A_434 = arith.constant 8 : index
    %get3A_435 = arith.constant 0 : index
    %get3A_436 = vector.load %arg28[%get3A_434, %get3A_435] : memref<18x64xf32, #tpu.memory_space<vmem>>, vector<1x64xf32>
    %get3A_437 = arith.constant 9 : index
    %get3A_438 = arith.constant 0 : index
    %get3A_439 = vector.load %arg28[%get3A_437, %get3A_438] : memref<18x64xf32, #tpu.memory_space<vmem>>, vector<1x64xf32>
    %get3A_440 = arith.constant 10 : index
    %get3A_441 = arith.constant 0 : index
    %get3A_442 = vector.load %arg28[%get3A_440, %get3A_441] : memref<18x64xf32, #tpu.memory_space<vmem>>, vector<1x64xf32>
    %get3A_443 = arith.constant 11 : index
    %get3A_444 = arith.constant 0 : index
    %get3A_445 = vector.load %arg28[%get3A_443, %get3A_444] : memref<18x64xf32, #tpu.memory_space<vmem>>, vector<1x64xf32>
    %get3A_446 = arith.constant 12 : index
    %get3A_447 = arith.constant 0 : index
    %get3A_448 = vector.load %arg28[%get3A_446, %get3A_447] : memref<18x64xf32, #tpu.memory_space<vmem>>, vector<1x64xf32>
    %get3A_449 = arith.constant 13 : index
    %get3A_450 = arith.constant 0 : index
    %get3A_451 = vector.load %arg28[%get3A_449, %get3A_450] : memref<18x64xf32, #tpu.memory_space<vmem>>, vector<1x64xf32>
    %get3A_452 = arith.constant 14 : index
    %get3A_453 = arith.constant 0 : index
    %get3A_454 = vector.load %arg28[%get3A_452, %get3A_453] : memref<18x64xf32, #tpu.memory_space<vmem>>, vector<1x64xf32>
    %get3A_455 = arith.constant 15 : index
    %get3A_456 = arith.constant 0 : index
    %get3A_457 = vector.load %arg28[%get3A_455, %get3A_456] : memref<18x64xf32, #tpu.memory_space<vmem>>, vector<1x64xf32>
    %get3A_458 = arith.constant 16 : index
    %get3A_459 = arith.constant 0 : index
    %get3A_460 = vector.load %arg28[%get3A_458, %get3A_459] : memref<18x64xf32, #tpu.memory_space<vmem>>, vector<1x64xf32>
    %get3A_461 = arith.constant 17 : index
    %get3A_462 = arith.constant 0 : index
    %get3A_463 = vector.load %arg28[%get3A_461, %get3A_462] : memref<18x64xf32, #tpu.memory_space<vmem>>, vector<1x64xf32>
    %concatenate3A_464 = tpu.concatenate %get3A_412, %get3A_415, %get3A_418, %get3A_421, %get3A_424, %get3A_427, %get3A_430, %get3A_433, %get3A_436, %get3A_439, %get3A_442, %get3A_445, %get3A_448, %get3A_451, %get3A_454, %get3A_457, %get3A_460, %get3A_463 in 1 : vector<1x64xf32>, vector<1x64xf32>, vector<1x64xf32>, vector<1x64xf32>, vector<1x64xf32>, vector<1x64xf32>, vector<1x64xf32>, vector<1x64xf32>, vector<1x64xf32>, vector<1x64xf32>, vector<1x64xf32>, vector<1x64xf32>, vector<1x64xf32>, vector<1x64xf32>, vector<1x64xf32>, vector<1x64xf32>, vector<1x64xf32>, vector<1x64xf32> -> vector<1x1152xf32>
    %convert_element_type3A_465 = arith.truncf %add3A_291 : vector<2048x128xf32> to vector<2048x128xbf16>
    %convert_element_type3A_466 = arith.truncf %concatenate3A : vector<1152x128xf32> to vector<1152x128xbf16>
    %dot_general3A_467 = arith.constant dense<0.000000e+00> : vector<2048x1152xf32>
    %dot_general3A_468 = tpu.matmul %convert_element_type3A_465, %convert_element_type3A_466, %dot_general3A_467 {dimension_numbers = #tpu.dot_dimension_numbers<[1], [1], [0], [0], [0, 0, 1, 0], [], []>, transpose_lhs_hint = false} : vector<2048x128xbf16>, vector<1152x128xbf16>, vector<2048x1152xf32> -> vector<2048x1152xf32>
    %add3A_469 = vector.broadcast %concatenate3A_464 : vector<1x1152xf32> to vector<2048x1152xf32>
    %add3A_470 = arith.addf %dot_general3A_468, %add3A_469 : vector<2048x1152xf32>
    %max3A_471 = arith.constant 0.000000e+00 : f32
    %max3A_472 = vector.broadcast %max3A_471 : f32 to vector<2048x1152xf32>
    %max3A_473 = arith.maximumf %add3A_470, %max3A_472 : vector<2048x1152xf32>
    %slice3A = vector.extract_strided_slice %max3A_473 {offsets = [0, 0], sizes = [2048, 64], strides = [1, 1]} : vector<2048x1152xf32> to vector<2048x64xf32>
    %get3A_474 = arith.constant 0 : index
    %get3A_475 = arith.constant 0 : index
    %get3A_476 = arith.constant 0 : index
    %get3A_477 = vector.load %arg29[%get3A_474, %get3A_475, %get3A_476] : memref<18x32x64xf32, #tpu.memory_space<vmem>>, vector<1x32x64xf32>
    %get3A_478 = vector.shape_cast %get3A_477 : vector<1x32x64xf32> to vector<32x64xf32>
    %convert_element_type3A_479 = arith.truncf %slice3A : vector<2048x64xf32> to vector<2048x64xbf16>
    %convert_element_type3A_480 = arith.truncf %get3A_478 : vector<32x64xf32> to vector<32x64xbf16>
    %dot_general3A_481 = arith.constant dense<0.000000e+00> : vector<2048x32xf32>
    %dot_general3A_482 = tpu.matmul %convert_element_type3A_479, %convert_element_type3A_480, %dot_general3A_481 {dimension_numbers = #tpu.dot_dimension_numbers<[1], [1], [0], [0], [0, 0, 1, 0], [], []>, transpose_lhs_hint = false} : vector<2048x64xbf16>, vector<32x64xbf16>, vector<2048x32xf32> -> vector<2048x32xf32>
    %get3A_483 = arith.constant 0 : index
    %get3A_484 = arith.constant 0 : index
    %get3A_485 = vector.load %arg30[%get3A_483, %get3A_484] : memref<18x32xf32, #tpu.memory_space<vmem>>, vector<1x32xf32>
    %add3A_486 = vector.broadcast %get3A_485 : vector<1x32xf32> to vector<2048x32xf32>
    %add3A_487 = arith.addf %dot_general3A_482, %add3A_486 : vector<2048x32xf32>
    %max3A_488 = arith.constant 0.000000e+00 : f32
    %max3A_489 = vector.broadcast %max3A_488 : f32 to vector<2048x32xf32>
    %max3A_490 = arith.maximumf %add3A_487, %max3A_489 : vector<2048x32xf32>
    %slice3A_491 = vector.extract_strided_slice %max3A_473 {offsets = [0, 64], sizes = [2048, 64], strides = [1, 1]} : vector<2048x1152xf32> to vector<2048x64xf32>
    %get3A_492 = arith.constant 1 : index
    %get3A_493 = arith.constant 0 : index
    %get3A_494 = arith.constant 0 : index
    %get3A_495 = vector.load %arg29[%get3A_492, %get3A_493, %get3A_494] : memref<18x32x64xf32, #tpu.memory_space<vmem>>, vector<1x32x64xf32>
    %get3A_496 = vector.shape_cast %get3A_495 : vector<1x32x64xf32> to vector<32x64xf32>
    %convert_element_type3A_497 = arith.truncf %slice3A_491 : vector<2048x64xf32> to vector<2048x64xbf16>
    %convert_element_type3A_498 = arith.truncf %get3A_496 : vector<32x64xf32> to vector<32x64xbf16>
    %dot_general3A_499 = arith.constant dense<0.000000e+00> : vector<2048x32xf32>
    %dot_general3A_500 = tpu.matmul %convert_element_type3A_497, %convert_element_type3A_498, %dot_general3A_499 {dimension_numbers = #tpu.dot_dimension_numbers<[1], [1], [0], [0], [0, 0, 1, 0], [], []>, transpose_lhs_hint = false} : vector<2048x64xbf16>, vector<32x64xbf16>, vector<2048x32xf32> -> vector<2048x32xf32>
    %get3A_501 = arith.constant 1 : index
    %get3A_502 = arith.constant 0 : index
    %get3A_503 = vector.load %arg30[%get3A_501, %get3A_502] : memref<18x32xf32, #tpu.memory_space<vmem>>, vector<1x32xf32>
    %add3A_504 = vector.broadcast %get3A_503 : vector<1x32xf32> to vector<2048x32xf32>
    %add3A_505 = arith.addf %dot_general3A_500, %add3A_504 : vector<2048x32xf32>
    %max3A_506 = arith.constant 0.000000e+00 : f32
    %max3A_507 = vector.broadcast %max3A_506 : f32 to vector<2048x32xf32>
    %max3A_508 = arith.maximumf %add3A_505, %max3A_507 : vector<2048x32xf32>
    %slice3A_509 = vector.extract_strided_slice %max3A_473 {offsets = [0, 128], sizes = [2048, 64], strides = [1, 1]} : vector<2048x1152xf32> to vector<2048x64xf32>
    %get3A_510 = arith.constant 2 : index
    %get3A_511 = arith.constant 0 : index
    %get3A_512 = arith.constant 0 : index
    %get3A_513 = vector.load %arg29[%get3A_510, %get3A_511, %get3A_512] : memref<18x32x64xf32, #tpu.memory_space<vmem>>, vector<1x32x64xf32>
    %get3A_514 = vector.shape_cast %get3A_513 : vector<1x32x64xf32> to vector<32x64xf32>
    %convert_element_type3A_515 = arith.truncf %slice3A_509 : vector<2048x64xf32> to vector<2048x64xbf16>
    %convert_element_type3A_516 = arith.truncf %get3A_514 : vector<32x64xf32> to vector<32x64xbf16>
    %dot_general3A_517 = arith.constant dense<0.000000e+00> : vector<2048x32xf32>
    %dot_general3A_518 = tpu.matmul %convert_element_type3A_515, %convert_element_type3A_516, %dot_general3A_517 {dimension_numbers = #tpu.dot_dimension_numbers<[1], [1], [0], [0], [0, 0, 1, 0], [], []>, transpose_lhs_hint = false} : vector<2048x64xbf16>, vector<32x64xbf16>, vector<2048x32xf32> -> vector<2048x32xf32>
    %get3A_519 = arith.constant 2 : index
    %get3A_520 = arith.constant 0 : index
    %get3A_521 = vector.load %arg30[%get3A_519, %get3A_520] : memref<18x32xf32, #tpu.memory_space<vmem>>, vector<1x32xf32>
    %add3A_522 = vector.broadcast %get3A_521 : vector<1x32xf32> to vector<2048x32xf32>
    %add3A_523 = arith.addf %dot_general3A_518, %add3A_522 : vector<2048x32xf32>
    %max3A_524 = arith.constant 0.000000e+00 : f32
    %max3A_525 = vector.broadcast %max3A_524 : f32 to vector<2048x32xf32>
    %max3A_526 = arith.maximumf %add3A_523, %max3A_525 : vector<2048x32xf32>
    %slice3A_527 = vector.extract_strided_slice %max3A_473 {offsets = [0, 192], sizes = [2048, 64], strides = [1, 1]} : vector<2048x1152xf32> to vector<2048x64xf32>
    %get3A_528 = arith.constant 3 : index
    %get3A_529 = arith.constant 0 : index
    %get3A_530 = arith.constant 0 : index
    %get3A_531 = vector.load %arg29[%get3A_528, %get3A_529, %get3A_530] : memref<18x32x64xf32, #tpu.memory_space<vmem>>, vector<1x32x64xf32>
    %get3A_532 = vector.shape_cast %get3A_531 : vector<1x32x64xf32> to vector<32x64xf32>
    %convert_element_type3A_533 = arith.truncf %slice3A_527 : vector<2048x64xf32> to vector<2048x64xbf16>
    %convert_element_type3A_534 = arith.truncf %get3A_532 : vector<32x64xf32> to vector<32x64xbf16>
    %dot_general3A_535 = arith.constant dense<0.000000e+00> : vector<2048x32xf32>
    %dot_general3A_536 = tpu.matmul %convert_element_type3A_533, %convert_element_type3A_534, %dot_general3A_535 {dimension_numbers = #tpu.dot_dimension_numbers<[1], [1], [0], [0], [0, 0, 1, 0], [], []>, transpose_lhs_hint = false} : vector<2048x64xbf16>, vector<32x64xbf16>, vector<2048x32xf32> -> vector<2048x32xf32>
    %get3A_537 = arith.constant 3 : index
    %get3A_538 = arith.constant 0 : index
    %get3A_539 = vector.load %arg30[%get3A_537, %get3A_538] : memref<18x32xf32, #tpu.memory_space<vmem>>, vector<1x32xf32>
    %add3A_540 = vector.broadcast %get3A_539 : vector<1x32xf32> to vector<2048x32xf32>
    %add3A_541 = arith.addf %dot_general3A_536, %add3A_540 : vector<2048x32xf32>
    %max3A_542 = arith.constant 0.000000e+00 : f32
    %max3A_543 = vector.broadcast %max3A_542 : f32 to vector<2048x32xf32>
    %max3A_544 = arith.maximumf %add3A_541, %max3A_543 : vector<2048x32xf32>
    %slice3A_545 = vector.extract_strided_slice %max3A_473 {offsets = [0, 256], sizes = [2048, 64], strides = [1, 1]} : vector<2048x1152xf32> to vector<2048x64xf32>
    %get3A_546 = arith.constant 4 : index
    %get3A_547 = arith.constant 0 : index
    %get3A_548 = arith.constant 0 : index
    %get3A_549 = vector.load %arg29[%get3A_546, %get3A_547, %get3A_548] : memref<18x32x64xf32, #tpu.memory_space<vmem>>, vector<1x32x64xf32>
    %get3A_550 = vector.shape_cast %get3A_549 : vector<1x32x64xf32> to vector<32x64xf32>
    %convert_element_type3A_551 = arith.truncf %slice3A_545 : vector<2048x64xf32> to vector<2048x64xbf16>
    %convert_element_type3A_552 = arith.truncf %get3A_550 : vector<32x64xf32> to vector<32x64xbf16>
    %dot_general3A_553 = arith.constant dense<0.000000e+00> : vector<2048x32xf32>
    %dot_general3A_554 = tpu.matmul %convert_element_type3A_551, %convert_element_type3A_552, %dot_general3A_553 {dimension_numbers = #tpu.dot_dimension_numbers<[1], [1], [0], [0], [0, 0, 1, 0], [], []>, transpose_lhs_hint = false} : vector<2048x64xbf16>, vector<32x64xbf16>, vector<2048x32xf32> -> vector<2048x32xf32>
    %get3A_555 = arith.constant 4 : index
    %get3A_556 = arith.constant 0 : index
    %get3A_557 = vector.load %arg30[%get3A_555, %get3A_556] : memref<18x32xf32, #tpu.memory_space<vmem>>, vector<1x32xf32>
    %add3A_558 = vector.broadcast %get3A_557 : vector<1x32xf32> to vector<2048x32xf32>
    %add3A_559 = arith.addf %dot_general3A_554, %add3A_558 : vector<2048x32xf32>
    %max3A_560 = arith.constant 0.000000e+00 : f32
    %max3A_561 = vector.broadcast %max3A_560 : f32 to vector<2048x32xf32>
    %max3A_562 = arith.maximumf %add3A_559, %max3A_561 : vector<2048x32xf32>
    %slice3A_563 = vector.extract_strided_slice %max3A_473 {offsets = [0, 320], sizes = [2048, 64], strides = [1, 1]} : vector<2048x1152xf32> to vector<2048x64xf32>
    %get3A_564 = arith.constant 5 : index
    %get3A_565 = arith.constant 0 : index
    %get3A_566 = arith.constant 0 : index
    %get3A_567 = vector.load %arg29[%get3A_564, %get3A_565, %get3A_566] : memref<18x32x64xf32, #tpu.memory_space<vmem>>, vector<1x32x64xf32>
    %get3A_568 = vector.shape_cast %get3A_567 : vector<1x32x64xf32> to vector<32x64xf32>
    %convert_element_type3A_569 = arith.truncf %slice3A_563 : vector<2048x64xf32> to vector<2048x64xbf16>
    %convert_element_type3A_570 = arith.truncf %get3A_568 : vector<32x64xf32> to vector<32x64xbf16>
    %dot_general3A_571 = arith.constant dense<0.000000e+00> : vector<2048x32xf32>
    %dot_general3A_572 = tpu.matmul %convert_element_type3A_569, %convert_element_type3A_570, %dot_general3A_571 {dimension_numbers = #tpu.dot_dimension_numbers<[1], [1], [0], [0], [0, 0, 1, 0], [], []>, transpose_lhs_hint = false} : vector<2048x64xbf16>, vector<32x64xbf16>, vector<2048x32xf32> -> vector<2048x32xf32>
    %get3A_573 = arith.constant 5 : index
    %get3A_574 = arith.constant 0 : index
    %get3A_575 = vector.load %arg30[%get3A_573, %get3A_574] : memref<18x32xf32, #tpu.memory_space<vmem>>, vector<1x32xf32>
    %add3A_576 = vector.broadcast %get3A_575 : vector<1x32xf32> to vector<2048x32xf32>
    %add3A_577 = arith.addf %dot_general3A_572, %add3A_576 : vector<2048x32xf32>
    %max3A_578 = arith.constant 0.000000e+00 : f32
    %max3A_579 = vector.broadcast %max3A_578 : f32 to vector<2048x32xf32>
    %max3A_580 = arith.maximumf %add3A_577, %max3A_579 : vector<2048x32xf32>
    %slice3A_581 = vector.extract_strided_slice %max3A_473 {offsets = [0, 384], sizes = [2048, 64], strides = [1, 1]} : vector<2048x1152xf32> to vector<2048x64xf32>
    %get3A_582 = arith.constant 6 : index
    %get3A_583 = arith.constant 0 : index
    %get3A_584 = arith.constant 0 : index
    %get3A_585 = vector.load %arg29[%get3A_582, %get3A_583, %get3A_584] : memref<18x32x64xf32, #tpu.memory_space<vmem>>, vector<1x32x64xf32>
    %get3A_586 = vector.shape_cast %get3A_585 : vector<1x32x64xf32> to vector<32x64xf32>
    %convert_element_type3A_587 = arith.truncf %slice3A_581 : vector<2048x64xf32> to vector<2048x64xbf16>
    %convert_element_type3A_588 = arith.truncf %get3A_586 : vector<32x64xf32> to vector<32x64xbf16>
    %dot_general3A_589 = arith.constant dense<0.000000e+00> : vector<2048x32xf32>
    %dot_general3A_590 = tpu.matmul %convert_element_type3A_587, %convert_element_type3A_588, %dot_general3A_589 {dimension_numbers = #tpu.dot_dimension_numbers<[1], [1], [0], [0], [0, 0, 1, 0], [], []>, transpose_lhs_hint = false} : vector<2048x64xbf16>, vector<32x64xbf16>, vector<2048x32xf32> -> vector<2048x32xf32>
    %get3A_591 = arith.constant 6 : index
    %get3A_592 = arith.constant 0 : index
    %get3A_593 = vector.load %arg30[%get3A_591, %get3A_592] : memref<18x32xf32, #tpu.memory_space<vmem>>, vector<1x32xf32>
    %add3A_594 = vector.broadcast %get3A_593 : vector<1x32xf32> to vector<2048x32xf32>
    %add3A_595 = arith.addf %dot_general3A_590, %add3A_594 : vector<2048x32xf32>
    %max3A_596 = arith.constant 0.000000e+00 : f32
    %max3A_597 = vector.broadcast %max3A_596 : f32 to vector<2048x32xf32>
    %max3A_598 = arith.maximumf %add3A_595, %max3A_597 : vector<2048x32xf32>
    %slice3A_599 = vector.extract_strided_slice %max3A_473 {offsets = [0, 448], sizes = [2048, 64], strides = [1, 1]} : vector<2048x1152xf32> to vector<2048x64xf32>
    %get3A_600 = arith.constant 7 : index
    %get3A_601 = arith.constant 0 : index
    %get3A_602 = arith.constant 0 : index
    %get3A_603 = vector.load %arg29[%get3A_600, %get3A_601, %get3A_602] : memref<18x32x64xf32, #tpu.memory_space<vmem>>, vector<1x32x64xf32>
    %get3A_604 = vector.shape_cast %get3A_603 : vector<1x32x64xf32> to vector<32x64xf32>
    %convert_element_type3A_605 = arith.truncf %slice3A_599 : vector<2048x64xf32> to vector<2048x64xbf16>
    %convert_element_type3A_606 = arith.truncf %get3A_604 : vector<32x64xf32> to vector<32x64xbf16>
    %dot_general3A_607 = arith.constant dense<0.000000e+00> : vector<2048x32xf32>
    %dot_general3A_608 = tpu.matmul %convert_element_type3A_605, %convert_element_type3A_606, %dot_general3A_607 {dimension_numbers = #tpu.dot_dimension_numbers<[1], [1], [0], [0], [0, 0, 1, 0], [], []>, transpose_lhs_hint = false} : vector<2048x64xbf16>, vector<32x64xbf16>, vector<2048x32xf32> -> vector<2048x32xf32>
    %get3A_609 = arith.constant 7 : index
    %get3A_610 = arith.constant 0 : index
    %get3A_611 = vector.load %arg30[%get3A_609, %get3A_610] : memref<18x32xf32, #tpu.memory_space<vmem>>, vector<1x32xf32>
    %add3A_612 = vector.broadcast %get3A_611 : vector<1x32xf32> to vector<2048x32xf32>
    %add3A_613 = arith.addf %dot_general3A_608, %add3A_612 : vector<2048x32xf32>
    %max3A_614 = arith.constant 0.000000e+00 : f32
    %max3A_615 = vector.broadcast %max3A_614 : f32 to vector<2048x32xf32>
    %max3A_616 = arith.maximumf %add3A_613, %max3A_615 : vector<2048x32xf32>
    %slice3A_617 = vector.extract_strided_slice %max3A_473 {offsets = [0, 512], sizes = [2048, 64], strides = [1, 1]} : vector<2048x1152xf32> to vector<2048x64xf32>
    %get3A_618 = arith.constant 8 : index
    %get3A_619 = arith.constant 0 : index
    %get3A_620 = arith.constant 0 : index
    %get3A_621 = vector.load %arg29[%get3A_618, %get3A_619, %get3A_620] : memref<18x32x64xf32, #tpu.memory_space<vmem>>, vector<1x32x64xf32>
    %get3A_622 = vector.shape_cast %get3A_621 : vector<1x32x64xf32> to vector<32x64xf32>
    %convert_element_type3A_623 = arith.truncf %slice3A_617 : vector<2048x64xf32> to vector<2048x64xbf16>
    %convert_element_type3A_624 = arith.truncf %get3A_622 : vector<32x64xf32> to vector<32x64xbf16>
    %dot_general3A_625 = arith.constant dense<0.000000e+00> : vector<2048x32xf32>
    %dot_general3A_626 = tpu.matmul %convert_element_type3A_623, %convert_element_type3A_624, %dot_general3A_625 {dimension_numbers = #tpu.dot_dimension_numbers<[1], [1], [0], [0], [0, 0, 1, 0], [], []>, transpose_lhs_hint = false} : vector<2048x64xbf16>, vector<32x64xbf16>, vector<2048x32xf32> -> vector<2048x32xf32>
    %get3A_627 = arith.constant 8 : index
    %get3A_628 = arith.constant 0 : index
    %get3A_629 = vector.load %arg30[%get3A_627, %get3A_628] : memref<18x32xf32, #tpu.memory_space<vmem>>, vector<1x32xf32>
    %add3A_630 = vector.broadcast %get3A_629 : vector<1x32xf32> to vector<2048x32xf32>
    %add3A_631 = arith.addf %dot_general3A_626, %add3A_630 : vector<2048x32xf32>
    %max3A_632 = arith.constant 0.000000e+00 : f32
    %max3A_633 = vector.broadcast %max3A_632 : f32 to vector<2048x32xf32>
    %max3A_634 = arith.maximumf %add3A_631, %max3A_633 : vector<2048x32xf32>
    %slice3A_635 = vector.extract_strided_slice %max3A_473 {offsets = [0, 576], sizes = [2048, 64], strides = [1, 1]} : vector<2048x1152xf32> to vector<2048x64xf32>
    %get3A_636 = arith.constant 9 : index
    %get3A_637 = arith.constant 0 : index
    %get3A_638 = arith.constant 0 : index
    %get3A_639 = vector.load %arg29[%get3A_636, %get3A_637, %get3A_638] : memref<18x32x64xf32, #tpu.memory_space<vmem>>, vector<1x32x64xf32>
    %get3A_640 = vector.shape_cast %get3A_639 : vector<1x32x64xf32> to vector<32x64xf32>
    %convert_element_type3A_641 = arith.truncf %slice3A_635 : vector<2048x64xf32> to vector<2048x64xbf16>
    %convert_element_type3A_642 = arith.truncf %get3A_640 : vector<32x64xf32> to vector<32x64xbf16>
    %dot_general3A_643 = arith.constant dense<0.000000e+00> : vector<2048x32xf32>
    %dot_general3A_644 = tpu.matmul %convert_element_type3A_641, %convert_element_type3A_642, %dot_general3A_643 {dimension_numbers = #tpu.dot_dimension_numbers<[1], [1], [0], [0], [0, 0, 1, 0], [], []>, transpose_lhs_hint = false} : vector<2048x64xbf16>, vector<32x64xbf16>, vector<2048x32xf32> -> vector<2048x32xf32>
    %get3A_645 = arith.constant 9 : index
    %get3A_646 = arith.constant 0 : index
    %get3A_647 = vector.load %arg30[%get3A_645, %get3A_646] : memref<18x32xf32, #tpu.memory_space<vmem>>, vector<1x32xf32>
    %add3A_648 = vector.broadcast %get3A_647 : vector<1x32xf32> to vector<2048x32xf32>
    %add3A_649 = arith.addf %dot_general3A_644, %add3A_648 : vector<2048x32xf32>
    %max3A_650 = arith.constant 0.000000e+00 : f32
    %max3A_651 = vector.broadcast %max3A_650 : f32 to vector<2048x32xf32>
    %max3A_652 = arith.maximumf %add3A_649, %max3A_651 : vector<2048x32xf32>
    %slice3A_653 = vector.extract_strided_slice %max3A_473 {offsets = [0, 640], sizes = [2048, 64], strides = [1, 1]} : vector<2048x1152xf32> to vector<2048x64xf32>
    %get3A_654 = arith.constant 10 : index
    %get3A_655 = arith.constant 0 : index
    %get3A_656 = arith.constant 0 : index
    %get3A_657 = vector.load %arg29[%get3A_654, %get3A_655, %get3A_656] : memref<18x32x64xf32, #tpu.memory_space<vmem>>, vector<1x32x64xf32>
    %get3A_658 = vector.shape_cast %get3A_657 : vector<1x32x64xf32> to vector<32x64xf32>
    %convert_element_type3A_659 = arith.truncf %slice3A_653 : vector<2048x64xf32> to vector<2048x64xbf16>
    %convert_element_type3A_660 = arith.truncf %get3A_658 : vector<32x64xf32> to vector<32x64xbf16>
    %dot_general3A_661 = arith.constant dense<0.000000e+00> : vector<2048x32xf32>
    %dot_general3A_662 = tpu.matmul %convert_element_type3A_659, %convert_element_type3A_660, %dot_general3A_661 {dimension_numbers = #tpu.dot_dimension_numbers<[1], [1], [0], [0], [0, 0, 1, 0], [], []>, transpose_lhs_hint = false} : vector<2048x64xbf16>, vector<32x64xbf16>, vector<2048x32xf32> -> vector<2048x32xf32>
    %get3A_663 = arith.constant 10 : index
    %get3A_664 = arith.constant 0 : index
    %get3A_665 = vector.load %arg30[%get3A_663, %get3A_664] : memref<18x32xf32, #tpu.memory_space<vmem>>, vector<1x32xf32>
    %add3A_666 = vector.broadcast %get3A_665 : vector<1x32xf32> to vector<2048x32xf32>
    %add3A_667 = arith.addf %dot_general3A_662, %add3A_666 : vector<2048x32xf32>
    %max3A_668 = arith.constant 0.000000e+00 : f32
    %max3A_669 = vector.broadcast %max3A_668 : f32 to vector<2048x32xf32>
    %max3A_670 = arith.maximumf %add3A_667, %max3A_669 : vector<2048x32xf32>
    %slice3A_671 = vector.extract_strided_slice %max3A_473 {offsets = [0, 704], sizes = [2048, 64], strides = [1, 1]} : vector<2048x1152xf32> to vector<2048x64xf32>
    %get3A_672 = arith.constant 11 : index
    %get3A_673 = arith.constant 0 : index
    %get3A_674 = arith.constant 0 : index
    %get3A_675 = vector.load %arg29[%get3A_672, %get3A_673, %get3A_674] : memref<18x32x64xf32, #tpu.memory_space<vmem>>, vector<1x32x64xf32>
    %get3A_676 = vector.shape_cast %get3A_675 : vector<1x32x64xf32> to vector<32x64xf32>
    %convert_element_type3A_677 = arith.truncf %slice3A_671 : vector<2048x64xf32> to vector<2048x64xbf16>
    %convert_element_type3A_678 = arith.truncf %get3A_676 : vector<32x64xf32> to vector<32x64xbf16>
    %dot_general3A_679 = arith.constant dense<0.000000e+00> : vector<2048x32xf32>
    %dot_general3A_680 = tpu.matmul %convert_element_type3A_677, %convert_element_type3A_678, %dot_general3A_679 {dimension_numbers = #tpu.dot_dimension_numbers<[1], [1], [0], [0], [0, 0, 1, 0], [], []>, transpose_lhs_hint = false} : vector<2048x64xbf16>, vector<32x64xbf16>, vector<2048x32xf32> -> vector<2048x32xf32>
    %get3A_681 = arith.constant 11 : index
    %get3A_682 = arith.constant 0 : index
    %get3A_683 = vector.load %arg30[%get3A_681, %get3A_682] : memref<18x32xf32, #tpu.memory_space<vmem>>, vector<1x32xf32>
    %add3A_684 = vector.broadcast %get3A_683 : vector<1x32xf32> to vector<2048x32xf32>
    %add3A_685 = arith.addf %dot_general3A_680, %add3A_684 : vector<2048x32xf32>
    %max3A_686 = arith.constant 0.000000e+00 : f32
    %max3A_687 = vector.broadcast %max3A_686 : f32 to vector<2048x32xf32>
    %max3A_688 = arith.maximumf %add3A_685, %max3A_687 : vector<2048x32xf32>
    %slice3A_689 = vector.extract_strided_slice %max3A_473 {offsets = [0, 768], sizes = [2048, 64], strides = [1, 1]} : vector<2048x1152xf32> to vector<2048x64xf32>
    %get3A_690 = arith.constant 12 : index
    %get3A_691 = arith.constant 0 : index
    %get3A_692 = arith.constant 0 : index
    %get3A_693 = vector.load %arg29[%get3A_690, %get3A_691, %get3A_692] : memref<18x32x64xf32, #tpu.memory_space<vmem>>, vector<1x32x64xf32>
    %get3A_694 = vector.shape_cast %get3A_693 : vector<1x32x64xf32> to vector<32x64xf32>
    %convert_element_type3A_695 = arith.truncf %slice3A_689 : vector<2048x64xf32> to vector<2048x64xbf16>
    %convert_element_type3A_696 = arith.truncf %get3A_694 : vector<32x64xf32> to vector<32x64xbf16>
    %dot_general3A_697 = arith.constant dense<0.000000e+00> : vector<2048x32xf32>
    %dot_general3A_698 = tpu.matmul %convert_element_type3A_695, %convert_element_type3A_696, %dot_general3A_697 {dimension_numbers = #tpu.dot_dimension_numbers<[1], [1], [0], [0], [0, 0, 1, 0], [], []>, transpose_lhs_hint = false} : vector<2048x64xbf16>, vector<32x64xbf16>, vector<2048x32xf32> -> vector<2048x32xf32>
    %get3A_699 = arith.constant 12 : index
    %get3A_700 = arith.constant 0 : index
    %get3A_701 = vector.load %arg30[%get3A_699, %get3A_700] : memref<18x32xf32, #tpu.memory_space<vmem>>, vector<1x32xf32>
    %add3A_702 = vector.broadcast %get3A_701 : vector<1x32xf32> to vector<2048x32xf32>
    %add3A_703 = arith.addf %dot_general3A_698, %add3A_702 : vector<2048x32xf32>
    %max3A_704 = arith.constant 0.000000e+00 : f32
    %max3A_705 = vector.broadcast %max3A_704 : f32 to vector<2048x32xf32>
    %max3A_706 = arith.maximumf %add3A_703, %max3A_705 : vector<2048x32xf32>
    %slice3A_707 = vector.extract_strided_slice %max3A_473 {offsets = [0, 832], sizes = [2048, 64], strides = [1, 1]} : vector<2048x1152xf32> to vector<2048x64xf32>
    %get3A_708 = arith.constant 13 : index
    %get3A_709 = arith.constant 0 : index
    %get3A_710 = arith.constant 0 : index
    %get3A_711 = vector.load %arg29[%get3A_708, %get3A_709, %get3A_710] : memref<18x32x64xf32, #tpu.memory_space<vmem>>, vector<1x32x64xf32>
    %get3A_712 = vector.shape_cast %get3A_711 : vector<1x32x64xf32> to vector<32x64xf32>
    %convert_element_type3A_713 = arith.truncf %slice3A_707 : vector<2048x64xf32> to vector<2048x64xbf16>
    %convert_element_type3A_714 = arith.truncf %get3A_712 : vector<32x64xf32> to vector<32x64xbf16>
    %dot_general3A_715 = arith.constant dense<0.000000e+00> : vector<2048x32xf32>
    %dot_general3A_716 = tpu.matmul %convert_element_type3A_713, %convert_element_type3A_714, %dot_general3A_715 {dimension_numbers = #tpu.dot_dimension_numbers<[1], [1], [0], [0], [0, 0, 1, 0], [], []>, transpose_lhs_hint = false} : vector<2048x64xbf16>, vector<32x64xbf16>, vector<2048x32xf32> -> vector<2048x32xf32>
    %get3A_717 = arith.constant 13 : index
    %get3A_718 = arith.constant 0 : index
    %get3A_719 = vector.load %arg30[%get3A_717, %get3A_718] : memref<18x32xf32, #tpu.memory_space<vmem>>, vector<1x32xf32>
    %add3A_720 = vector.broadcast %get3A_719 : vector<1x32xf32> to vector<2048x32xf32>
    %add3A_721 = arith.addf %dot_general3A_716, %add3A_720 : vector<2048x32xf32>
    %max3A_722 = arith.constant 0.000000e+00 : f32
    %max3A_723 = vector.broadcast %max3A_722 : f32 to vector<2048x32xf32>
    %max3A_724 = arith.maximumf %add3A_721, %max3A_723 : vector<2048x32xf32>
    %slice3A_725 = vector.extract_strided_slice %max3A_473 {offsets = [0, 896], sizes = [2048, 64], strides = [1, 1]} : vector<2048x1152xf32> to vector<2048x64xf32>
    %get3A_726 = arith.constant 14 : index
    %get3A_727 = arith.constant 0 : index
    %get3A_728 = arith.constant 0 : index
    %get3A_729 = vector.load %arg29[%get3A_726, %get3A_727, %get3A_728] : memref<18x32x64xf32, #tpu.memory_space<vmem>>, vector<1x32x64xf32>
    %get3A_730 = vector.shape_cast %get3A_729 : vector<1x32x64xf32> to vector<32x64xf32>
    %convert_element_type3A_731 = arith.truncf %slice3A_725 : vector<2048x64xf32> to vector<2048x64xbf16>
    %convert_element_type3A_732 = arith.truncf %get3A_730 : vector<32x64xf32> to vector<32x64xbf16>
    %dot_general3A_733 = arith.constant dense<0.000000e+00> : vector<2048x32xf32>
    %dot_general3A_734 = tpu.matmul %convert_element_type3A_731, %convert_element_type3A_732, %dot_general3A_733 {dimension_numbers = #tpu.dot_dimension_numbers<[1], [1], [0], [0], [0, 0, 1, 0], [], []>, transpose_lhs_hint = false} : vector<2048x64xbf16>, vector<32x64xbf16>, vector<2048x32xf32> -> vector<2048x32xf32>
    %get3A_735 = arith.constant 14 : index
    %get3A_736 = arith.constant 0 : index
    %get3A_737 = vector.load %arg30[%get3A_735, %get3A_736] : memref<18x32xf32, #tpu.memory_space<vmem>>, vector<1x32xf32>
    %add3A_738 = vector.broadcast %get3A_737 : vector<1x32xf32> to vector<2048x32xf32>
    %add3A_739 = arith.addf %dot_general3A_734, %add3A_738 : vector<2048x32xf32>
    %max3A_740 = arith.constant 0.000000e+00 : f32
    %max3A_741 = vector.broadcast %max3A_740 : f32 to vector<2048x32xf32>
    %max3A_742 = arith.maximumf %add3A_739, %max3A_741 : vector<2048x32xf32>
    %slice3A_743 = vector.extract_strided_slice %max3A_473 {offsets = [0, 960], sizes = [2048, 64], strides = [1, 1]} : vector<2048x1152xf32> to vector<2048x64xf32>
    %get3A_744 = arith.constant 15 : index
    %get3A_745 = arith.constant 0 : index
    %get3A_746 = arith.constant 0 : index
    %get3A_747 = vector.load %arg29[%get3A_744, %get3A_745, %get3A_746] : memref<18x32x64xf32, #tpu.memory_space<vmem>>, vector<1x32x64xf32>
    %get3A_748 = vector.shape_cast %get3A_747 : vector<1x32x64xf32> to vector<32x64xf32>
    %convert_element_type3A_749 = arith.truncf %slice3A_743 : vector<2048x64xf32> to vector<2048x64xbf16>
    %convert_element_type3A_750 = arith.truncf %get3A_748 : vector<32x64xf32> to vector<32x64xbf16>
    %dot_general3A_751 = arith.constant dense<0.000000e+00> : vector<2048x32xf32>
    %dot_general3A_752 = tpu.matmul %convert_element_type3A_749, %convert_element_type3A_750, %dot_general3A_751 {dimension_numbers = #tpu.dot_dimension_numbers<[1], [1], [0], [0], [0, 0, 1, 0], [], []>, transpose_lhs_hint = false} : vector<2048x64xbf16>, vector<32x64xbf16>, vector<2048x32xf32> -> vector<2048x32xf32>
    %get3A_753 = arith.constant 15 : index
    %get3A_754 = arith.constant 0 : index
    %get3A_755 = vector.load %arg30[%get3A_753, %get3A_754] : memref<18x32xf32, #tpu.memory_space<vmem>>, vector<1x32xf32>
    %add3A_756 = vector.broadcast %get3A_755 : vector<1x32xf32> to vector<2048x32xf32>
    %add3A_757 = arith.addf %dot_general3A_752, %add3A_756 : vector<2048x32xf32>
    %max3A_758 = arith.constant 0.000000e+00 : f32
    %max3A_759 = vector.broadcast %max3A_758 : f32 to vector<2048x32xf32>
    %max3A_760 = arith.maximumf %add3A_757, %max3A_759 : vector<2048x32xf32>
    %slice3A_761 = vector.extract_strided_slice %max3A_473 {offsets = [0, 1024], sizes = [2048, 64], strides = [1, 1]} : vector<2048x1152xf32> to vector<2048x64xf32>
    %get3A_762 = arith.constant 16 : index
    %get3A_763 = arith.constant 0 : index
    %get3A_764 = arith.constant 0 : index
    %get3A_765 = vector.load %arg29[%get3A_762, %get3A_763, %get3A_764] : memref<18x32x64xf32, #tpu.memory_space<vmem>>, vector<1x32x64xf32>
    %get3A_766 = vector.shape_cast %get3A_765 : vector<1x32x64xf32> to vector<32x64xf32>
    %convert_element_type3A_767 = arith.truncf %slice3A_761 : vector<2048x64xf32> to vector<2048x64xbf16>
    %convert_element_type3A_768 = arith.truncf %get3A_766 : vector<32x64xf32> to vector<32x64xbf16>
    %dot_general3A_769 = arith.constant dense<0.000000e+00> : vector<2048x32xf32>
    %dot_general3A_770 = tpu.matmul %convert_element_type3A_767, %convert_element_type3A_768, %dot_general3A_769 {dimension_numbers = #tpu.dot_dimension_numbers<[1], [1], [0], [0], [0, 0, 1, 0], [], []>, transpose_lhs_hint = false} : vector<2048x64xbf16>, vector<32x64xbf16>, vector<2048x32xf32> -> vector<2048x32xf32>
    %get3A_771 = arith.constant 16 : index
    %get3A_772 = arith.constant 0 : index
    %get3A_773 = vector.load %arg30[%get3A_771, %get3A_772] : memref<18x32xf32, #tpu.memory_space<vmem>>, vector<1x32xf32>
    %add3A_774 = vector.broadcast %get3A_773 : vector<1x32xf32> to vector<2048x32xf32>
    %add3A_775 = arith.addf %dot_general3A_770, %add3A_774 : vector<2048x32xf32>
    %max3A_776 = arith.constant 0.000000e+00 : f32
    %max3A_777 = vector.broadcast %max3A_776 : f32 to vector<2048x32xf32>
    %max3A_778 = arith.maximumf %add3A_775, %max3A_777 : vector<2048x32xf32>
    %slice3A_779 = vector.extract_strided_slice %max3A_473 {offsets = [0, 1088], sizes = [2048, 64], strides = [1, 1]} : vector<2048x1152xf32> to vector<2048x64xf32>
    %get3A_780 = arith.constant 17 : index
    %get3A_781 = arith.constant 0 : index
    %get3A_782 = arith.constant 0 : index
    %get3A_783 = vector.load %arg29[%get3A_780, %get3A_781, %get3A_782] : memref<18x32x64xf32, #tpu.memory_space<vmem>>, vector<1x32x64xf32>
    %get3A_784 = vector.shape_cast %get3A_783 : vector<1x32x64xf32> to vector<32x64xf32>
    %convert_element_type3A_785 = arith.truncf %slice3A_779 : vector<2048x64xf32> to vector<2048x64xbf16>
    %convert_element_type3A_786 = arith.truncf %get3A_784 : vector<32x64xf32> to vector<32x64xbf16>
    %dot_general3A_787 = arith.constant dense<0.000000e+00> : vector<2048x32xf32>
    %dot_general3A_788 = tpu.matmul %convert_element_type3A_785, %convert_element_type3A_786, %dot_general3A_787 {dimension_numbers = #tpu.dot_dimension_numbers<[1], [1], [0], [0], [0, 0, 1, 0], [], []>, transpose_lhs_hint = false} : vector<2048x64xbf16>, vector<32x64xbf16>, vector<2048x32xf32> -> vector<2048x32xf32>
    %get3A_789 = arith.constant 17 : index
    %get3A_790 = arith.constant 0 : index
    %get3A_791 = vector.load %arg30[%get3A_789, %get3A_790] : memref<18x32xf32, #tpu.memory_space<vmem>>, vector<1x32xf32>
    %add3A_792 = vector.broadcast %get3A_791 : vector<1x32xf32> to vector<2048x32xf32>
    %add3A_793 = arith.addf %dot_general3A_788, %add3A_792 : vector<2048x32xf32>
    %max3A_794 = arith.constant 0.000000e+00 : f32
    %max3A_795 = vector.broadcast %max3A_794 : f32 to vector<2048x32xf32>
    %max3A_796 = arith.maximumf %add3A_793, %max3A_795 : vector<2048x32xf32>
    %concatenate3A_797 = tpu.concatenate %max3A_490, %max3A_508, %max3A_526, %max3A_544, %max3A_562, %max3A_580, %max3A_598, %max3A_616, %max3A_634, %max3A_652, %max3A_670, %max3A_688, %max3A_706, %max3A_724, %max3A_742, %max3A_760, %max3A_778, %max3A_796 in 1 : vector<2048x32xf32>, vector<2048x32xf32>, vector<2048x32xf32>, vector<2048x32xf32>, vector<2048x32xf32>, vector<2048x32xf32>, vector<2048x32xf32>, vector<2048x32xf32>, vector<2048x32xf32>, vector<2048x32xf32>, vector<2048x32xf32>, vector<2048x32xf32>, vector<2048x32xf32>, vector<2048x32xf32>, vector<2048x32xf32>, vector<2048x32xf32>, vector<2048x32xf32>, vector<2048x32xf32> -> vector<2048x576xf32>
    %iota3A_798 = tpu.iota {dimensions = array<i32: 1>} : vector<18x576xi32>
    %iota3A_799 = tpu.iota {dimensions = array<i32: 0>} : vector<18x576xi32>
    %jit3A_800 = arith.constant 32 : i32
    %div3A_801 = vector.broadcast %jit3A_800 : i32 to vector<18x576xi32>
    %div3A_802 = arith.divsi %iota3A_798, %div3A_801 : vector<18x576xi32>
    %sign3A = arith.constant 0 : i32
    %sign3A_803 = vector.broadcast %sign3A : i32 to vector<18x576xi32>
    %sign3A_804 = arith.cmpi sgt, %iota3A_798, %sign3A_803 : vector<18x576xi32>
    %sign3A_805 = arith.extui %sign3A_804 : vector<18x576xi1> to vector<18x576xi32>
    %sign3A_806 = arith.constant 0 : i32
    %sign3A_807 = vector.broadcast %sign3A_806 : i32 to vector<18x576xi32>
    %sign3A_808 = arith.cmpi slt, %iota3A_798, %sign3A_807 : vector<18x576xi32>
    %sign3A_809 = arith.extui %sign3A_808 : vector<18x576xi1> to vector<18x576xi32>
    %sign3A_810 = arith.subi %sign3A_805, %sign3A_809 : vector<18x576xi32>
    %sign3A_811 = arith.constant 0 : i32
    %sign3A_812 = arith.cmpi sgt, %jit3A_800, %sign3A_811 : i32
    %sign3A_813 = arith.extui %sign3A_812 : i1 to i32
    %sign3A_814 = arith.constant 0 : i32
    %sign3A_815 = arith.cmpi slt, %jit3A_800, %sign3A_814 : i32
    %sign3A_816 = arith.extui %sign3A_815 : i1 to i32
    %sign3A_817 = arith.subi %sign3A_813, %sign3A_816 : i32
    %ne3A = vector.broadcast %sign3A_817 : i32 to vector<18x576xi32>
    %ne3A_818 = arith.cmpi ne, %sign3A_810, %ne3A : vector<18x576xi32>
    %rem3A = vector.broadcast %jit3A_800 : i32 to vector<18x576xi32>
    %rem3A_819 = arith.remsi %iota3A_798, %rem3A : vector<18x576xi32>
    %ne3A_820 = arith.constant 0 : i32
    %ne3A_821 = vector.broadcast %ne3A_820 : i32 to vector<18x576xi32>
    %ne3A_822 = arith.cmpi ne, %rem3A_819, %ne3A_821 : vector<18x576xi32>
    %and3A_823 = arith.andi %ne3A_818, %ne3A_822 : vector<18x576xi1>
    %sub3A_824 = arith.constant 1 : i32
    %sub3A_825 = vector.broadcast %sub3A_824 : i32 to vector<18x576xi32>
    %sub3A_826 = arith.subi %div3A_802, %sub3A_825 : vector<18x576xi32>
    %select_n3A_827 = arith.select %and3A_823, %sub3A_826, %div3A_802 : vector<18x576xi1>, vector<18x576xi32>
    %eq3A_828 = arith.cmpi eq, %select_n3A_827, %iota3A_799 : vector<18x576xi32>
    %convert_element_type3A_829 = arith.extui %eq3A_828 : vector<18x576xi1> to vector<18x576xi32>
    %convert_element_type3A_830 = arith.sitofp %convert_element_type3A_829 : vector<18x576xi32> to vector<18x576xf32>
    %convert_element_type3A_831 = arith.truncf %mul3A_319 : vector<2048x18xf32> to vector<2048x18xbf16>
    %convert_element_type3A_832 = arith.truncf %convert_element_type3A_830 : vector<18x576xf32> to vector<18x576xbf16>
    %dot_general3A_833 = arith.constant dense<0.000000e+00> : vector<2048x576xf32>
    %dot_general3A_834 = tpu.matmul %convert_element_type3A_831, %convert_element_type3A_832, %dot_general3A_833 {dimension_numbers = #tpu.dot_dimension_numbers<[1], [0], [0], [1], [0, 0, 1, 1], [], []>, transpose_lhs_hint = false} : vector<2048x18xbf16>, vector<18x576xbf16>, vector<2048x576xf32> -> vector<2048x576xf32>
    %get3A_835 = arith.constant 0 : index
    %get3A_836 = arith.constant 0 : index
    %get3A_837 = arith.constant 0 : index
    %get3A_838 = vector.load %arg31[%get3A_835, %get3A_836, %get3A_837] : memref<18x32x32xf32, #tpu.memory_space<vmem>>, vector<1x32x32xf32>
    %get3A_839 = vector.shape_cast %get3A_838 : vector<1x32x32xf32> to vector<32x32xf32>
    %get3A_840 = arith.constant 1 : index
    %get3A_841 = arith.constant 0 : index
    %get3A_842 = arith.constant 0 : index
    %get3A_843 = vector.load %arg31[%get3A_840, %get3A_841, %get3A_842] : memref<18x32x32xf32, #tpu.memory_space<vmem>>, vector<1x32x32xf32>
    %get3A_844 = vector.shape_cast %get3A_843 : vector<1x32x32xf32> to vector<32x32xf32>
    %get3A_845 = arith.constant 2 : index
    %get3A_846 = arith.constant 0 : index
    %get3A_847 = arith.constant 0 : index
    %get3A_848 = vector.load %arg31[%get3A_845, %get3A_846, %get3A_847] : memref<18x32x32xf32, #tpu.memory_space<vmem>>, vector<1x32x32xf32>
    %get3A_849 = vector.shape_cast %get3A_848 : vector<1x32x32xf32> to vector<32x32xf32>
    %get3A_850 = arith.constant 3 : index
    %get3A_851 = arith.constant 0 : index
    %get3A_852 = arith.constant 0 : index
    %get3A_853 = vector.load %arg31[%get3A_850, %get3A_851, %get3A_852] : memref<18x32x32xf32, #tpu.memory_space<vmem>>, vector<1x32x32xf32>
    %get3A_854 = vector.shape_cast %get3A_853 : vector<1x32x32xf32> to vector<32x32xf32>
    %get3A_855 = arith.constant 4 : index
    %get3A_856 = arith.constant 0 : index
    %get3A_857 = arith.constant 0 : index
    %get3A_858 = vector.load %arg31[%get3A_855, %get3A_856, %get3A_857] : memref<18x32x32xf32, #tpu.memory_space<vmem>>, vector<1x32x32xf32>
    %get3A_859 = vector.shape_cast %get3A_858 : vector<1x32x32xf32> to vector<32x32xf32>
    %get3A_860 = arith.constant 5 : index
    %get3A_861 = arith.constant 0 : index
    %get3A_862 = arith.constant 0 : index
    %get3A_863 = vector.load %arg31[%get3A_860, %get3A_861, %get3A_862] : memref<18x32x32xf32, #tpu.memory_space<vmem>>, vector<1x32x32xf32>
    %get3A_864 = vector.shape_cast %get3A_863 : vector<1x32x32xf32> to vector<32x32xf32>
    %get3A_865 = arith.constant 6 : index
    %get3A_866 = arith.constant 0 : index
    %get3A_867 = arith.constant 0 : index
    %get3A_868 = vector.load %arg31[%get3A_865, %get3A_866, %get3A_867] : memref<18x32x32xf32, #tpu.memory_space<vmem>>, vector<1x32x32xf32>
    %get3A_869 = vector.shape_cast %get3A_868 : vector<1x32x32xf32> to vector<32x32xf32>
    %get3A_870 = arith.constant 7 : index
    %get3A_871 = arith.constant 0 : index
    %get3A_872 = arith.constant 0 : index
    %get3A_873 = vector.load %arg31[%get3A_870, %get3A_871, %get3A_872] : memref<18x32x32xf32, #tpu.memory_space<vmem>>, vector<1x32x32xf32>
    %get3A_874 = vector.shape_cast %get3A_873 : vector<1x32x32xf32> to vector<32x32xf32>
    %get3A_875 = arith.constant 8 : index
    %get3A_876 = arith.constant 0 : index
    %get3A_877 = arith.constant 0 : index
    %get3A_878 = vector.load %arg31[%get3A_875, %get3A_876, %get3A_877] : memref<18x32x32xf32, #tpu.memory_space<vmem>>, vector<1x32x32xf32>
    %get3A_879 = vector.shape_cast %get3A_878 : vector<1x32x32xf32> to vector<32x32xf32>
    %get3A_880 = arith.constant 9 : index
    %get3A_881 = arith.constant 0 : index
    %get3A_882 = arith.constant 0 : index
    %get3A_883 = vector.load %arg31[%get3A_880, %get3A_881, %get3A_882] : memref<18x32x32xf32, #tpu.memory_space<vmem>>, vector<1x32x32xf32>
    %get3A_884 = vector.shape_cast %get3A_883 : vector<1x32x32xf32> to vector<32x32xf32>
    %get3A_885 = arith.constant 10 : index
    %get3A_886 = arith.constant 0 : index
    %get3A_887 = arith.constant 0 : index
    %get3A_888 = vector.load %arg31[%get3A_885, %get3A_886, %get3A_887] : memref<18x32x32xf32, #tpu.memory_space<vmem>>, vector<1x32x32xf32>
    %get3A_889 = vector.shape_cast %get3A_888 : vector<1x32x32xf32> to vector<32x32xf32>
    %get3A_890 = arith.constant 11 : index
    %get3A_891 = arith.constant 0 : index
    %get3A_892 = arith.constant 0 : index
    %get3A_893 = vector.load %arg31[%get3A_890, %get3A_891, %get3A_892] : memref<18x32x32xf32, #tpu.memory_space<vmem>>, vector<1x32x32xf32>
    %get3A_894 = vector.shape_cast %get3A_893 : vector<1x32x32xf32> to vector<32x32xf32>
    %get3A_895 = arith.constant 12 : index
    %get3A_896 = arith.constant 0 : index
    %get3A_897 = arith.constant 0 : index
    %get3A_898 = vector.load %arg31[%get3A_895, %get3A_896, %get3A_897] : memref<18x32x32xf32, #tpu.memory_space<vmem>>, vector<1x32x32xf32>
    %get3A_899 = vector.shape_cast %get3A_898 : vector<1x32x32xf32> to vector<32x32xf32>
    %get3A_900 = arith.constant 13 : index
    %get3A_901 = arith.constant 0 : index
    %get3A_902 = arith.constant 0 : index
    %get3A_903 = vector.load %arg31[%get3A_900, %get3A_901, %get3A_902] : memref<18x32x32xf32, #tpu.memory_space<vmem>>, vector<1x32x32xf32>
    %get3A_904 = vector.shape_cast %get3A_903 : vector<1x32x32xf32> to vector<32x32xf32>
    %get3A_905 = arith.constant 14 : index
    %get3A_906 = arith.constant 0 : index
    %get3A_907 = arith.constant 0 : index
    %get3A_908 = vector.load %arg31[%get3A_905, %get3A_906, %get3A_907] : memref<18x32x32xf32, #tpu.memory_space<vmem>>, vector<1x32x32xf32>
    %get3A_909 = vector.shape_cast %get3A_908 : vector<1x32x32xf32> to vector<32x32xf32>
    %get3A_910 = arith.constant 15 : index
    %get3A_911 = arith.constant 0 : index
    %get3A_912 = arith.constant 0 : index
    %get3A_913 = vector.load %arg31[%get3A_910, %get3A_911, %get3A_912] : memref<18x32x32xf32, #tpu.memory_space<vmem>>, vector<1x32x32xf32>
    %get3A_914 = vector.shape_cast %get3A_913 : vector<1x32x32xf32> to vector<32x32xf32>
    %get3A_915 = arith.constant 16 : index
    %get3A_916 = arith.constant 0 : index
    %get3A_917 = arith.constant 0 : index
    %get3A_918 = vector.load %arg31[%get3A_915, %get3A_916, %get3A_917] : memref<18x32x32xf32, #tpu.memory_space<vmem>>, vector<1x32x32xf32>
    %get3A_919 = vector.shape_cast %get3A_918 : vector<1x32x32xf32> to vector<32x32xf32>
    %get3A_920 = arith.constant 17 : index
    %get3A_921 = arith.constant 0 : index
    %get3A_922 = arith.constant 0 : index
    %get3A_923 = vector.load %arg31[%get3A_920, %get3A_921, %get3A_922] : memref<18x32x32xf32, #tpu.memory_space<vmem>>, vector<1x32x32xf32>
    %get3A_924 = vector.shape_cast %get3A_923 : vector<1x32x32xf32> to vector<32x32xf32>
    %concatenate3A_925 = tpu.concatenate %get3A_839, %get3A_844, %get3A_849, %get3A_854, %get3A_859, %get3A_864, %get3A_869, %get3A_874, %get3A_879, %get3A_884, %get3A_889, %get3A_894, %get3A_899, %get3A_904, %get3A_909, %get3A_914, %get3A_919, %get3A_924 in 0 : vector<32x32xf32>, vector<32x32xf32>, vector<32x32xf32>, vector<32x32xf32>, vector<32x32xf32>, vector<32x32xf32>, vector<32x32xf32>, vector<32x32xf32>, vector<32x32xf32>, vector<32x32xf32>, vector<32x32xf32>, vector<32x32xf32>, vector<32x32xf32>, vector<32x32xf32>, vector<32x32xf32>, vector<32x32xf32>, vector<32x32xf32>, vector<32x32xf32> -> vector<576x32xf32>
    %mul3A_926 = arith.mulf %concatenate3A_797, %dot_general3A_834 : vector<2048x576xf32>
    %convert_element_type3A_927 = arith.truncf %mul3A_926 : vector<2048x576xf32> to vector<2048x576xbf16>
    %convert_element_type3A_928 = arith.truncf %concatenate3A_925 : vector<576x32xf32> to vector<576x32xbf16>
    %dot_general3A_929 = arith.constant dense<0.000000e+00> : vector<2048x32xf32>
    %dot_general3A_930 = tpu.matmul %convert_element_type3A_927, %convert_element_type3A_928, %dot_general3A_929 {dimension_numbers = #tpu.dot_dimension_numbers<[1], [0], [0], [1], [0, 0, 1, 1], [], []>, transpose_lhs_hint = false} : vector<2048x576xbf16>, vector<576x32xbf16>, vector<2048x32xf32> -> vector<2048x32xf32>
    %get3A_931 = arith.constant 0 : index
    %get3A_932 = arith.constant 0 : index
    %get3A_933 = vector.load %arg32[%get3A_931, %get3A_932] : memref<18x32xf32, #tpu.memory_space<vmem>>, vector<18x32xf32>
    %convert_element_type3A_934 = arith.truncf %mul3A_319 : vector<2048x18xf32> to vector<2048x18xbf16>
    %convert_element_type3A_935 = arith.truncf %get3A_933 : vector<18x32xf32> to vector<18x32xbf16>
    %dot_general3A_936 = arith.constant dense<0.000000e+00> : vector<2048x32xf32>
    %dot_general3A_937 = tpu.matmul %convert_element_type3A_934, %convert_element_type3A_935, %dot_general3A_936 {dimension_numbers = #tpu.dot_dimension_numbers<[1], [0], [0], [1], [0, 0, 1, 1], [], []>, transpose_lhs_hint = false} : vector<2048x18xbf16>, vector<18x32xbf16>, vector<2048x32xf32> -> vector<2048x32xf32>
    %add3A_938 = arith.addf %dot_general3A_930, %dot_general3A_937 : vector<2048x32xf32>
    %get3A_939 = arith.constant 0 : index
    %get3A_940 = arith.constant 0 : index
    %get3A_941 = vector.load %arg33[%get3A_939, %get3A_940] : memref<160x128xf32, #tpu.memory_space<vmem>>, vector<128x128xf32>
    %convert_element_type3A_942 = arith.truncf %add3A_291 : vector<2048x128xf32> to vector<2048x128xbf16>
    %convert_element_type3A_943 = arith.truncf %get3A_941 : vector<128x128xf32> to vector<128x128xbf16>
    %dot_general3A_944 = arith.constant dense<0.000000e+00> : vector<2048x128xf32>
    %dot_general3A_945 = tpu.matmul %convert_element_type3A_942, %convert_element_type3A_943, %dot_general3A_944 {dimension_numbers = #tpu.dot_dimension_numbers<[1], [0], [0], [1], [0, 0, 1, 1], [], []>, transpose_lhs_hint = false} : vector<2048x128xbf16>, vector<128x128xbf16>, vector<2048x128xf32> -> vector<2048x128xf32>
    %get3A_946 = arith.constant 128 : index
    %get3A_947 = arith.constant 0 : index
    %get3A_948 = vector.load %arg33[%get3A_946, %get3A_947] : memref<160x128xf32, #tpu.memory_space<vmem>>, vector<32x128xf32>
    %convert_element_type3A_949 = arith.truncf %add3A_938 : vector<2048x32xf32> to vector<2048x32xbf16>
    %convert_element_type3A_950 = arith.truncf %get3A_948 : vector<32x128xf32> to vector<32x128xbf16>
    %dot_general3A_951 = arith.constant dense<0.000000e+00> : vector<2048x128xf32>
    %dot_general3A_952 = tpu.matmul %convert_element_type3A_949, %convert_element_type3A_950, %dot_general3A_951 {dimension_numbers = #tpu.dot_dimension_numbers<[1], [0], [0], [1], [0, 0, 1, 1], [], []>, transpose_lhs_hint = false} : vector<2048x32xbf16>, vector<32x128xbf16>, vector<2048x128xf32> -> vector<2048x128xf32>
    %add3A_953 = arith.addf %dot_general3A_945, %dot_general3A_952 : vector<2048x128xf32>
    %get3A_954 = arith.constant 0 : index
    %get3A_955 = vector.load %arg34[%get3A_954] : memref<128xf32, #tpu.memory_space<vmem>>, vector<128xf32>
    %broadcast_in_dim3A_956 = vector.shape_cast %get3A_955 : vector<128xf32> to vector<1x128xf32>
    %add3A_957 = vector.broadcast %broadcast_in_dim3A_956 : vector<1x128xf32> to vector<2048x128xf32>
    %add3A_958 = arith.addf %add3A_953, %add3A_957 : vector<2048x128xf32>
    %max3A_959 = arith.constant 0.000000e+00 : f32
    %max3A_960 = vector.broadcast %max3A_959 : f32 to vector<2048x128xf32>
    %max3A_961 = arith.maximumf %add3A_958, %max3A_960 : vector<2048x128xf32>
    %get3A_962 = arith.constant 0 : index
    %get3A_963 = arith.constant 0 : index
    %get3A_964 = vector.load %arg35[%get3A_962, %get3A_963] : memref<128x128xf32, #tpu.memory_space<vmem>>, vector<128x128xf32>
    %convert_element_type3A_965 = arith.truncf %max3A_961 : vector<2048x128xf32> to vector<2048x128xbf16>
    %convert_element_type3A_966 = arith.truncf %get3A_964 : vector<128x128xf32> to vector<128x128xbf16>
    %dot_general3A_967 = arith.constant dense<0.000000e+00> : vector<2048x128xf32>
    %dot_general3A_968 = tpu.matmul %convert_element_type3A_965, %convert_element_type3A_966, %dot_general3A_967 {dimension_numbers = #tpu.dot_dimension_numbers<[1], [0], [0], [1], [0, 0, 1, 1], [], []>, transpose_lhs_hint = false} : vector<2048x128xbf16>, vector<128x128xbf16>, vector<2048x128xf32> -> vector<2048x128xf32>
    %get3A_969 = arith.constant 0 : index
    %get3A_970 = vector.load %arg36[%get3A_969] : memref<128xf32, #tpu.memory_space<vmem>>, vector<128xf32>
    %broadcast_in_dim3A_971 = vector.shape_cast %get3A_970 : vector<128xf32> to vector<1x128xf32>
    %add3A_972 = vector.broadcast %broadcast_in_dim3A_971 : vector<1x128xf32> to vector<2048x128xf32>
    %add3A_973 = arith.addf %dot_general3A_968, %add3A_972 : vector<2048x128xf32>
    %max3A_974 = arith.constant 0.000000e+00 : f32
    %max3A_975 = vector.broadcast %max3A_974 : f32 to vector<2048x128xf32>
    %max3A_976 = arith.maximumf %add3A_973, %max3A_975 : vector<2048x128xf32>
    %get3A_977 = arith.constant 0 : index
    %get3A_978 = vector.load %arg37[%get3A_977] : memref<128xf32, #tpu.memory_space<vmem>>, vector<128xf32>
    %get3A_979 = arith.constant 0 : index
    %get3A_980 = vector.load %arg38[%get3A_979] : memref<128xf32, #tpu.memory_space<vmem>>, vector<128xf32>
    %reduce_sum3A_981 = arith.constant dense<0.000000e+00> : vector<2048xf32>
    %reduce_sum3A_982 = vector.multi_reduction <add>, %max3A_976, %reduce_sum3A_981 [1] : vector<2048x128xf32> to vector<2048xf32>
    %broadcast_in_dim3A_983 = vector.shape_cast %reduce_sum3A_982 : vector<2048xf32> to vector<2048x1xf32>
    %div3A_984 = arith.constant 1.280000e+02 : f32
    %div3A_985 = vector.broadcast %div3A_984 : f32 to vector<2048x1xf32>
    %div3A_986 = arith.divf %broadcast_in_dim3A_983, %div3A_985 : vector<2048x1xf32>
    %jit3A_987 = arith.constant 0 : i32
    %reduce_sum3A_988 = arith.constant dense<0.000000e+00> : vector<2048xf32>
    %reduce_sum3A_989 = vector.multi_reduction <add>, %max3A_976, %reduce_sum3A_988 [1] : vector<2048x128xf32> to vector<2048xf32>
    %broadcast_in_dim3A_990 = vector.shape_cast %reduce_sum3A_989 : vector<2048xf32> to vector<2048x1xf32>
    %div3A_991 = arith.constant 1.280000e+02 : f32
    %div3A_992 = vector.broadcast %div3A_991 : f32 to vector<2048x1xf32>
    %div3A_993 = arith.divf %broadcast_in_dim3A_990, %div3A_992 : vector<2048x1xf32>
    %sub3A_994 = vector.broadcast %div3A_993 : vector<2048x1xf32> to vector<2048x128xf32>
    %sub3A_995 = arith.subf %max3A_976, %sub3A_994 : vector<2048x128xf32>
    %square3A_996 = arith.mulf %sub3A_995, %sub3A_995 : vector<2048x128xf32>
    %convert_element_type3A_997 = arith.sitofp %jit3A_987 : i32 to f32
    %sub3A_998 = arith.constant 1.280000e+02 : f32
    %sub3A_999 = arith.subf %sub3A_998, %convert_element_type3A_997 : f32
    %reduce_sum3A_1000 = arith.constant dense<0.000000e+00> : vector<2048xf32>
    %reduce_sum3A_1001 = vector.multi_reduction <add>, %square3A_996, %reduce_sum3A_1000 [1] : vector<2048x128xf32> to vector<2048xf32>
    %broadcast_in_dim3A_1002 = vector.shape_cast %reduce_sum3A_1001 : vector<2048xf32> to vector<2048x1xf32>
    %div3A_1003 = vector.broadcast %sub3A_999 : f32 to vector<2048x1xf32>
    %div3A_1004 = arith.divf %broadcast_in_dim3A_1002, %div3A_1003 : vector<2048x1xf32>
    %gt3A_1005 = arith.constant 0.000000e+00 : f32
    %gt3A_1006 = arith.cmpf ogt, %sub3A_999, %gt3A_1005 : f32
    %jit3A_1007 = arith.constant 0x7FC00000 : f32
    %broadcast_in_dim3A_1008 = vector.broadcast %jit3A_1007 : f32 to vector<2048x1xf32>
    %select_n3A_1009 = arith.select %gt3A_1006, %div3A_1004, %broadcast_in_dim3A_1008 : vector<2048x1xf32>
    %sub3A_1010 = vector.broadcast %div3A_986 : vector<2048x1xf32> to vector<2048x128xf32>
    %sub3A_1011 = arith.subf %max3A_976, %sub3A_1010 : vector<2048x128xf32>
    %add3A_1012 = arith.constant 9.99999974E-6 : f32
    %add3A_1013 = vector.broadcast %add3A_1012 : f32 to vector<2048x1xf32>
    %add3A_1014 = arith.addf %select_n3A_1009, %add3A_1013 : vector<2048x1xf32>
    %sqrt3A_1015 = math.sqrt %add3A_1014 : vector<2048x1xf32>
    %div3A_1016 = vector.broadcast %sqrt3A_1015 : vector<2048x1xf32> to vector<2048x128xf32>
    %div3A_1017 = arith.divf %sub3A_1011, %div3A_1016 : vector<2048x128xf32>
    %broadcast_in_dim3A_1018 = vector.shape_cast %get3A_978 : vector<128xf32> to vector<1x128xf32>
    %mul3A_1019 = vector.broadcast %broadcast_in_dim3A_1018 : vector<1x128xf32> to vector<2048x128xf32>
    %mul3A_1020 = arith.mulf %div3A_1017, %mul3A_1019 : vector<2048x128xf32>
    %broadcast_in_dim3A_1021 = vector.shape_cast %get3A_980 : vector<128xf32> to vector<1x128xf32>
    %add3A_1022 = vector.broadcast %broadcast_in_dim3A_1021 : vector<1x128xf32> to vector<2048x128xf32>
    %add3A_1023 = arith.addf %mul3A_1020, %add3A_1022 : vector<2048x128xf32>
    %swap3A = arith.constant 0 : index
    %swap3A_1024 = arith.constant 0 : index
    %swap3A_1025 = vector.load %arg39[%swap3A, %swap3A_1024] : memref<2048x128xf32, #tpu.memory_space<vmem>>, vector<2048x128xf32>
    tpu.vector_store %arg39[%swap3A, %swap3A_1024], %add3A_1023 {strides = array<i32>} : memref<2048x128xf32, #tpu.memory_space<vmem>>, vector<2048x128xf32>,
    return
  }
  func.func @transform_0(%arg0: i32) -> (i32, i32) {
    %c0_i32 = arith.constant 0 : i32
    %c0_i32_0 = arith.constant 0 : i32
    return %arg0, %c0_i32 : i32, i32
  }
  func.func @transform_1(%arg0: i32) -> (i32, i32) {
    %c0_i32 = arith.constant 0 : i32
    %c0_i32_0 = arith.constant 0 : i32
    return %arg0, %c0_i32 : i32, i32
  }
  func.func @transform_2(%arg0: i32) -> (i32, i32) {
    %c0_i32 = arith.constant 0 : i32
    %c0_i32_0 = arith.constant 0 : i32
    return %arg0, %c0_i32 : i32, i32
  }
  func.func @transform_3(%arg0: i32) -> (i32, i32) {
    %c0_i32 = arith.constant 0 : i32
    %c0_i32_0 = arith.constant 0 : i32
    return %c0_i32, %arg0 : i32, i32
  }
  func.func @transform_4(%arg0: i32) -> (i32, i32) {
    %c0_i32 = arith.constant 0 : i32
    %c0_i32_0 = arith.constant 0 : i32
    return %arg0, %c0_i32 : i32, i32
  }
  func.func @transform_5(%arg0: i32) -> (i32, i32) {
    %c0_i32 = arith.constant 0 : i32
    %c0_i32_0 = arith.constant 0 : i32
    %c0_i32_1 = arith.constant 0 : i32
    return %c0_i32, %c0_i32_0 : i32, i32
  }
  func.func @transform_6(%arg0: i32) -> (i32, i32) {
    %c0_i32 = arith.constant 0 : i32
    %c0_i32_0 = arith.constant 0 : i32
    %c0_i32_1 = arith.constant 0 : i32
    return %c0_i32, %c0_i32_0 : i32, i32
  }
  func.func @transform_7(%arg0: i32) -> i32 {
    %c0_i32 = arith.constant 0 : i32
    %c0_i32_0 = arith.constant 0 : i32
    return %c0_i32 : i32
  }
  func.func @transform_8(%arg0: i32) -> (i32, i32) {
    %c0_i32 = arith.constant 0 : i32
    %c0_i32_0 = arith.constant 0 : i32
    %c0_i32_1 = arith.constant 0 : i32
    return %c0_i32, %c0_i32_0 : i32, i32
  }
  func.func @transform_9(%arg0: i32) -> i32 {
    %c0_i32 = arith.constant 0 : i32
    %c0_i32_0 = arith.constant 0 : i32
    return %c0_i32 : i32
  }
  func.func @transform_10(%arg0: i32) -> (i32, i32) {
    %c0_i32 = arith.constant 0 : i32
    %c0_i32_0 = arith.constant 0 : i32
    %c0_i32_1 = arith.constant 0 : i32
    return %c0_i32, %c0_i32_0 : i32, i32
  }
  func.func @transform_11(%arg0: i32) -> i32 {
    %c0_i32 = arith.constant 0 : i32
    %c0_i32_0 = arith.constant 0 : i32
    return %c0_i32 : i32
  }
  func.func @transform_12(%arg0: i32) -> (i32, i32) {
    %c0_i32 = arith.constant 0 : i32
    %c0_i32_0 = arith.constant 0 : i32
    %c0_i32_1 = arith.constant 0 : i32
    return %c0_i32, %c0_i32_0 : i32, i32
  }
  func.func @transform_13(%arg0: i32) -> i32 {
    %c0_i32 = arith.constant 0 : i32
    %c0_i32_0 = arith.constant 0 : i32
    return %c0_i32 : i32
  }
  func.func @transform_14(%arg0: i32) -> i32 {
    %c0_i32 = arith.constant 0 : i32
    %c0_i32_0 = arith.constant 0 : i32
    return %c0_i32 : i32
  }
  func.func @transform_15(%arg0: i32) -> i32 {
    %c0_i32 = arith.constant 0 : i32
    %c0_i32_0 = arith.constant 0 : i32
    return %c0_i32 : i32
  }
  func.func @transform_16(%arg0: i32) -> (i32, i32) {
    %c0_i32 = arith.constant 0 : i32
    %c0_i32_0 = arith.constant 0 : i32
    %c0_i32_1 = arith.constant 0 : i32
    return %c0_i32, %c0_i32_0 : i32, i32
  }
  func.func @transform_17(%arg0: i32) -> i32 {
    %c0_i32 = arith.constant 0 : i32
    %c0_i32_0 = arith.constant 0 : i32
    return %c0_i32 : i32
  }
  func.func @transform_18(%arg0: i32) -> i32 {
    %c0_i32 = arith.constant 0 : i32
    %c0_i32_0 = arith.constant 0 : i32
    return %c0_i32 : i32
  }
  func.func @transform_19(%arg0: i32) -> i32 {
    %c0_i32 = arith.constant 0 : i32
    %c0_i32_0 = arith.constant 0 : i32
    return %c0_i32 : i32
  }
  func.func @transform_20(%arg0: i32) -> (i32, i32) {
    %c0_i32 = arith.constant 0 : i32
    %c0_i32_0 = arith.constant 0 : i32
    %c0_i32_1 = arith.constant 0 : i32
    return %c0_i32, %c0_i32_0 : i32, i32
  }
  func.func @transform_21(%arg0: i32) -> i32 {
    %c0_i32 = arith.constant 0 : i32
    %c0_i32_0 = arith.constant 0 : i32
    return %c0_i32 : i32
  }
  func.func @transform_22(%arg0: i32) -> i32 {
    %c0_i32 = arith.constant 0 : i32
    %c0_i32_0 = arith.constant 0 : i32
    return %c0_i32 : i32
  }
  func.func @transform_23(%arg0: i32) -> i32 {
    %c0_i32 = arith.constant 0 : i32
    %c0_i32_0 = arith.constant 0 : i32
    return %c0_i32 : i32
  }
  func.func @transform_24(%arg0: i32) -> (i32, i32) {
    %c0_i32 = arith.constant 0 : i32
    %c0_i32_0 = arith.constant 0 : i32
    %c0_i32_1 = arith.constant 0 : i32
    return %c0_i32, %c0_i32_0 : i32, i32
  }
  func.func @transform_25(%arg0: i32) -> i32 {
    %c0_i32 = arith.constant 0 : i32
    %c0_i32_0 = arith.constant 0 : i32
    return %c0_i32 : i32
  }
  func.func @transform_26(%arg0: i32) -> (i32, i32, i32) {
    %c0_i32 = arith.constant 0 : i32
    %c0_i32_0 = arith.constant 0 : i32
    %c0_i32_1 = arith.constant 0 : i32
    %c0_i32_2 = arith.constant 0 : i32
    return %c0_i32, %c0_i32_0, %c0_i32_1 : i32, i32, i32
  }
  func.func @transform_27(%arg0: i32) -> (i32, i32) {
    %c0_i32 = arith.constant 0 : i32
    %c0_i32_0 = arith.constant 0 : i32
    %c0_i32_1 = arith.constant 0 : i32
    return %c0_i32, %c0_i32_0 : i32, i32
  }
  func.func @transform_28(%arg0: i32) -> (i32, i32, i32) {
    %c0_i32 = arith.constant 0 : i32
    %c0_i32_0 = arith.constant 0 : i32
    %c0_i32_1 = arith.constant 0 : i32
    %c0_i32_2 = arith.constant 0 : i32
    return %c0_i32, %c0_i32_0, %c0_i32_1 : i32, i32, i32
  }
  func.func @transform_29(%arg0: i32) -> (i32, i32) {
    %c0_i32 = arith.constant 0 : i32
    %c0_i32_0 = arith.constant 0 : i32
    %c0_i32_1 = arith.constant 0 : i32
    return %c0_i32, %c0_i32_0 : i32, i32
  }
  func.func @transform_30(%arg0: i32) -> (i32, i32, i32) {
    %c0_i32 = arith.constant 0 : i32
    %c0_i32_0 = arith.constant 0 : i32
    %c0_i32_1 = arith.constant 0 : i32
    %c0_i32_2 = arith.constant 0 : i32
    return %c0_i32, %c0_i32_0, %c0_i32_1 : i32, i32, i32
  }
  func.func @transform_31(%arg0: i32) -> (i32, i32) {
    %c0_i32 = arith.constant 0 : i32
    %c0_i32_0 = arith.constant 0 : i32
    %c0_i32_1 = arith.constant 0 : i32
    return %c0_i32, %c0_i32_0 : i32, i32
  }
  func.func @transform_32(%arg0: i32) -> (i32, i32) {
    %c0_i32 = arith.constant 0 : i32
    %c0_i32_0 = arith.constant 0 : i32
    %c0_i32_1 = arith.constant 0 : i32
    return %c0_i32, %c0_i32_0 : i32, i32
  }
  func.func @transform_33(%arg0: i32) -> i32 {
    %c0_i32 = arith.constant 0 : i32
    %c0_i32_0 = arith.constant 0 : i32
    return %c0_i32 : i32
  }
  func.func @transform_34(%arg0: i32) -> (i32, i32) {
    %c0_i32 = arith.constant 0 : i32
    %c0_i32_0 = arith.constant 0 : i32
    %c0_i32_1 = arith.constant 0 : i32
    return %c0_i32, %c0_i32_0 : i32, i32
  }
  func.func @transform_35(%arg0: i32) -> i32 {
    %c0_i32 = arith.constant 0 : i32
    %c0_i32_0 = arith.constant 0 : i32
    return %c0_i32 : i32
  }
  func.func @transform_36(%arg0: i32) -> i32 {
    %c0_i32 = arith.constant 0 : i32
    %c0_i32_0 = arith.constant 0 : i32
    return %c0_i32 : i32
  }
  func.func @transform_37(%arg0: i32) -> i32 {
    %c0_i32 = arith.constant 0 : i32
    %c0_i32_0 = arith.constant 0 : i32
    return %c0_i32 : i32
  }
  func.func @transform_38(%arg0: i32) -> (i32, i32) {
    %c0_i32 = arith.constant 0 : i32
    %c0_i32_0 = arith.constant 0 : i32
    return %arg0, %c0_i32 : i32, i32
  }
}

</mosaic_0001>

<sc_bundles>
// kernel: kernel.5.cloned.1.call-start
scs
__scs_entry_jumppad:
0x0: {  	(pc) =	sbr.rel $0x88, $3  }
0x1: {  	(tag) =	ssettag $0x0;
	lr =	simm.s32 $0x1  }
0x2: {  	[smem:$0x3F7B] =	sst lr;
	_ =	strace $0xD0000000  }
0x3: {  	_ = 	snop  }
0x4: {  	_ = 	snop  }
0x5: {  	_ = 	snop  }
0x6: {  	_ = 	snop  }
0x7: {  	_ = 	snop  }
__scs_overlays_trampoline_lowered:
0x8: {  	[smem:$0x3F8A] =	sst s0  }
0x9: {  	[smem:$0x3F8B] =	sst s1  }
0xa: {  	[smem:$0x3F8C] =	sst s2  }
0xb: {  	[smem:$0x3F8D] =	sst s3  }
0xc: {  	[smem:$0x3F8E] =	sst s4  }
0xd: {  	[smem:$0x3F8F] =	sst s5  }
0xe: {  	[smem:$0x3F90] =	sst s6  }
0xf: {  	[smem:$0x3F91] =	sst s7  }
0x10: {  	[smem:$0x3F92] =	sst s8  }
0x11: {  	[smem:$0x3F93] =	sst s9;
	s0 =	simm.s32 @!p0 $0x0  }
0x12: {  	s1 =	sld [smem:$0x3F79];
	s0 =	simm.s32 @p0 $0x1  }
0x13: {  	[smem:$0x3F94] =	sst s0;
	s0 =	simm.s32 @!p1 $0x0  }
0x14: {  	s2 =	sld [smem:$0x3F78];
	s0 =	simm.s32 @p1 $0x1  }
0x15: {  	[smem:$0x3F95] =	sst s0;
	s0 =	simm.s32 @!p2 $0x0  }
0x16: {  	s3 =	sld [smem:$0x3FDB];
	s0 =	simm.s32 @p2 $0x1  }
0x17: {  	s4 =	simm.s32 $0x1BF5;
	[smem:$0x3F97] =	sst s0  }
0x18: {  	s0 =	sld [smem:$0x3F7A];
	_ =	swait.ge [sflag:s4], $0x0  }
0x19: {  	s7 =	sld [smem:$0x3F7B]  }
0x1a: {  	s8 =	sadd.s32 $0xFFFFE003, lr  }
0x1b: {  	s9 =	sadd.s32 $0xFFFFFEF7, lr;
	s5 =	simm.s32 $0xFFFFFFFF;
	p2 =	slt.u32 s8, $0xFFFFF086  }
0x1c: {  	p1 =	slt.u32 s9, $0xF7A;
	s5 =	simm.s32 @!p2 $0x0  }
0x1d: {  	s5 =	simm.s32 @p1 $0x1;
	p0 =	seq.s32 s7, s2  }
0x1e: {  	s7 =	smul.u32 @!p0 $0xF7A, s2;
	p2 =	seq.s32 @!p0 s5, $0x0  }
0x1f: {  	s9 =	smul.u32 $0xF7A, s1;
	s8 =	simm.s32 @!p0 $0x1BF5;
	p2 =	por !p2, p0  }
0x20: {  	[sflag:s8] =	ssyncset.s32 @!p0 $0xFFFFF086;
	s6 =	sadd.s32 @!p0 s3, s7;
	s7 =	simm.s32 @!p0 $0x108  }
0x21: {  	s3 =	sadd.s32 s3, s9;
	s6 =	sadd.s32 @!p0 $0x88, s6;
	s7 =	simm.s32 @p2 $0x1082  }
0x22: {  	[simem:s7], [sflag:s8] =	dma.local @!p0 [hbm:s6], $0xF7A  }
0x23: {  	s9 =	sor.u32 $0xD0000000, s2;
	s6 =	simm.s32 $0x108;
	_ =	swait.ge @!p0 [sflag:s8], $0x0  }
0x24: {  	s3 =	sadd.s32 $0x88, s3;
	s6 =	simm.s32 @!p1 $0x1082;
	[sflag:s4] =	ssyncset.s32 $0xFFFFF086  }
0x25: {  	[simem:s6], [sflag:s4] =	dma.local [hbm:s3], $0xF7A  }
0x26: {  	[smem:$0x3F7B] =	sst s1;
	(tag) =	ssettag s2;
	_ =	strace s9  }
0x27: {  	s1 =	sld [smem:$0x3F8B]  }
0x28: {  	s2 =	sld [smem:$0x3F8C]  }
0x29: {  	s4 =	sld [smem:$0x3F8E]  }
0x2a: {  	p0 =	seq.s32 s5, $0x0;
	s5 =	sld [smem:$0x3F8F]  }
0x2b: {  	s6 =	sld [smem:$0x3F90]  }
0x2c: {  	s7 =	sld [smem:$0x3F91]  }
0x2d: {  	s3 =	simm.s32 $0x108;
	s8 =	sld [smem:$0x3F92]  }
0x2e: {  	s3 =	simm.s32 @!p0 $0x1082;
	s9 =	sld [smem:$0x3F93]  }
0x2f: {  	lr =	sadd.s32 s0, s3;
	s0 =	sld [smem:$0x3F8A]  }
0x30: {  	s3 =	sld [smem:$0x3F8D]  }
0x31: {  	[smem:$0x3F96] =	sst s10  }
0x32: {  	s10 =	sld [smem:$0x3F94];
	_ =	sdelay $0x3  }
0x33: {  	p0 =	seq.s32 s10, $0x1;
	s10 =	sld [smem:$0x3F96];
	_ =	sdelay $0x3  }
0x34: {  	[smem:$0x3F96] =	sst s10  }
0x35: {  	s10 =	sld [smem:$0x3F95];
	_ =	sdelay $0x3  }
0x36: {  	p1 =	seq.s32 s10, $0x1;
	s10 =	sld [smem:$0x3F96];
	_ =	sdelay $0x3  }
0x37: {  	[smem:$0x3F96] =	sst s10  }
0x38: {  	s10 =	sld [smem:$0x3F97]  }
0x39: {  	_ = 	snop;
	(pc) =	sbr.ind lr, $3  }
0x3a: {  	_ = 	snop  }
0x3b: {  	_ = 	snop  }
0x3c: {  	p2 =	seq.s32 s10, $0x1;
	s10 =	sld [smem:$0x3F96]  }
0x3d: {  	_ =	shalt  }
0x3e: {  	_ =	shalt  }
0x3f: {  	_ =	shalt  }
0x40: {  	_ =	shalt  }
0x41: {  	_ =	shalt  }
0x42: {  	_ =	shalt  }
0x43: {  	_ =	shalt  }
0x44: {  	_ =	shalt  }
0x45: {  	_ =	shalt  }
0x46: {  	_ =	shalt  }
0x47: {  	_ =	shalt  }
0x48: {  	_ =	shalt  }
0x49: {  	_ =	shalt  }
0x4a: {  	_ =	shalt  }
0x4b: {  	_ =	shalt  }
0x4c: {  	_ =	shalt  }
0x4d: {  	_ =	shalt  }
0x4e: {  	_ =	shalt  }
0x4f: {  	_ =	shalt  }
0x50: {  	_ =	shalt  }
0x51: {  	_ =	shalt  }
0x52: {  	_ =	shalt  }
0x53: {  	_ =	shalt  }
0x54: {  	_ =	shalt  }
0x55: {  	_ =	shalt  }
0x56: {  	_ =	shalt  }
0x57: {  	_ =	shalt  }
0x58: {  	_ =	shalt  }
0x59: {  	_ =	shalt  }
0x5a: {  	_ =	shalt  }
0x5b: {  	_ =	shalt  }
0x5c: {  	_ =	shalt  }
0x5d: {  	_ =	shalt  }
0x5e: {  	_ =	shalt  }
0x5f: {  	_ =	shalt  }
0x60: {  	_ =	shalt  }
0x61: {  	_ =	shalt  }
0x62: {  	_ =	shalt  }
0x63: {  	_ =	shalt  }
0x64: {  	_ =	shalt  }
0x65: {  	_ =	shalt  }
0x66: {  	_ =	shalt  }
0x67: {  	_ =	shalt  }
0x68: {  	_ =	shalt  }
0x69: {  	_ =	shalt  }
0x6a: {  	_ =	shalt  }
0x6b: {  	_ =	shalt  }
0x6c: {  	_ =	shalt  }
0x6d: {  	_ =	shalt  }
0x6e: {  	_ =	shalt  }
0x6f: {  	_ =	shalt  }
0x70: {  	_ =	shalt  }
0x71: {  	_ =	shalt  }
0x72: {  	_ =	shalt  }
0x73: {  	_ =	shalt  }
0x74: {  	_ =	shalt  }
0x75: {  	_ =	shalt  }
0x76: {  	_ =	shalt  }
0x77: {  	_ =	shalt  }
0x78: {  	_ =	shalt  }
0x79: {  	_ =	shalt  }
0x7a: {  	_ =	shalt  }
0x7b: {  	_ =	shalt  }
0x7c: {  	_ =	shalt  }
0x7d: {  	_ =	shalt  }
0x7e: {  	_ =	shalt  }
0x7f: {  	_ =	shalt  }
0x80: {  	_ =	shalt  }
0x81: {  	_ =	shalt  }
0x82: {  	_ =	shalt  }
0x83: {  	_ =	shalt  }
0x84: {  	_ =	shalt  }
0x85: {  	_ =	shalt  }
0x86: {  	_ =	shalt  }
0x87: {  	_ =	shalt  }
.Lfunc_end0:
.L_simem_size_0:
called_computation_lowered:
.L_overlay_start_0:
0x88: {  	s2 =	sld [smem:$0x3FD9]  }
0x89: {  	s3 =	sld [smem:$0x3FFE];
	_ =	sdelay $0x1  }
0x8a: {  	s1 =	srdreg.scid  }
0x8b: {  	s0 =	sand.u32 $0x1, s1  }
0x8c: {  	s17 =	sshll.u32 s0, $0xA;
	s2 =	sadd.s32 s3, s2  }
0x8d: {  	s2 =	sadd.s32 s2, s17  }
0x8e: {  	[smem:$0x3FA2] =	sst s2  }
0x8f: {  	_ = 	snop  }
0x90: {  	s2 =	sld [smem:$0x3FC9]  }
0x91: {  	s18 =	sld [smem:$0x3FD0];
	(tm) =	ssettm $0x1  }
0x92: {  	s4 =	sld [smem:$0x3FFB];
	_ =	sdelay $0x3  }
0x93: {  	_ =	strace s4  }
0x94: {  	s4 =	sld [smem:$0x3FFC];
	_ =	sdelay $0x3  }
0x95: {  	_ =	strace s4  }
0x96: {  	s4 =	sld [smem:$0x3FFD];
	_ =	sdelay $0x3  }
0x97: {  	_ =	strace s4  }
0x98: {  	_ =	strace $0x8FFFFFFF  }
0x99: {  	s19 =	sld [smem:$0x3FDB];
	_ =	sdelay $0x1  }
0x9a: {  	s5 =	simm.s32 $_scs_section_size  }
0x9b: {  	s6 =	simm.s32 $_size__tile_overlayer_lowered;
	s7 =	simm.s32 $_tile_overlayer_lowered  }
0x9c: {  	s22 =	simm.s32 $0x1BFF;
	s21 =	sshll.u32 s7, $0x1;
	s4 =	sadd.s32 s5, s19  }
0x9d: {  	s8 =	simm.s32 $0x0;
	s20 =	sshll.u32 s6, $0x1;
	s6 =	sadd.s32 s21, s4  }
0x9e: {  	[timem:s8], [sflag:s22] =	dma.local [hbm:s6], s20  }
0x9f: {  	_ =	swait.ge [sflag:s22], s20  }
0xa0: {  	s5 =	ssub.s32 $0x0, s20;
	[sflag:s22] =	ssyncset.done $0x0  }
0xa1: {  	[sflag:s22] =	ssyncadd.s32 s5;
	_ =	sdelay $0x1  }
0xa2: {  	s23 =	simm.s32 $0x1B8B  }
0xa3: {  	_ =	swait.ge [sflag:s23], $0x1  }
0xa4: {  	[sflag:s23] =	ssyncset.done $0x0  }
0xa5: {  	s25 =	simm.s32 $0x1B8E;
	s24 =	sld [smem:$0x3FFE];
	[sflag:s23] =	ssyncadd.s32 $0xFFFFFFFF  }
0xa6: {  	s26 =	simm.s32 $execute0_lowered;
	[smem:$0x3FD2] =	sst s25  }
0xa7: {  	s6 =	sshll.u32 s26, $0x1;
	_ =	strace $0x80000046;
	[dreg:$0x1] =	wrdreg $0xFFFFFFFF  }
0xa8: {  	s28 =	simm.s32 $_size_execute0_lowered;
	s4 =	sadd.s32 s4, s6;
	[dreg:$0x0] =	wrdreg $0x0  }
0xa9: {  	s6 =	sshll.u32 s28, $0x1;
	[dreg:$0x2] =	wrdreg s4  }
0xaa: {  	[dreg:$0x3] =	wrdreg s6  }
0xab: {  	[dreg:$0x4] =	wrdreg $0xC0  }
0xac: {  	_ =	task [dreg:s8], $0x5FFFF  }
0xad: {  	[dreg:$0x1] =	wrdreg $0xFFFFFFFF  }
0xae: {  	[dreg:$0x0] =	wrdreg $0x60  }
0xaf: {  	[dreg:$0x2] =	wrdreg s2  }
0xb0: {  	[dreg:$0x3] =	wrdreg s24  }
0xb1: {  	[dreg:$0x4] =	wrdreg s18  }
0xb2: {  	[dreg:$0x5] =	wrdreg $0x9  }
0xb3: {  	_ =	task.clear_ibuf [dreg:s8], $0x6FFFF;
	_ =	strace $0x90000046  }
0xb4: {  	s29 =	simm.s32 $0x9;
	_ =	strace $0x80000048  }
0xb5: {  	_ =	swait.ge [sflag:s29], $0x1  }
0xb6: {  	[sflag:s29] =	ssyncadd.s32 $0xFFFFFFFF  }
0xb7: {  	_ =	strace $0x90000048  }
0xb8: {  	_ =	sfence  }
0xb9: {  	s30 =	sld [smem:$0x0];
	_ =	sdelay $0x2  }
0xba: {  	s31 =	sshll.u32 s1, $0xD;
	s1 =	sshrl.u32 s1, $0x2  }
0xbb: {  	s3 =	sand.u32 $0x4000, s31;
	s1 =	sadd.s32 s1, s30  }
0xbc: {  	s0 =	sor.u32 s3, s0;
	s1 =	sshll.u32 s1, $0x11  }
0xbd: {  	s0 =	sor.u32 s1, s0  }
0xbe: {  	s0 =	sadd.s32 $0x8F2B, s0  }
0xbf: {  	[sflag:s0] =	ssyncadd.remote.s32 $0x1  }
0xc0: {  	_ =	sfence.sel $0xFFFF  }
0xc1: {  	[dreg:$0x0] =	wrdreg $0xFFFFFFFF;
	(pc) =	sbr.abs _section_cstart, $3  }
0xc2: {  	[dreg:$0x1] =	wrdreg $0xFFFFFFFF  }
0xc3: {  	_ =	task.clear_ibuf [dreg:s8], $0x2FFFF;
	_ =	strace $0x9FFFFFFF  }
0xc4: {  	(tm) =	ssettm $0x7FFFFFFF  }
0xc5: {  	_ =	shalt  }
tec
execute0_lowered:
.L_overlay_start_1:
0x0: {  	(tag) =	ssettag $0x1  }
0x1: {  	s3 =	rddreg [dreg:$0x0];
	s1 =	srdreg.scid  }
0x2: {  	s5 =	rddreg [dreg:$0x1];
	s0 =	stileid.u32;
	s6 =	sand.u32 $0x1, s1  }
0x3: {  	s7 =	rddreg [dreg:$0x2];
	s4 =	sshll.u32 s0, $0x8;
	s8 =	sshll.u32 s6, $0x7  }
0x4: {  	s2 =	simm.s32 $0x0;
	s1 =	rddreg [dreg:$0x3];
	s8 =	sor.u32 s8, s4  }
0x5: {  	[smem:$0x7FF] =	sst s2;
	s4 =	sshrl.u32 s8, $0x3  }
0x6: {  	_ =	strace $0x80000047;
	s4 =	sadd.s32 s3, s4;
	s3 =	simm.s32 $0x2  }
0x7: {  	[tilespmem:s2], [sflag:$0x2] =	stream.linear.gather [hbm4b:s4+s2], $0x80, $0x38;
	[tilespmem:$0x4080] =	vst v63  }
0x8: {  	_ =	swait.ge [sflag:s3], $0x80  }
0x9: {  	[sflag:s3] =	ssyncset.done $0x0  }
0xa: {  	[sflag:s3] =	ssyncadd.s32 $0xFFFFFF80  }
0xb: {  	v0 =	vld [tilespmem:$0x60]  }
0xc: {  	v2 =	vld [tilespmem:$0x0]  }
0xd: {  	v1 =	vld [tilespmem:$0x10]  }
0xe: {  	v3 =	vld [tilespmem:$0x40]  }
0xf: {  	v5 =	vld [tilespmem:$0x30]  }
0x10: {  	s6 =	ssub.s32 $0x2, s6  }
0x11: {  	s9 =	sshrl.u32 s6, $0x1;
	v4 =	vld [tilespmem:$0x20];
	v6 =	vshrl.u32 v0, $0x1;
	v0 =	vand.u32 $0x7F, v0;
	v9 =	vshrl.u32 v2, $0x1  }
0x12: {  	s6 =	ssub.s32 s6, s9;
	v7 =	vld [tilespmem:$0x50];
	v8 =	vand.u32 $0x7F, v1;
	v6 =	vand.u32 $0x7FFFFF80, v6;
	v9 =	vand.u32 $0x7FFFFF80, v9  }
0x13: {  	s9 =	smax.u32 s6, $0x1;
	v6 =	vor.u32 v0, v6;
	v0 =	vshrl.u32 v1, $0x1;
	v1 =	vand.u32 $0x7F, v2  }
0x14: {  	p0 =	sne.s32 s9, $0x1;
	v10 =	vand.u32 $0x7F, v3;
	v63 =	vand.u32 $0x7F, v5;
	v1 =	vor.u32 v1, v9  }
.Ltmp0:
0x15: {  	v5 =	vshrl.u32 v5, $0x1;
	v3 =	vshrl.u32 v3, $0x1;
	v2 =	vand.u32 $0x7FFFFF80, v0;
	[tilespmem:$0x0] =	vst v1;
	v1 =	vld [tilespmem:$0x70];
	(pc) =	sbr.rel @!p0 .LBB2_2-.Ltmp0, $4  }
0x16: {  	v0 =	vand.u32 $0x7F, v4;
	[tilespmem:$0x60] =	vst v6;
	v4 =	vshrl.u32 v4, $0x1;
	v2 =	vor.u32 v8, v2  }
0x17: {  	s8 =	sshll.u32 s8, $0x4;
	v6 =	vand.u32 $0x7F, v7;
	[tilespmem:$0x10] =	vst v2;
	v2 =	vand.u32 $0x7FFFFF80, v5;
	v5 =	vshrl.u32 v7, $0x1  }
0x18: {  	s6 =	sadd.s32 $0x5600, s5;
	s5 =	sadd.s32 s7, s8;
	v7 =	vand.u32 $0x7FFFFF80, v3;
	v2 =	vor.u32 v63, v2;
	v5 =	vand.u32 $0x7FFFFF80, v5  }
0x19: {  	s7 =	simm.s32 $0x80;
	s8 =	simm.s32 $0x1;
	s9 =	sadd.s32 $0xFFFFFFFF, s9;
	v3 =	vand.u32 $0x7FFFFF80, v4;
	[tilespmem:$0x30] =	vst v2;
	v2 =	vor.u32 v10, v7;
	v4 =	vor.u32 v6, v5  }
.LBB2_1:
0x1a: {  	p0 =	sne.s32 s9, $0x1;
	s9 =	sadd.s32 $0xFFFFFFFF, s9;
	v0 =	vor.u32 v0, v3;
	[tilespmem:$0x50] =	vst v4;
	v3 =	vshrl.u32 v1, $0x1  }
0x1b: {  	v1 =	vand.u32 $0x7F, v1;
	[tilespmem:$0x20] =	vst v0;
	v0 =	vand.u32 $0x7FFFFF80, v3  }
0x1c: {  	[tilespmem:$0x40] =	vst v2;
	v0 =	vor.u32 v1, v0  }
0x1d: {  	[tilespmem:$0x70] =	vst v0  }
0x1e: {  	[tilespmem:s7], [sflag:$0x1] =	stream.indirect.gather [hbm4b:s6+s7], $0x80, s2, s7, $0xb8;
	[tilespmem:$0x4080] =	vst v63  }
0x1f: {  	_ =	swait.ge [sflag:s8], $0x4000  }
0x20: {  	[sflag:s8] =	ssyncset.done $0x0  }
0x21: {  	[sflag:s8] =	ssyncadd.s32 $0xFFFFC000  }
0x22: {  	[hbm4b:s5+s2] =	stream.linear.scatter [tilespmem:s7], [sflag:$0x2], $0x4000, $0x38;
	[tilespmem:$0x4080] =	vst v63  }
0x23: {  	_ =	swait.ge [sflag:s3], $0x4000  }
0x24: {  	[sflag:s3] =	ssyncset.done $0x0  }
0x25: {  	[sflag:s3] =	ssyncadd.s32 $0xFFFFC000  }
0x26: {  	[tilespmem:s2], [sflag:$0x2] =	stream.linear.gather [hbm4b:s4+s2], $0x80, $0x38;
	[tilespmem:$0x4080] =	vst v63  }
0x27: {  	_ =	swait.ge [sflag:s3], $0x80  }
0x28: {  	[sflag:s3] =	ssyncset.done $0x0  }
0x29: {  	[sflag:s3] =	ssyncadd.s32 $0xFFFFFF80  }
0x2a: {  	v0 =	vld [tilespmem:$0x60]  }
0x2b: {  	v2 =	vld [tilespmem:$0x10]  }
0x2c: {  	v3 =	vld [tilespmem:$0x0]  }
0x2d: {  	v4 =	vld [tilespmem:$0x40]  }
0x2e: {  	v5 =	vld [tilespmem:$0x20]  }
0x2f: {  	v6 =	vld [tilespmem:$0x30];
	v1 =	vshrl.u32 v0, $0x1;
	v0 =	vand.u32 $0x7F, v0  }
0x30: {  	v7 =	vand.u32 $0x7F, v2;
	v8 =	vld [tilespmem:$0x50];
	v1 =	vand.u32 $0x7FFFFF80, v1  }
0x31: {  	v9 =	vshrl.u32 v3, $0x1;
	v10 =	vor.u32 v0, v1;
	v1 =	vld [tilespmem:$0x70]  }
0x32: {  	v0 =	vshrl.u32 v2, $0x1;
	v9 =	vand.u32 $0x7FFFFF80, v9;
	v2 =	vand.u32 $0x7F, v4  }
0x33: {  	v3 =	vand.u32 $0x7F, v3;
	v11 =	vand.u32 $0x7FFFFF80, v0;
	v0 =	vand.u32 $0x7F, v5;
	[tilespmem:$0x60] =	vst v10  }
.Ltmp1:
0x34: {  	v3 =	vor.u32 v3, v9;
	v7 =	vor.u32 v7, v11;
	v9 =	vand.u32 $0x7F, v6;
	(pc) =	sbr.rel @p0 .LBB2_1-.Ltmp1, $4  }
0x35: {  	v5 =	vshrl.u32 v5, $0x1;
	v6 =	vshrl.u32 v6, $0x1;
	[tilespmem:$0x10] =	vst v7;
	v7 =	vand.u32 $0x7F, v8  }
0x36: {  	v4 =	vshrl.u32 v4, $0x1;
	[tilespmem:$0x0] =	vst v3;
	v3 =	vand.u32 $0x7FFFFF80, v6;
	v6 =	vshrl.u32 v8, $0x1  }
0x37: {  	v4 =	vand.u32 $0x7FFFFF80, v4;
	v8 =	vor.u32 v9, v3;
	v6 =	vand.u32 $0x7FFFFF80, v6  }
0x38: {  	v2 =	vor.u32 v2, v4;
	v3 =	vand.u32 $0x7FFFFF80, v5;
	[tilespmem:$0x30] =	vst v8;
	v4 =	vor.u32 v7, v6  }
.LBB2_2:
0x39: {  	[tilespmem:$0x50] =	vst v4;
	v61 =	vshrl.u32 v1, $0x1  }
0x3a: {  	v0 =	vor.u32 v0, v3;
	v63 =	vand.u32 $0x7F, v1;
	[tilespmem:$0x40] =	vst v2;
	v62 =	vand.u32 $0x7FFFFF80, v61  }
0x3b: {  	[tilespmem:$0x20] =	vst v0;
	v0 =	vor.u32 v63, v62  }
0x3c: {  	[tilespmem:$0x70] =	vst v0  }
0x3d: {  	[tilespmem:s7], [sflag:$0x1] =	stream.indirect.gather [hbm4b:s6+s7], $0x80, s2, s7, $0xb8;
	[tilespmem:$0x4080] =	vst v63  }
0x3e: {  	_ =	swait.ge [sflag:s8], $0x4000  }
0x3f: {  	[sflag:s8] =	ssyncset.done $0x0  }
0x40: {  	[sflag:s8] =	ssyncadd.s32 $0xFFFFC000  }
0x41: {  	[hbm4b:s5+s2] =	stream.linear.scatter [tilespmem:s7], [sflag:$0x2], $0x4000, $0x38;
	[tilespmem:$0x4080] =	vst v63  }
0x42: {  	_ =	swait.ge [sflag:s3], $0x4000  }
0x43: {  	[sflag:s3] =	ssyncset.done $0x0  }
0x44: {  	[sflag:s3] =	ssyncadd.s32 $0xFFFFC000  }
0x45: {  	_ =	sfence.sel $0x180000  }
0x46: {  	[bflag:$0x0] =	sbarrier.arrive $0xFFFF  }
0x47: {  	p0 =	sne.s32 s0, $0x0;
	_ =	strace $0x90000047  }
0x48: {  	s0 =	sadd.s32 @!p0 $0x100000, s1;
	[bflag:$0x2] =	sbarrier.arrive $0xFFFF  }
0x49: {  	[sflag:s0] =	ssyncadd.tile.s32 @!p0 $0x1;
	_ =	shalt  }
.Lfunc_end2:
_tile_overlayer_lowered:
.L_overlay_start_2:
0x4a: {  	(tag) =	ssettag $0x2  }
0x4b: {  	s0 =	rddreg [dreg:$0x0];
	s2 =	stileid.u32  }
0x4c: {  	s1 =	rddreg [dreg:$0x1];
	p0 =	sne.s32 s2, $0x0  }
0x4d: {  	s3 =	rddreg [dreg:$0x2];
	[bflag:$0x3] =	sbarrier.arrive $0xFFFF;
	s2 =	simm.s32 @!p0 $0x1C02  }
0x4e: {  	[timem:s3], [sflag:s2] =	dma.local @!p0 [hbm:s0], s1  }
0x4f: {  	s0 =	simm.s32 @!p0 $0x2  }
0x50: {  	_ =	swait.ge @!p0 [sflag:s0], s1  }
0x51: {  	s1 =	ssub.s32 @!p0 $0x0, s1;
	[sflag:s0] =	ssyncset.done @!p0 $0x0  }
0x52: {  	[sflag:s0] =	ssyncadd.s32 @!p0 s1  }
0x53: {  	[bflag:$0x3] =	sbarrier.arrive $0xFFFF  }
0x54: {  	_ =	shalt  }

</sc_bundles>
